<compile_context>
chip_gen: v7x
topology: tpu7x:2x2x1
jax: 0.10.2.dev20260603
libtpu: 0.0.44.dev20260713+nightly
codegen_flags: <defaults>
</compile_context>

<pallas_src>
import jax
import jax.numpy as jnp
from jax import lax
from jax.experimental import pallas as pl
from jax.experimental.pallas import tpu as pltpu
from jax.experimental.pallas import tpu_sc as plsc

N_NODES = 10000
N_EDGES = 320000
D = 128

NC = 2
NS = 16
NW = NC * NS
EPW = N_EDGES // NW
CH = 80
NCHUNK = EPW // CH
ROWS_PER_TILE = N_NODES // NS
ZROWS = 25
DEN_STRIDE = 10240


def _prep_body(feat_ref, mask_ref, wt_ref, attn_ref, edge_ref,
               g_ref, en_ref, edge_out_ref):
    hm = feat_ref[...] * mask_ref[...]
    h = jnp.dot(hm, wt_ref[...], preferred_element_type=jnp.float32)
    s = jnp.sum(h * attn_ref[...], axis=1, keepdims=True)
    s = jnp.where(s > 0, s, 0.01 * s)
    en = jnp.exp(s)
    g_ref[...] = h * en
    en_ref[...] = en[:, 0]
    edge_out_ref[pl.ds(0, N_EDGES)] = edge_ref[0]
    edge_out_ref[pl.ds(N_EDGES, N_EDGES)] = edge_ref[1]


def _prep(feat, mask_row, wt, attn_row, edge_index):
    return pl.pallas_call(
        _prep_body,
        out_shape=[
            jax.ShapeDtypeStruct((N_NODES, D), jnp.float32),
            jax.ShapeDtypeStruct((N_NODES,), jnp.float32),
            jax.ShapeDtypeStruct((2 * N_EDGES,), jnp.int32),
        ],
    )(feat, mask_row, wt, attn_row, edge_index)


def _edge_body(edge_hbm, g_hbm, en_hbm, acc_hbm, den_hbm,
               src_v, dst_v, rows_v, zero_v, en_t, den_t, acc_sh,
               sem_v, isem_v, ssem_v):
    c = lax.axis_index("c")
    s = lax.axis_index("s")
    wid = s * NC + c

    base = wid * EPW

    def load_idx(j, q, sem):
        pltpu.async_copy(edge_hbm.at[pl.ds(base + j * CH, CH)], src_v.at[q], sem)
        pltpu.async_copy(edge_hbm.at[pl.ds(N_EDGES + base + j * CH, CH)], dst_v.at[q], sem)

    def wait_idx(j, q, sem):
        pltpu.make_async_copy(edge_hbm.at[pl.ds(base + j * CH, CH)], src_v.at[q], sem).wait()
        pltpu.make_async_copy(edge_hbm.at[pl.ds(N_EDGES + base + j * CH, CH)], dst_v.at[q], sem).wait()

    def start_gather(q, r):
        pltpu.async_copy(g_hbm.at[src_v.at[q]], rows_v.at[r], sem_v.at[r])

    def wait_gather(q, r):
        pltpu.make_async_copy(g_hbm.at[src_v.at[q]], rows_v.at[r], sem_v.at[r]).wait()

    def start_scatter(q, r):
        pltpu.async_copy(rows_v.at[r], acc_sh.at[dst_v.at[q]], ssem_v.at[r], add=True)

    def wait_scatter(q, r):
        pltpu.make_async_copy(rows_v.at[r], acc_sh.at[dst_v.at[q]],
                              ssem_v.at[r]).wait()

    def valu_den(q):
        sbuf, dbuf = src_v.at[q], dst_v.at[q]
        for k in range(CH // 16):
            sv = sbuf[pl.ds(k * 16, 16)]
            dv = dbuf[pl.ds(k * 16, 16)]
            ev = plsc.load_gather(en_t, [sv])
            plsc.addupdate_scatter(den_t, [dv], ev)

    def zloop(t, _):
        i = t // (D // 16)
        k = t % (D // 16)
        zero_v[i, pl.ds(k * 16, 16)] = jnp.zeros((16,), jnp.float32)
        return 0
    lax.fori_loop(0, ZROWS * (D // 16), zloop, 0)

    pltpu.async_copy(en_hbm, en_t, ssem_v.at[1])
    load_idx(0, 0, isem_v.at[0])
    load_idx(1, 1, isem_v.at[1])
    load_idx(2, 2, isem_v.at[2])

    def zcopy_start(j, _):
        pltpu.async_copy(zero_v, acc_sh.at[pl.ds(s * ROWS_PER_TILE + j * ZROWS, ZROWS), :],
                         ssem_v.at[0])
        return 0
    lax.fori_loop(0, ROWS_PER_TILE // ZROWS, zcopy_start, 0)

    def zden(t, _):
        den_t[pl.ds(t * 16, 16)] = jnp.zeros((16,), jnp.float32)
        return 0
    lax.fori_loop(0, N_NODES // 16, zden, 0)

    wait_idx(0, 0, isem_v.at[0])
    start_gather(0, 0)
    wait_idx(1, 1, isem_v.at[1])
    start_gather(1, 1)
    load_idx(3, 3, isem_v.at[3])

    def zcopy_wait(j, _):
        pltpu.make_async_copy(zero_v,
                              acc_sh.at[pl.ds(s * ROWS_PER_TILE + j * ZROWS, ZROWS), :],
                              ssem_v.at[0]).wait()
        return 0
    lax.fori_loop(0, ROWS_PER_TILE // ZROWS, zcopy_wait, 0)
    pltpu.make_async_copy(en_hbm, en_t, ssem_v.at[1]).wait()

    plsc.subcore_barrier()

    wait_gather(0, 0)
    start_scatter(0, 0)
    valu_den(0)

    def group(t, _):
        for k in range(4):
            j = 1 + 4 * t + k
            r = (1 + k) % 2
            q = (1 + k) % 4
            wait_idx(j + 1, (2 + k) % 4, isem_v.at[(2 + k) % 4])
            wait_scatter((q + 3) % 4, 1 - r)
            start_gather((2 + k) % 4, 1 - r)
            load_idx(j + 3, k, isem_v.at[k])
            wait_gather(q, r)
            start_scatter(q, r)
            valu_den(q)
        return 0
    lax.fori_loop(0, 30, group, 0)

    wait_idx(122, 2, isem_v.at[2])
    wait_scatter(0, 0)
    start_gather(2, 0)
    load_idx(124, 0, isem_v.at[0])
    wait_gather(1, 1)
    start_scatter(1, 1)
    valu_den(1)
    wait_idx(123, 3, isem_v.at[3])
    wait_scatter(1, 1)
    start_gather(3, 1)
    wait_gather(2, 0)
    start_scatter(2, 0)
    valu_den(2)
    wait_idx(124, 0, isem_v.at[0])
    wait_scatter(2, 0)
    start_gather(0, 0)
    wait_gather(3, 1)
    start_scatter(3, 1)
    valu_den(3)
    wait_scatter(3, 1)
    wait_gather(0, 0)
    start_scatter(0, 0)
    valu_den(0)
    wait_scatter(0, 0)

    pltpu.sync_copy(den_t, den_hbm.at[pl.ds(wid * DEN_STRIDE, N_NODES)])

    plsc.subcore_barrier()

    pltpu.sync_copy(acc_sh.at[pl.ds(s * ROWS_PER_TILE, ROWS_PER_TILE), :],
                    acc_hbm.at[c, pl.ds(s * ROWS_PER_TILE, ROWS_PER_TILE), :])


def _edge_phase(edge_index, g, en):
    mesh = plsc.VectorSubcoreMesh(core_axis_name="c", subcore_axis_name="s",
                                  num_cores=NC, num_subcores=NS)
    k = pl.kernel(
        _edge_body,
        out_type=[
            jax.ShapeDtypeStruct((NC, N_NODES, D), jnp.float32),
            jax.ShapeDtypeStruct((NW * DEN_STRIDE,), jnp.float32),
        ],
        mesh=mesh,
        scratch_types=[
            pltpu.VMEM((4, CH), jnp.int32),
            pltpu.VMEM((4, CH), jnp.int32),
            pltpu.VMEM((2, CH, D), jnp.float32),
            pltpu.VMEM((ZROWS, D), jnp.float32),
            pltpu.VMEM((N_NODES,), jnp.float32),
            pltpu.VMEM((N_NODES,), jnp.float32),
            pltpu.VMEM_SHARED((N_NODES, D), jnp.float32),
            pltpu.SemaphoreType.DMA((2,)),
            pltpu.SemaphoreType.DMA((4,)),
            pltpu.SemaphoreType.DMA((2,)),
        ],
        compiler_params=pltpu.CompilerParams(use_tc_tiling_on_sc=False,
                                             needs_layout_passes=False),
    )
    return k(edge_index, g, en)


def _final_body(acc_ref, den_ref, out_ref):
    num = acc_ref[0] + acc_ref[1]
    den = jnp.zeros((N_NODES,), jnp.float32)
    for w in range(NW):
        den = den + den_ref[pl.ds(w * DEN_STRIDE, N_NODES)]
    den = den[:, None]
    r = jnp.where(den > 0, num / den, 0.0)
    out_ref[...] = jnp.maximum(r, 0.0)


def _final(acc, den):
    return pl.pallas_call(
        _final_body,
        out_shape=jax.ShapeDtypeStruct((N_NODES, D), jnp.float32),
    )(acc, den)


def kernel(feat, edge_index, biclique_mask, W, attn_param):
    mask_row = biclique_mask.reshape(1, D)
    wt = W.T
    attn_row = attn_param.reshape(1, D)
    g, en, edge1d = _prep(feat, mask_row, wt, attn_row, edge_index)
    acc, den = _edge_phase(edge1d, g, en)
    return _final(acc, den)

# --- scband reference (transcript-rebuilt; emitter-appended) ---
"""Pipeline reference for scband-biclique-attention-layer-17197049053759 (READ-ONLY COPY).

The authoritative reference and input builder live on the scoring server;
editing this copy changes nothing except your own understanding.
"""

import jax, jax.numpy as jnp
import numpy as np

N_NODES = 10000
N_EDGES = 320000
IN_DIM = 128
OUT_DIM = 128


def setup_inputs(seed: int = 0) -> dict:
    key = jax.random.key(seed)
    k1, k2, k3, k4, k5 = jax.random.split(key, 5)
    feat = jax.random.normal(k1, (N_NODES, IN_DIM), dtype=jnp.float32)
    edge_index = jax.random.randint(k2, (2, N_EDGES), 0, N_NODES)
    biclique_mask = jax.random.uniform(k3, (IN_DIM,), dtype=jnp.float32)
    # nn.Linear(in_dim, out_dim, bias=False) weight: [out_dim, in_dim]
    W = jax.random.uniform(k4, (OUT_DIM, IN_DIM), dtype=jnp.float32,
                           minval=-1.0 / np.sqrt(IN_DIM), maxval=1.0 / np.sqrt(IN_DIM))
    # attn_param: [out_dim, 1], xavier_uniform with gain=1.414
    bound = 1.414 * np.sqrt(6.0 / (OUT_DIM + 1))
    attn_param = jax.random.uniform(k5, (OUT_DIM, 1), dtype=jnp.float32,
                                    minval=-bound, maxval=bound)
    return {"feat": feat, "edge_index": edge_index, "biclique_mask": biclique_mask,
            "W": W, "attn_param": attn_param}


def reference(feat, edge_index, biclique_mask, W, attn_param):
    src = edge_index[0]
    dst = edge_index[1]
    # feat_masked = feat * biclique_mask.unsqueeze(0)
    feat_masked = feat * biclique_mask[None, :]
    # h = self.linear(feat_masked)  (no bias)
    h = feat_masked @ W.T
    # per-edge score: leaky_relu((h[src] @ attn_param).squeeze(-1))
    score = jax.nn.leaky_relu((h[src] @ attn_param).squeeze(-1), negative_slope=0.01)
    # edge softmax grouped by destination node (dgl.softmax over dst)
    smax = jax.ops.segment_max(score, dst, num_segments=N_NODES)
    ex = jnp.exp(score - smax[dst])
    denom = jax.ops.segment_sum(ex, dst, num_segments=N_NODES)
    a = ex / denom[dst]
    # update_all: m = h[src] * a ; h_new = sum_m per dst
    m = h[src] * a[:, None]
    h_new = jax.ops.segment_sum(m, dst, num_segments=N_NODES)
    return jax.nn.relu(h_new)

if __name__ == "__main__":
    import jax
    _d = setup_inputs()
    print(jax.jit(kernel)(*tuple(_d.values())))

</pallas_src>

<mosaic_0001>
#map = affine_map<(d0, d1) -> (0)>
#map1 = affine_map<(d0, d1) -> (0, 0)>
#map2 = affine_map<(d0, d1) -> (0, 0, 0)>
module attributes {stable_mosaic.version = 14 : i64} {
  func.func @_edge_body(%arg0: i32, %arg1: i32, %arg2: memref<640000xi32, #tpu.memory_space<hbm>>, %arg3: memref<10000x128xf32, #tpu.memory_space<hbm>>, %arg4: memref<10000xf32, #tpu.memory_space<hbm>>, %arg5: memref<2x10000x128xf32, #tpu.memory_space<hbm>>, %arg6: memref<327680xf32, #tpu.memory_space<hbm>>, %arg7: memref<4x80xi32, #tpu.memory_space<vmem>>, %arg8: memref<4x80xi32, #tpu.memory_space<vmem>>, %arg9: memref<2x80x128xf32, #tpu.memory_space<vmem>>, %arg10: memref<25x128xf32, #tpu.memory_space<vmem>>, %arg11: memref<10000xf32, #tpu.memory_space<vmem>>, %arg12: memref<10000xf32, #tpu.memory_space<vmem>>, %arg13: memref<10000x128xf32, #tpu.memory_space<vmem_shared>>, %arg14: memref<2x!tpu.dma_semaphore, #tpu.memory_space<semaphore_mem>>, %arg15: memref<4x!tpu.dma_semaphore, #tpu.memory_space<semaphore_mem>>, %arg16: memref<2x!tpu.dma_semaphore, #tpu.memory_space<semaphore_mem>>) attributes {dimension_semantics = [#tpu.dimension_semantics<core_parallel>, #tpu.dimension_semantics<subcore_parallel>], iteration_bounds = array<i64: 2, 16>, scalar_prefetch = 0 : i64, scratch_operands = 10 : i64, tpu.core_type = #tpu.core_type<sc_vector_subcore>, window_params = [{transform_indices = #map}, {transform_indices = #map1}, {transform_indices = #map}, {transform_indices = #map2}, {transform_indices = #map}]} {
    %mul3A = arith.constant 2 : i32
    %mul3A_0 = arith.muli %arg1, %mul3A : i32
    %add3A = arith.addi %mul3A_0, %arg0 : i32
    %mul3A_1 = arith.constant 10000 : i32
    %mul3A_2 = arith.muli %add3A, %mul3A_1 : i32
    %scan3A = arith.constant 0 : i32
    %scan3A_3 = arith.constant 0 : i32
    %scan3A_4 = arith.constant 200 : i32
    %scan3A_5 = arith.addi %scan3A_3, %scan3A_4 : i32
    %scan3A_6 = arith.constant 1 : i32
    %scan3A_7 = scf.for %scan3A_971 = %scan3A_3 to %scan3A_5 step %scan3A_6 iter_args(%scan3A_972 = %scan3A) -> (i32)  : i32 {
      %jit3A = arith.constant 8 : i32
      %div3A = arith.divsi %scan3A_971, %jit3A : i32
      %sign3A = arith.constant 0 : i32
      %sign3A_973 = arith.cmpi sgt, %scan3A_971, %sign3A : i32
      %sign3A_974 = arith.extui %sign3A_973 : i1 to i32
      %sign3A_975 = arith.constant 0 : i32
      %sign3A_976 = arith.cmpi slt, %scan3A_971, %sign3A_975 : i32
      %sign3A_977 = arith.extui %sign3A_976 : i1 to i32
      %sign3A_978 = arith.subi %sign3A_974, %sign3A_977 : i32
      %sign3A_979 = arith.constant 0 : i32
      %sign3A_980 = arith.cmpi sgt, %jit3A, %sign3A_979 : i32
      %sign3A_981 = arith.extui %sign3A_980 : i1 to i32
      %sign3A_982 = arith.constant 0 : i32
      %sign3A_983 = arith.cmpi slt, %jit3A, %sign3A_982 : i32
      %sign3A_984 = arith.extui %sign3A_983 : i1 to i32
      %sign3A_985 = arith.subi %sign3A_981, %sign3A_984 : i32
      %ne3A = arith.cmpi ne, %sign3A_978, %sign3A_985 : i32
      %rem3A = arith.remsi %scan3A_971, %jit3A : i32
      %ne3A_986 = arith.constant 0 : i32
      %ne3A_987 = arith.cmpi ne, %rem3A, %ne3A_986 : i32
      %and3A = arith.andi %ne3A, %ne3A_987 : i1
      %sub3A = arith.constant 1 : i32
      %sub3A_988 = arith.subi %div3A, %sub3A : i32
      %select_n3A = arith.select %and3A, %sub3A_988, %div3A : i32
      %jit3A_989 = arith.constant 8 : i32
      %eq3A = arith.constant 0 : i32
      %eq3A_990 = arith.cmpi eq, %jit3A_989, %eq3A : i32
      %jit3A_991 = arith.constant 1 : i32
      %select_n3A_992 = arith.select %eq3A_990, %jit3A_991, %jit3A_989 : i32
      %rem3A_993 = arith.remsi %scan3A_971, %select_n3A_992 : i32
      %ne3A_994 = arith.constant 0 : i32
      %ne3A_995 = arith.cmpi ne, %rem3A_993, %ne3A_994 : i32
      %lt3A = arith.constant 0 : i32
      %lt3A_996 = arith.cmpi slt, %rem3A_993, %lt3A : i32
      %lt3A_997 = arith.constant 0 : i32
      %lt3A_998 = arith.cmpi slt, %select_n3A_992, %lt3A_997 : i32
      %ne3A_999 = arith.xori %lt3A_996, %lt3A_998 : i1
      %and3A_1000 = arith.andi %ne3A_999, %ne3A_995 : i1
      %add3A_1001 = arith.addi %rem3A_993, %select_n3A_992 : i32
      %select_n3A_1002 = arith.select %and3A_1000, %add3A_1001, %rem3A_993 : i32
      %broadcast_in_dim3A = arith.constant 0.000000e+00 : f32
      %broadcast_in_dim3A_1003 = vector.broadcast %broadcast_in_dim3A : f32 to vector<16xf32>
      %mul3A_1004 = arith.constant 16 : i32
      %mul3A_1005 = arith.muli %select_n3A_1002, %mul3A_1004 : i32
      %swap3A = arith.index_cast %select_n3A : i32 to index
      %swap3A_1006 = arith.index_cast %mul3A_1005 : i32 to index
      %swap3A_1007 = tpu.vector_load %arg10[%swap3A, %swap3A_1006] {strides = array<i32>} : memref<25x128xf32, #tpu.memory_space<vmem>>, vector<16xf32>,
      tpu.vector_store %arg10[%swap3A, %swap3A_1006], %broadcast_in_dim3A_1003 {strides = array<i32>} : memref<25x128xf32, #tpu.memory_space<vmem>>, vector<16xf32>,
      %scan3A_1008 = arith.constant 0 : i32
      scf.yield %scan3A_1008 : i32
    }
    %scan3A_8 = arith.constant 200 : i32
    %dma_start3A = arith.constant 1 : i32
    %dma_start3A_9 = tpu.memref_slice %arg16[%dma_start3A] : memref<2x!tpu.dma_semaphore, #tpu.memory_space<semaphore_mem>> -> memref<1x!tpu.dma_semaphore, #tpu.memory_space<semaphore_mem>>
    %dma_start3A_10 = tpu.memref_squeeze %dma_start3A_9 : memref<1x!tpu.dma_semaphore, #tpu.memory_space<semaphore_mem>> -> memref<!tpu.dma_semaphore, #tpu.memory_space<semaphore_mem>>
    tpu.enqueue_dma source(%arg4 : memref<10000xf32, #tpu.memory_space<hbm>>) target(%arg11 : memref<10000xf32, #tpu.memory_space<vmem>>) target_semaphore(%dma_start3A_10 : memref<!tpu.dma_semaphore, #tpu.memory_space<semaphore_mem>>)
    %add3A_11 = arith.constant 0 : i32
    %add3A_12 = arith.addi %mul3A_2, %add3A_11 : i32
    %dma_start3A_13 = arith.constant 0 : i32
    %dma_start3A_14 = arith.constant 0 : i32
    %dma_start3A_15 = arith.constant 0 : i32
    %dma_start3A_16 = tpu.memref_slice %arg7[%dma_start3A_13, %dma_start3A_15] : memref<4x80xi32, #tpu.memory_space<vmem>> -> memref<1x80xi32, #tpu.memory_space<vmem>>
    %dma_start3A_17 = tpu.memref_squeeze %dma_start3A_16 : memref<1x80xi32, #tpu.memory_space<vmem>> -> memref<80xi32, #tpu.memory_space<vmem>>
    %dma_start3A_18 = tpu.memref_slice %arg2[%add3A_12] : memref<640000xi32, #tpu.memory_space<hbm>> -> memref<80xi32, #tpu.memory_space<hbm>>
    %dma_start3A_19 = tpu.memref_slice %arg15[%dma_start3A_14] : memref<4x!tpu.dma_semaphore, #tpu.memory_space<semaphore_mem>> -> memref<1x!tpu.dma_semaphore, #tpu.memory_space<semaphore_mem>>
    %dma_start3A_20 = tpu.memref_squeeze %dma_start3A_19 : memref<1x!tpu.dma_semaphore, #tpu.memory_space<semaphore_mem>> -> memref<!tpu.dma_semaphore, #tpu.memory_space<semaphore_mem>>
    %dma_start3A_21 = arith.constant 0 : i32
    %dma_start3A_22 = tpu.memref_slice %arg7[%dma_start3A_13, %dma_start3A_21] : memref<4x80xi32, #tpu.memory_space<vmem>> -> memref<1x80xi32, #tpu.memory_space<vmem>>
    %dma_start3A_23 = tpu.memref_squeeze %dma_start3A_22 : memref<1x80xi32, #tpu.memory_space<vmem>> -> memref<80xi32, #tpu.memory_space<vmem>>
    %dma_start3A_24 = tpu.memref_slice %arg2[%add3A_12] : memref<640000xi32, #tpu.memory_space<hbm>> -> memref<80xi32, #tpu.memory_space<hbm>>
    tpu.enqueue_dma source(%dma_start3A_24 : memref<80xi32, #tpu.memory_space<hbm>>) target(%dma_start3A_23 : memref<80xi32, #tpu.memory_space<vmem>>) target_semaphore(%dma_start3A_20 : memref<!tpu.dma_semaphore, #tpu.memory_space<semaphore_mem>>)
    %add3A_25 = arith.constant 320000 : i32
    %add3A_26 = arith.addi %add3A_25, %mul3A_2 : i32
    %add3A_27 = arith.constant 0 : i32
    %add3A_28 = arith.addi %add3A_26, %add3A_27 : i32
    %dma_start3A_29 = arith.constant 0 : i32
    %dma_start3A_30 = arith.constant 0 : i32
    %dma_start3A_31 = arith.constant 0 : i32
    %dma_start3A_32 = tpu.memref_slice %arg8[%dma_start3A_29, %dma_start3A_31] : memref<4x80xi32, #tpu.memory_space<vmem>> -> memref<1x80xi32, #tpu.memory_space<vmem>>
    %dma_start3A_33 = tpu.memref_squeeze %dma_start3A_32 : memref<1x80xi32, #tpu.memory_space<vmem>> -> memref<80xi32, #tpu.memory_space<vmem>>
    %dma_start3A_34 = tpu.memref_slice %arg2[%add3A_28] : memref<640000xi32, #tpu.memory_space<hbm>> -> memref<80xi32, #tpu.memory_space<hbm>>
    %dma_start3A_35 = tpu.memref_slice %arg15[%dma_start3A_30] : memref<4x!tpu.dma_semaphore, #tpu.memory_space<semaphore_mem>> -> memref<1x!tpu.dma_semaphore, #tpu.memory_space<semaphore_mem>>
    %dma_start3A_36 = tpu.memref_squeeze %dma_start3A_35 : memref<1x!tpu.dma_semaphore, #tpu.memory_space<semaphore_mem>> -> memref<!tpu.dma_semaphore, #tpu.memory_space<semaphore_mem>>
    %dma_start3A_37 = arith.constant 0 : i32
    %dma_start3A_38 = tpu.memref_slice %arg8[%dma_start3A_29, %dma_start3A_37] : memref<4x80xi32, #tpu.memory_space<vmem>> -> memref<1x80xi32, #tpu.memory_space<vmem>>
    %dma_start3A_39 = tpu.memref_squeeze %dma_start3A_38 : memref<1x80xi32, #tpu.memory_space<vmem>> -> memref<80xi32, #tpu.memory_space<vmem>>
    %dma_start3A_40 = tpu.memref_slice %arg2[%add3A_28] : memref<640000xi32, #tpu.memory_space<hbm>> -> memref<80xi32, #tpu.memory_space<hbm>>
    tpu.enqueue_dma source(%dma_start3A_40 : memref<80xi32, #tpu.memory_space<hbm>>) target(%dma_start3A_39 : memref<80xi32, #tpu.memory_space<vmem>>) target_semaphore(%dma_start3A_36 : memref<!tpu.dma_semaphore, #tpu.memory_space<semaphore_mem>>)
    %add3A_41 = arith.constant 80 : i32
    %add3A_42 = arith.addi %mul3A_2, %add3A_41 : i32
    %dma_start3A_43 = arith.constant 1 : i32
    %dma_start3A_44 = arith.constant 1 : i32
    %dma_start3A_45 = arith.constant 0 : i32
    %dma_start3A_46 = tpu.memref_slice %arg7[%dma_start3A_43, %dma_start3A_45] : memref<4x80xi32, #tpu.memory_space<vmem>> -> memref<1x80xi32, #tpu.memory_space<vmem>>
    %dma_start3A_47 = tpu.memref_squeeze %dma_start3A_46 : memref<1x80xi32, #tpu.memory_space<vmem>> -> memref<80xi32, #tpu.memory_space<vmem>>
    %dma_start3A_48 = tpu.memref_slice %arg2[%add3A_42] : memref<640000xi32, #tpu.memory_space<hbm>> -> memref<80xi32, #tpu.memory_space<hbm>>
    %dma_start3A_49 = tpu.memref_slice %arg15[%dma_start3A_44] : memref<4x!tpu.dma_semaphore, #tpu.memory_space<semaphore_mem>> -> memref<1x!tpu.dma_semaphore, #tpu.memory_space<semaphore_mem>>
    %dma_start3A_50 = tpu.memref_squeeze %dma_start3A_49 : memref<1x!tpu.dma_semaphore, #tpu.memory_space<semaphore_mem>> -> memref<!tpu.dma_semaphore, #tpu.memory_space<semaphore_mem>>
    %dma_start3A_51 = arith.constant 0 : i32
    %dma_start3A_52 = tpu.memref_slice %arg7[%dma_start3A_43, %dma_start3A_51] : memref<4x80xi32, #tpu.memory_space<vmem>> -> memref<1x80xi32, #tpu.memory_space<vmem>>
    %dma_start3A_53 = tpu.memref_squeeze %dma_start3A_52 : memref<1x80xi32, #tpu.memory_space<vmem>> -> memref<80xi32, #tpu.memory_space<vmem>>
    %dma_start3A_54 = tpu.memref_slice %arg2[%add3A_42] : memref<640000xi32, #tpu.memory_space<hbm>> -> memref<80xi32, #tpu.memory_space<hbm>>
    tpu.enqueue_dma source(%dma_start3A_54 : memref<80xi32, #tpu.memory_space<hbm>>) target(%dma_start3A_53 : memref<80xi32, #tpu.memory_space<vmem>>) target_semaphore(%dma_start3A_50 : memref<!tpu.dma_semaphore, #tpu.memory_space<semaphore_mem>>)
    %add3A_55 = arith.constant 320000 : i32
    %add3A_56 = arith.addi %add3A_55, %mul3A_2 : i32
    %add3A_57 = arith.constant 80 : i32
    %add3A_58 = arith.addi %add3A_56, %add3A_57 : i32
    %dma_start3A_59 = arith.constant 1 : i32
    %dma_start3A_60 = arith.constant 1 : i32
    %dma_start3A_61 = arith.constant 0 : i32
    %dma_start3A_62 = tpu.memref_slice %arg8[%dma_start3A_59, %dma_start3A_61] : memref<4x80xi32, #tpu.memory_space<vmem>> -> memref<1x80xi32, #tpu.memory_space<vmem>>
    %dma_start3A_63 = tpu.memref_squeeze %dma_start3A_62 : memref<1x80xi32, #tpu.memory_space<vmem>> -> memref<80xi32, #tpu.memory_space<vmem>>
    %dma_start3A_64 = tpu.memref_slice %arg2[%add3A_58] : memref<640000xi32, #tpu.memory_space<hbm>> -> memref<80xi32, #tpu.memory_space<hbm>>
    %dma_start3A_65 = tpu.memref_slice %arg15[%dma_start3A_60] : memref<4x!tpu.dma_semaphore, #tpu.memory_space<semaphore_mem>> -> memref<1x!tpu.dma_semaphore, #tpu.memory_space<semaphore_mem>>
    %dma_start3A_66 = tpu.memref_squeeze %dma_start3A_65 : memref<1x!tpu.dma_semaphore, #tpu.memory_space<semaphore_mem>> -> memref<!tpu.dma_semaphore, #tpu.memory_space<semaphore_mem>>
    %dma_start3A_67 = arith.constant 0 : i32
    %dma_start3A_68 = tpu.memref_slice %arg8[%dma_start3A_59, %dma_start3A_67] : memref<4x80xi32, #tpu.memory_space<vmem>> -> memref<1x80xi32, #tpu.memory_space<vmem>>
    %dma_start3A_69 = tpu.memref_squeeze %dma_start3A_68 : memref<1x80xi32, #tpu.memory_space<vmem>> -> memref<80xi32, #tpu.memory_space<vmem>>
    %dma_start3A_70 = tpu.memref_slice %arg2[%add3A_58] : memref<640000xi32, #tpu.memory_space<hbm>> -> memref<80xi32, #tpu.memory_space<hbm>>
    tpu.enqueue_dma source(%dma_start3A_70 : memref<80xi32, #tpu.memory_space<hbm>>) target(%dma_start3A_69 : memref<80xi32, #tpu.memory_space<vmem>>) target_semaphore(%dma_start3A_66 : memref<!tpu.dma_semaphore, #tpu.memory_space<semaphore_mem>>)
    %add3A_71 = arith.constant 160 : i32
    %add3A_72 = arith.addi %mul3A_2, %add3A_71 : i32
    %dma_start3A_73 = arith.constant 2 : i32
    %dma_start3A_74 = arith.constant 2 : i32
    %dma_start3A_75 = arith.constant 0 : i32
    %dma_start3A_76 = tpu.memref_slice %arg7[%dma_start3A_73, %dma_start3A_75] : memref<4x80xi32, #tpu.memory_space<vmem>> -> memref<1x80xi32, #tpu.memory_space<vmem>>
    %dma_start3A_77 = tpu.memref_squeeze %dma_start3A_76 : memref<1x80xi32, #tpu.memory_space<vmem>> -> memref<80xi32, #tpu.memory_space<vmem>>
    %dma_start3A_78 = tpu.memref_slice %arg2[%add3A_72] : memref<640000xi32, #tpu.memory_space<hbm>> -> memref<80xi32, #tpu.memory_space<hbm>>
    %dma_start3A_79 = tpu.memref_slice %arg15[%dma_start3A_74] : memref<4x!tpu.dma_semaphore, #tpu.memory_space<semaphore_mem>> -> memref<1x!tpu.dma_semaphore, #tpu.memory_space<semaphore_mem>>
    %dma_start3A_80 = tpu.memref_squeeze %dma_start3A_79 : memref<1x!tpu.dma_semaphore, #tpu.memory_space<semaphore_mem>> -> memref<!tpu.dma_semaphore, #tpu.memory_space<semaphore_mem>>
    %dma_start3A_81 = arith.constant 0 : i32
    %dma_start3A_82 = tpu.memref_slice %arg7[%dma_start3A_73, %dma_start3A_81] : memref<4x80xi32, #tpu.memory_space<vmem>> -> memref<1x80xi32, #tpu.memory_space<vmem>>
    %dma_start3A_83 = tpu.memref_squeeze %dma_start3A_82 : memref<1x80xi32, #tpu.memory_space<vmem>> -> memref<80xi32, #tpu.memory_space<vmem>>
    %dma_start3A_84 = tpu.memref_slice %arg2[%add3A_72] : memref<640000xi32, #tpu.memory_space<hbm>> -> memref<80xi32, #tpu.memory_space<hbm>>
    tpu.enqueue_dma source(%dma_start3A_84 : memref<80xi32, #tpu.memory_space<hbm>>) target(%dma_start3A_83 : memref<80xi32, #tpu.memory_space<vmem>>) target_semaphore(%dma_start3A_80 : memref<!tpu.dma_semaphore, #tpu.memory_space<semaphore_mem>>)
    %add3A_85 = arith.constant 320000 : i32
    %add3A_86 = arith.addi %add3A_85, %mul3A_2 : i32
    %add3A_87 = arith.constant 160 : i32
    %add3A_88 = arith.addi %add3A_86, %add3A_87 : i32
    %dma_start3A_89 = arith.constant 2 : i32
    %dma_start3A_90 = arith.constant 2 : i32
    %dma_start3A_91 = arith.constant 0 : i32
    %dma_start3A_92 = tpu.memref_slice %arg8[%dma_start3A_89, %dma_start3A_91] : memref<4x80xi32, #tpu.memory_space<vmem>> -> memref<1x80xi32, #tpu.memory_space<vmem>>
    %dma_start3A_93 = tpu.memref_squeeze %dma_start3A_92 : memref<1x80xi32, #tpu.memory_space<vmem>> -> memref<80xi32, #tpu.memory_space<vmem>>
    %dma_start3A_94 = tpu.memref_slice %arg2[%add3A_88] : memref<640000xi32, #tpu.memory_space<hbm>> -> memref<80xi32, #tpu.memory_space<hbm>>
    %dma_start3A_95 = tpu.memref_slice %arg15[%dma_start3A_90] : memref<4x!tpu.dma_semaphore, #tpu.memory_space<semaphore_mem>> -> memref<1x!tpu.dma_semaphore, #tpu.memory_space<semaphore_mem>>
    %dma_start3A_96 = tpu.memref_squeeze %dma_start3A_95 : memref<1x!tpu.dma_semaphore, #tpu.memory_space<semaphore_mem>> -> memref<!tpu.dma_semaphore, #tpu.memory_space<semaphore_mem>>
    %dma_start3A_97 = arith.constant 0 : i32
    %dma_start3A_98 = tpu.memref_slice %arg8[%dma_start3A_89, %dma_start3A_97] : memref<4x80xi32, #tpu.memory_space<vmem>> -> memref<1x80xi32, #tpu.memory_space<vmem>>
    %dma_start3A_99 = tpu.memref_squeeze %dma_start3A_98 : memref<1x80xi32, #tpu.memory_space<vmem>> -> memref<80xi32, #tpu.memory_space<vmem>>
    %dma_start3A_100 = tpu.memref_slice %arg2[%add3A_88] : memref<640000xi32, #tpu.memory_space<hbm>> -> memref<80xi32, #tpu.memory_space<hbm>>
    tpu.enqueue_dma source(%dma_start3A_100 : memref<80xi32, #tpu.memory_space<hbm>>) target(%dma_start3A_99 : memref<80xi32, #tpu.memory_space<vmem>>) target_semaphore(%dma_start3A_96 : memref<!tpu.dma_semaphore, #tpu.memory_space<semaphore_mem>>)
    %scan3A_101 = arith.constant 0 : i32
    %scan3A_102 = arith.constant 0 : i32
    %scan3A_103 = arith.constant 25 : i32
    %scan3A_104 = arith.addi %scan3A_102, %scan3A_103 : i32
    %scan3A_105 = arith.constant 1 : i32
    %scan3A_106 = scf.for %scan3A_971 = %scan3A_102 to %scan3A_104 step %scan3A_105 iter_args(%scan3A_972 = %scan3A_101) -> (i32)  : i32 {
      %mul3A_973 = arith.constant 625 : i32
      %mul3A_974 = arith.muli %arg1, %mul3A_973 : i32
      %mul3A_975 = arith.constant 25 : i32
      %mul3A_976 = arith.muli %scan3A_971, %mul3A_975 : i32
      %add3A_977 = arith.addi %mul3A_974, %mul3A_976 : i32
      %dma_start3A_978 = arith.constant 0 : i32
      %dma_start3A_979 = arith.constant 0 : i32
      %dma_start3A_980 = tpu.memref_slice %arg13[%add3A_977, %dma_start3A_979] : memref<10000x128xf32, #tpu.memory_space<vmem_shared>> -> memref<25x128xf32, #tpu.memory_space<vmem_shared>>
      %dma_start3A_981 = tpu.memref_slice %arg16[%dma_start3A_978] : memref<2x!tpu.dma_semaphore, #tpu.memory_space<semaphore_mem>> -> memref<1x!tpu.dma_semaphore, #tpu.memory_space<semaphore_mem>>
      %dma_start3A_982 = tpu.memref_squeeze %dma_start3A_981 : memref<1x!tpu.dma_semaphore, #tpu.memory_space<semaphore_mem>> -> memref<!tpu.dma_semaphore, #tpu.memory_space<semaphore_mem>>
      %dma_start3A_983 = arith.constant 0 : i32
      %dma_start3A_984 = tpu.memref_slice %arg13[%add3A_977, %dma_start3A_983] : memref<10000x128xf32, #tpu.memory_space<vmem_shared>> -> memref<25x128xf32, #tpu.memory_space<vmem_shared>>
      tpu.enqueue_dma source(%arg10 : memref<25x128xf32, #tpu.memory_space<vmem>>) target(%dma_start3A_984 : memref<25x128xf32, #tpu.memory_space<vmem_shared>>) target_semaphore(%dma_start3A_982 : memref<!tpu.dma_semaphore, #tpu.memory_space<semaphore_mem>>)
      %scan3A_985 = arith.constant 0 : i32
      scf.yield %scan3A_985 : i32
    }
    %scan3A_107 = arith.constant 25 : i32
    %scan3A_108 = arith.constant 0 : i32
    %scan3A_109 = arith.constant 0 : i32
    %scan3A_110 = arith.constant 625 : i32
    %scan3A_111 = arith.addi %scan3A_109, %scan3A_110 : i32
    %scan3A_112 = arith.constant 1 : i32
    %scan3A_113 = scf.for %scan3A_971 = %scan3A_109 to %scan3A_111 step %scan3A_112 iter_args(%scan3A_972 = %scan3A_108) -> (i32)  : i32 {
      %broadcast_in_dim3A = arith.constant 0.000000e+00 : f32
      %broadcast_in_dim3A_973 = vector.broadcast %broadcast_in_dim3A : f32 to vector<16xf32>
      %mul3A_974 = arith.constant 16 : i32
      %mul3A_975 = arith.muli %scan3A_971, %mul3A_974 : i32
      %swap3A = arith.index_cast %mul3A_975 : i32 to index
      %swap3A_976 = tpu.vector_load %arg12[%swap3A] {strides = array<i32>} : memref<10000xf32, #tpu.memory_space<vmem>>, vector<16xf32>,
      tpu.vector_store %arg12[%swap3A], %broadcast_in_dim3A_973 {strides = array<i32>} : memref<10000xf32, #tpu.memory_space<vmem>>, vector<16xf32>,
      %scan3A_977 = arith.constant 0 : i32
      scf.yield %scan3A_977 : i32
    }
    %scan3A_114 = arith.constant 625 : i32
    %add3A_115 = arith.constant 0 : i32
    %add3A_116 = arith.addi %mul3A_2, %add3A_115 : i32
    %dma_wait3A = arith.constant 0 : i32
    %dma_wait3A_117 = arith.constant 0 : i32
    %dma_wait3A_118 = arith.constant 0 : i32
    %dma_wait3A_119 = tpu.memref_slice %arg7[%dma_wait3A, %dma_wait3A_118] : memref<4x80xi32, #tpu.memory_space<vmem>> -> memref<1x80xi32, #tpu.memory_space<vmem>>
    %dma_wait3A_120 = tpu.memref_squeeze %dma_wait3A_119 : memref<1x80xi32, #tpu.memory_space<vmem>> -> memref<80xi32, #tpu.memory_space<vmem>>
    %dma_wait3A_121 = tpu.memref_slice %arg2[%add3A_116] : memref<640000xi32, #tpu.memory_space<hbm>> -> memref<80xi32, #tpu.memory_space<hbm>>
    %dma_wait3A_122 = tpu.memref_slice %arg15[%dma_wait3A_117] : memref<4x!tpu.dma_semaphore, #tpu.memory_space<semaphore_mem>> -> memref<1x!tpu.dma_semaphore, #tpu.memory_space<semaphore_mem>>
    %dma_wait3A_123 = tpu.memref_squeeze %dma_wait3A_122 : memref<1x!tpu.dma_semaphore, #tpu.memory_space<semaphore_mem>> -> memref<!tpu.dma_semaphore, #tpu.memory_space<semaphore_mem>>
    %dma_wait3A_124 = arith.constant 0 : i32
    %dma_wait3A_125 = tpu.memref_slice %arg7[%dma_wait3A, %dma_wait3A_124] : memref<4x80xi32, #tpu.memory_space<vmem>> -> memref<1x80xi32, #tpu.memory_space<vmem>>
    %dma_wait3A_126 = tpu.memref_squeeze %dma_wait3A_125 : memref<1x80xi32, #tpu.memory_space<vmem>> -> memref<80xi32, #tpu.memory_space<vmem>>
    %dma_wait3A_127 = tpu.memref_slice %arg2[%add3A_116] : memref<640000xi32, #tpu.memory_space<hbm>> -> memref<80xi32, #tpu.memory_space<hbm>>
    tpu.wait_dma2 semaphore(%dma_wait3A_123 : memref<!tpu.dma_semaphore, #tpu.memory_space<semaphore_mem>>) src(%dma_wait3A_127 : memref<80xi32, #tpu.memory_space<hbm>>) dst(%dma_wait3A_126 : memref<80xi32, #tpu.memory_space<vmem>>)
    %add3A_128 = arith.constant 320000 : i32
    %add3A_129 = arith.addi %add3A_128, %mul3A_2 : i32
    %add3A_130 = arith.constant 0 : i32
    %add3A_131 = arith.addi %add3A_129, %add3A_130 : i32
    %dma_wait3A_132 = arith.constant 0 : i32
    %dma_wait3A_133 = arith.constant 0 : i32
    %dma_wait3A_134 = arith.constant 0 : i32
    %dma_wait3A_135 = tpu.memref_slice %arg8[%dma_wait3A_132, %dma_wait3A_134] : memref<4x80xi32, #tpu.memory_space<vmem>> -> memref<1x80xi32, #tpu.memory_space<vmem>>
    %dma_wait3A_136 = tpu.memref_squeeze %dma_wait3A_135 : memref<1x80xi32, #tpu.memory_space<vmem>> -> memref<80xi32, #tpu.memory_space<vmem>>
    %dma_wait3A_137 = tpu.memref_slice %arg2[%add3A_131] : memref<640000xi32, #tpu.memory_space<hbm>> -> memref<80xi32, #tpu.memory_space<hbm>>
    %dma_wait3A_138 = tpu.memref_slice %arg15[%dma_wait3A_133] : memref<4x!tpu.dma_semaphore, #tpu.memory_space<semaphore_mem>> -> memref<1x!tpu.dma_semaphore, #tpu.memory_space<semaphore_mem>>
    %dma_wait3A_139 = tpu.memref_squeeze %dma_wait3A_138 : memref<1x!tpu.dma_semaphore, #tpu.memory_space<semaphore_mem>> -> memref<!tpu.dma_semaphore, #tpu.memory_space<semaphore_mem>>
    %dma_wait3A_140 = arith.constant 0 : i32
    %dma_wait3A_141 = tpu.memref_slice %arg8[%dma_wait3A_132, %dma_wait3A_140] : memref<4x80xi32, #tpu.memory_space<vmem>> -> memref<1x80xi32, #tpu.memory_space<vmem>>
    %dma_wait3A_142 = tpu.memref_squeeze %dma_wait3A_141 : memref<1x80xi32, #tpu.memory_space<vmem>> -> memref<80xi32, #tpu.memory_space<vmem>>
    %dma_wait3A_143 = tpu.memref_slice %arg2[%add3A_131] : memref<640000xi32, #tpu.memory_space<hbm>> -> memref<80xi32, #tpu.memory_space<hbm>>
    tpu.wait_dma2 semaphore(%dma_wait3A_139 : memref<!tpu.dma_semaphore, #tpu.memory_space<semaphore_mem>>) src(%dma_wait3A_143 : memref<80xi32, #tpu.memory_space<hbm>>) dst(%dma_wait3A_142 : memref<80xi32, #tpu.memory_space<vmem>>)
    %dma_start3A_144 = arith.constant 0 : i32
    %dma_start3A_145 = arith.constant 0 : i32
    %dma_start3A_146 = arith.constant 0 : i32
    %dma_start3A_147 = arith.constant 0 : i32
    %dma_start3A_148 = arith.constant 0 : i32
    %dma_start3A_149 = tpu.memref_slice %arg9[%dma_start3A_145, %dma_start3A_147, %dma_start3A_148] : memref<2x80x128xf32, #tpu.memory_space<vmem>> -> memref<1x80x128xf32, #tpu.memory_space<vmem>>
    %dma_start3A_150 = tpu.memref_squeeze %dma_start3A_149 : memref<1x80x128xf32, #tpu.memory_space<vmem>> -> memref<80x128xf32, #tpu.memory_space<vmem>>
    %dma_start3A_151 = arith.constant 0 : i32
    %dma_start3A_152 = tpu.memref_slice %arg7[%dma_start3A_144, %dma_start3A_151] : memref<4x80xi32, #tpu.memory_space<vmem>> -> memref<1x80xi32, #tpu.memory_space<vmem>>
    %dma_start3A_153 = tpu.memref_squeeze %dma_start3A_152 : memref<1x80xi32, #tpu.memory_space<vmem>> -> memref<80xi32, #tpu.memory_space<vmem>>
    %dma_start3A_154 = arith.constant 0 : i32
    %dma_start3A_155 = arith.constant 0 : i32
    %dma_start3A_156 = tpu.memref_slice %arg3[%dma_start3A_154, %dma_start3A_155] : memref<10000x128xf32, #tpu.memory_space<hbm>> -> memref<10000x128xf32, #tpu.memory_space<hbm>>
    %dma_start3A_157 = tpu.memref_slice %arg14[%dma_start3A_146] : memref<2x!tpu.dma_semaphore, #tpu.memory_space<semaphore_mem>> -> memref<1x!tpu.dma_semaphore, #tpu.memory_space<semaphore_mem>>
    %dma_start3A_158 = tpu.memref_squeeze %dma_start3A_157 : memref<1x!tpu.dma_semaphore, #tpu.memory_space<semaphore_mem>> -> memref<!tpu.dma_semaphore, #tpu.memory_space<semaphore_mem>>
    tpu.enqueue_indirect_dma source(%dma_start3A_156 : memref<10000x128xf32, #tpu.memory_space<hbm>>) target(%dma_start3A_150 : memref<80x128xf32, #tpu.memory_space<vmem>>) offsets(%dma_start3A_153 : memref<80xi32, #tpu.memory_space<vmem>>) semaphore(%dma_start3A_158 : memref<!tpu.dma_semaphore, #tpu.memory_space<semaphore_mem>>)
    %add3A_159 = arith.constant 80 : i32
    %add3A_160 = arith.addi %mul3A_2, %add3A_159 : i32
    %dma_wait3A_161 = arith.constant 1 : i32
    %dma_wait3A_162 = arith.constant 1 : i32
    %dma_wait3A_163 = arith.constant 0 : i32
    %dma_wait3A_164 = tpu.memref_slice %arg7[%dma_wait3A_161, %dma_wait3A_163] : memref<4x80xi32, #tpu.memory_space<vmem>> -> memref<1x80xi32, #tpu.memory_space<vmem>>
    %dma_wait3A_165 = tpu.memref_squeeze %dma_wait3A_164 : memref<1x80xi32, #tpu.memory_space<vmem>> -> memref<80xi32, #tpu.memory_space<vmem>>
    %dma_wait3A_166 = tpu.memref_slice %arg2[%add3A_160] : memref<640000xi32, #tpu.memory_space<hbm>> -> memref<80xi32, #tpu.memory_space<hbm>>
    %dma_wait3A_167 = tpu.memref_slice %arg15[%dma_wait3A_162] : memref<4x!tpu.dma_semaphore, #tpu.memory_space<semaphore_mem>> -> memref<1x!tpu.dma_semaphore, #tpu.memory_space<semaphore_mem>>
    %dma_wait3A_168 = tpu.memref_squeeze %dma_wait3A_167 : memref<1x!tpu.dma_semaphore, #tpu.memory_space<semaphore_mem>> -> memref<!tpu.dma_semaphore, #tpu.memory_space<semaphore_mem>>
    %dma_wait3A_169 = arith.constant 0 : i32
    %dma_wait3A_170 = tpu.memref_slice %arg7[%dma_wait3A_161, %dma_wait3A_169] : memref<4x80xi32, #tpu.memory_space<vmem>> -> memref<1x80xi32, #tpu.memory_space<vmem>>
    %dma_wait3A_171 = tpu.memref_squeeze %dma_wait3A_170 : memref<1x80xi32, #tpu.memory_space<vmem>> -> memref<80xi32, #tpu.memory_space<vmem>>
    %dma_wait3A_172 = tpu.memref_slice %arg2[%add3A_160] : memref<640000xi32, #tpu.memory_space<hbm>> -> memref<80xi32, #tpu.memory_space<hbm>>
    tpu.wait_dma2 semaphore(%dma_wait3A_168 : memref<!tpu.dma_semaphore, #tpu.memory_space<semaphore_mem>>) src(%dma_wait3A_172 : memref<80xi32, #tpu.memory_space<hbm>>) dst(%dma_wait3A_171 : memref<80xi32, #tpu.memory_space<vmem>>)
    %add3A_173 = arith.constant 320000 : i32
    %add3A_174 = arith.addi %add3A_173, %mul3A_2 : i32
    %add3A_175 = arith.constant 80 : i32
    %add3A_176 = arith.addi %add3A_174, %add3A_175 : i32
    %dma_wait3A_177 = arith.constant 1 : i32
    %dma_wait3A_178 = arith.constant 1 : i32
    %dma_wait3A_179 = arith.constant 0 : i32
    %dma_wait3A_180 = tpu.memref_slice %arg8[%dma_wait3A_177, %dma_wait3A_179] : memref<4x80xi32, #tpu.memory_space<vmem>> -> memref<1x80xi32, #tpu.memory_space<vmem>>
    %dma_wait3A_181 = tpu.memref_squeeze %dma_wait3A_180 : memref<1x80xi32, #tpu.memory_space<vmem>> -> memref<80xi32, #tpu.memory_space<vmem>>
    %dma_wait3A_182 = tpu.memref_slice %arg2[%add3A_176] : memref<640000xi32, #tpu.memory_space<hbm>> -> memref<80xi32, #tpu.memory_space<hbm>>
    %dma_wait3A_183 = tpu.memref_slice %arg15[%dma_wait3A_178] : memref<4x!tpu.dma_semaphore, #tpu.memory_space<semaphore_mem>> -> memref<1x!tpu.dma_semaphore, #tpu.memory_space<semaphore_mem>>
    %dma_wait3A_184 = tpu.memref_squeeze %dma_wait3A_183 : memref<1x!tpu.dma_semaphore, #tpu.memory_space<semaphore_mem>> -> memref<!tpu.dma_semaphore, #tpu.memory_space<semaphore_mem>>
    %dma_wait3A_185 = arith.constant 0 : i32
    %dma_wait3A_186 = tpu.memref_slice %arg8[%dma_wait3A_177, %dma_wait3A_185] : memref<4x80xi32, #tpu.memory_space<vmem>> -> memref<1x80xi32, #tpu.memory_space<vmem>>
    %dma_wait3A_187 = tpu.memref_squeeze %dma_wait3A_186 : memref<1x80xi32, #tpu.memory_space<vmem>> -> memref<80xi32, #tpu.memory_space<vmem>>
    %dma_wait3A_188 = tpu.memref_slice %arg2[%add3A_176] : memref<640000xi32, #tpu.memory_space<hbm>> -> memref<80xi32, #tpu.memory_space<hbm>>
    tpu.wait_dma2 semaphore(%dma_wait3A_184 : memref<!tpu.dma_semaphore, #tpu.memory_space<semaphore_mem>>) src(%dma_wait3A_188 : memref<80xi32, #tpu.memory_space<hbm>>) dst(%dma_wait3A_187 : memref<80xi32, #tpu.memory_space<vmem>>)
    %dma_start3A_189 = arith.constant 1 : i32
    %dma_start3A_190 = arith.constant 1 : i32
    %dma_start3A_191 = arith.constant 1 : i32
    %dma_start3A_192 = arith.constant 0 : i32
    %dma_start3A_193 = arith.constant 0 : i32
    %dma_start3A_194 = tpu.memref_slice %arg9[%dma_start3A_190, %dma_start3A_192, %dma_start3A_193] : memref<2x80x128xf32, #tpu.memory_space<vmem>> -> memref<1x80x128xf32, #tpu.memory_space<vmem>>
    %dma_start3A_195 = tpu.memref_squeeze %dma_start3A_194 : memref<1x80x128xf32, #tpu.memory_space<vmem>> -> memref<80x128xf32, #tpu.memory_space<vmem>>
    %dma_start3A_196 = arith.constant 0 : i32
    %dma_start3A_197 = tpu.memref_slice %arg7[%dma_start3A_189, %dma_start3A_196] : memref<4x80xi32, #tpu.memory_space<vmem>> -> memref<1x80xi32, #tpu.memory_space<vmem>>
    %dma_start3A_198 = tpu.memref_squeeze %dma_start3A_197 : memref<1x80xi32, #tpu.memory_space<vmem>> -> memref<80xi32, #tpu.memory_space<vmem>>
    %dma_start3A_199 = arith.constant 0 : i32
    %dma_start3A_200 = arith.constant 0 : i32
    %dma_start3A_201 = tpu.memref_slice %arg3[%dma_start3A_199, %dma_start3A_200] : memref<10000x128xf32, #tpu.memory_space<hbm>> -> memref<10000x128xf32, #tpu.memory_space<hbm>>
    %dma_start3A_202 = tpu.memref_slice %arg14[%dma_start3A_191] : memref<2x!tpu.dma_semaphore, #tpu.memory_space<semaphore_mem>> -> memref<1x!tpu.dma_semaphore, #tpu.memory_space<semaphore_mem>>
    %dma_start3A_203 = tpu.memref_squeeze %dma_start3A_202 : memref<1x!tpu.dma_semaphore, #tpu.memory_space<semaphore_mem>> -> memref<!tpu.dma_semaphore, #tpu.memory_space<semaphore_mem>>
    tpu.enqueue_indirect_dma source(%dma_start3A_201 : memref<10000x128xf32, #tpu.memory_space<hbm>>) target(%dma_start3A_195 : memref<80x128xf32, #tpu.memory_space<vmem>>) offsets(%dma_start3A_198 : memref<80xi32, #tpu.memory_space<vmem>>) semaphore(%dma_start3A_203 : memref<!tpu.dma_semaphore, #tpu.memory_space<semaphore_mem>>)
    %add3A_204 = arith.constant 240 : i32
    %add3A_205 = arith.addi %mul3A_2, %add3A_204 : i32
    %dma_start3A_206 = arith.constant 3 : i32
    %dma_start3A_207 = arith.constant 3 : i32
    %dma_start3A_208 = arith.constant 0 : i32
    %dma_start3A_209 = tpu.memref_slice %arg7[%dma_start3A_206, %dma_start3A_208] : memref<4x80xi32, #tpu.memory_space<vmem>> -> memref<1x80xi32, #tpu.memory_space<vmem>>
    %dma_start3A_210 = tpu.memref_squeeze %dma_start3A_209 : memref<1x80xi32, #tpu.memory_space<vmem>> -> memref<80xi32, #tpu.memory_space<vmem>>
    %dma_start3A_211 = tpu.memref_slice %arg2[%add3A_205] : memref<640000xi32, #tpu.memory_space<hbm>> -> memref<80xi32, #tpu.memory_space<hbm>>
    %dma_start3A_212 = tpu.memref_slice %arg15[%dma_start3A_207] : memref<4x!tpu.dma_semaphore, #tpu.memory_space<semaphore_mem>> -> memref<1x!tpu.dma_semaphore, #tpu.memory_space<semaphore_mem>>
    %dma_start3A_213 = tpu.memref_squeeze %dma_start3A_212 : memref<1x!tpu.dma_semaphore, #tpu.memory_space<semaphore_mem>> -> memref<!tpu.dma_semaphore, #tpu.memory_space<semaphore_mem>>
    %dma_start3A_214 = arith.constant 0 : i32
    %dma_start3A_215 = tpu.memref_slice %arg7[%dma_start3A_206, %dma_start3A_214] : memref<4x80xi32, #tpu.memory_space<vmem>> -> memref<1x80xi32, #tpu.memory_space<vmem>>
    %dma_start3A_216 = tpu.memref_squeeze %dma_start3A_215 : memref<1x80xi32, #tpu.memory_space<vmem>> -> memref<80xi32, #tpu.memory_space<vmem>>
    %dma_start3A_217 = tpu.memref_slice %arg2[%add3A_205] : memref<640000xi32, #tpu.memory_space<hbm>> -> memref<80xi32, #tpu.memory_space<hbm>>
    tpu.enqueue_dma source(%dma_start3A_217 : memref<80xi32, #tpu.memory_space<hbm>>) target(%dma_start3A_216 : memref<80xi32, #tpu.memory_space<vmem>>) target_semaphore(%dma_start3A_213 : memref<!tpu.dma_semaphore, #tpu.memory_space<semaphore_mem>>)
    %add3A_218 = arith.constant 320000 : i32
    %add3A_219 = arith.addi %add3A_218, %mul3A_2 : i32
    %add3A_220 = arith.constant 240 : i32
    %add3A_221 = arith.addi %add3A_219, %add3A_220 : i32
    %dma_start3A_222 = arith.constant 3 : i32
    %dma_start3A_223 = arith.constant 3 : i32
    %dma_start3A_224 = arith.constant 0 : i32
    %dma_start3A_225 = tpu.memref_slice %arg8[%dma_start3A_222, %dma_start3A_224] : memref<4x80xi32, #tpu.memory_space<vmem>> -> memref<1x80xi32, #tpu.memory_space<vmem>>
    %dma_start3A_226 = tpu.memref_squeeze %dma_start3A_225 : memref<1x80xi32, #tpu.memory_space<vmem>> -> memref<80xi32, #tpu.memory_space<vmem>>
    %dma_start3A_227 = tpu.memref_slice %arg2[%add3A_221] : memref<640000xi32, #tpu.memory_space<hbm>> -> memref<80xi32, #tpu.memory_space<hbm>>
    %dma_start3A_228 = tpu.memref_slice %arg15[%dma_start3A_223] : memref<4x!tpu.dma_semaphore, #tpu.memory_space<semaphore_mem>> -> memref<1x!tpu.dma_semaphore, #tpu.memory_space<semaphore_mem>>
    %dma_start3A_229 = tpu.memref_squeeze %dma_start3A_228 : memref<1x!tpu.dma_semaphore, #tpu.memory_space<semaphore_mem>> -> memref<!tpu.dma_semaphore, #tpu.memory_space<semaphore_mem>>
    %dma_start3A_230 = arith.constant 0 : i32
    %dma_start3A_231 = tpu.memref_slice %arg8[%dma_start3A_222, %dma_start3A_230] : memref<4x80xi32, #tpu.memory_space<vmem>> -> memref<1x80xi32, #tpu.memory_space<vmem>>
    %dma_start3A_232 = tpu.memref_squeeze %dma_start3A_231 : memref<1x80xi32, #tpu.memory_space<vmem>> -> memref<80xi32, #tpu.memory_space<vmem>>
    %dma_start3A_233 = tpu.memref_slice %arg2[%add3A_221] : memref<640000xi32, #tpu.memory_space<hbm>> -> memref<80xi32, #tpu.memory_space<hbm>>
    tpu.enqueue_dma source(%dma_start3A_233 : memref<80xi32, #tpu.memory_space<hbm>>) target(%dma_start3A_232 : memref<80xi32, #tpu.memory_space<vmem>>) target_semaphore(%dma_start3A_229 : memref<!tpu.dma_semaphore, #tpu.memory_space<semaphore_mem>>)
    %scan3A_234 = arith.constant 0 : i32
    %scan3A_235 = arith.constant 0 : i32
    %scan3A_236 = arith.constant 25 : i32
    %scan3A_237 = arith.addi %scan3A_235, %scan3A_236 : i32
    %scan3A_238 = arith.constant 1 : i32
    %scan3A_239 = scf.for %scan3A_971 = %scan3A_235 to %scan3A_237 step %scan3A_238 iter_args(%scan3A_972 = %scan3A_234) -> (i32)  : i32 {
      %mul3A_973 = arith.constant 625 : i32
      %mul3A_974 = arith.muli %arg1, %mul3A_973 : i32
      %mul3A_975 = arith.constant 25 : i32
      %mul3A_976 = arith.muli %scan3A_971, %mul3A_975 : i32
      %add3A_977 = arith.addi %mul3A_974, %mul3A_976 : i32
      %dma_wait3A_978 = arith.constant 0 : i32
      %dma_wait3A_979 = arith.constant 0 : i32
      %dma_wait3A_980 = tpu.memref_slice %arg13[%add3A_977, %dma_wait3A_979] : memref<10000x128xf32, #tpu.memory_space<vmem_shared>> -> memref<25x128xf32, #tpu.memory_space<vmem_shared>>
      %dma_wait3A_981 = tpu.memref_slice %arg16[%dma_wait3A_978] : memref<2x!tpu.dma_semaphore, #tpu.memory_space<semaphore_mem>> -> memref<1x!tpu.dma_semaphore, #tpu.memory_space<semaphore_mem>>
      %dma_wait3A_982 = tpu.memref_squeeze %dma_wait3A_981 : memref<1x!tpu.dma_semaphore, #tpu.memory_space<semaphore_mem>> -> memref<!tpu.dma_semaphore, #tpu.memory_space<semaphore_mem>>
      %dma_wait3A_983 = arith.constant 0 : i32
      %dma_wait3A_984 = tpu.memref_slice %arg13[%add3A_977, %dma_wait3A_983] : memref<10000x128xf32, #tpu.memory_space<vmem_shared>> -> memref<25x128xf32, #tpu.memory_space<vmem_shared>>
      tpu.wait_dma2 semaphore(%dma_wait3A_982 : memref<!tpu.dma_semaphore, #tpu.memory_space<semaphore_mem>>) src(%arg10 : memref<25x128xf32, #tpu.memory_space<vmem>>) dst(%dma_wait3A_984 : memref<25x128xf32, #tpu.memory_space<vmem_shared>>)
      %scan3A_985 = arith.constant 0 : i32
      scf.yield %scan3A_985 : i32
    }
    %scan3A_240 = arith.constant 25 : i32
    %dma_wait3A_241 = arith.constant 1 : i32
    %dma_wait3A_242 = tpu.memref_slice %arg16[%dma_wait3A_241] : memref<2x!tpu.dma_semaphore, #tpu.memory_space<semaphore_mem>> -> memref<1x!tpu.dma_semaphore, #tpu.memory_space<semaphore_mem>>
    %dma_wait3A_243 = tpu.memref_squeeze %dma_wait3A_242 : memref<1x!tpu.dma_semaphore, #tpu.memory_space<semaphore_mem>> -> memref<!tpu.dma_semaphore, #tpu.memory_space<semaphore_mem>>
    tpu.wait_dma2 semaphore(%dma_wait3A_243 : memref<!tpu.dma_semaphore, #tpu.memory_space<semaphore_mem>>) src(%arg4 : memref<10000xf32, #tpu.memory_space<hbm>>) dst(%arg11 : memref<10000xf32, #tpu.memory_space<vmem>>)
    %barrier3A = arith.constant 0 : index
    tpu.barrier barrier_id(%barrier3A)
    %dma_wait3A_244 = arith.constant 0 : i32
    %dma_wait3A_245 = arith.constant 0 : i32
    %dma_wait3A_246 = arith.constant 0 : i32
    %dma_wait3A_247 = arith.constant 0 : i32
    %dma_wait3A_248 = arith.constant 0 : i32
    %dma_wait3A_249 = tpu.memref_slice %arg9[%dma_wait3A_245, %dma_wait3A_247, %dma_wait3A_248] : memref<2x80x128xf32, #tpu.memory_space<vmem>> -> memref<1x80x128xf32, #tpu.memory_space<vmem>>
    %dma_wait3A_250 = tpu.memref_squeeze %dma_wait3A_249 : memref<1x80x128xf32, #tpu.memory_space<vmem>> -> memref<80x128xf32, #tpu.memory_space<vmem>>
    %dma_wait3A_251 = arith.constant 0 : i32
    %dma_wait3A_252 = tpu.memref_slice %arg7[%dma_wait3A_244, %dma_wait3A_251] : memref<4x80xi32, #tpu.memory_space<vmem>> -> memref<1x80xi32, #tpu.memory_space<vmem>>
    %dma_wait3A_253 = tpu.memref_squeeze %dma_wait3A_252 : memref<1x80xi32, #tpu.memory_space<vmem>> -> memref<80xi32, #tpu.memory_space<vmem>>
    %dma_wait3A_254 = arith.constant 0 : i32
    %dma_wait3A_255 = arith.constant 0 : i32
    %dma_wait3A_256 = tpu.memref_slice %arg3[%dma_wait3A_254, %dma_wait3A_255] : memref<10000x128xf32, #tpu.memory_space<hbm>> -> memref<10000x128xf32, #tpu.memory_space<hbm>>
    %dma_wait3A_257 = tpu.memref_slice %arg14[%dma_wait3A_246] : memref<2x!tpu.dma_semaphore, #tpu.memory_space<semaphore_mem>> -> memref<1x!tpu.dma_semaphore, #tpu.memory_space<semaphore_mem>>
    %dma_wait3A_258 = tpu.memref_squeeze %dma_wait3A_257 : memref<1x!tpu.dma_semaphore, #tpu.memory_space<semaphore_mem>> -> memref<!tpu.dma_semaphore, #tpu.memory_space<semaphore_mem>>
    tpu.wait_indirect_dma semaphore(%dma_wait3A_258 : memref<!tpu.dma_semaphore, #tpu.memory_space<semaphore_mem>>) src(%dma_wait3A_256 : memref<10000x128xf32, #tpu.memory_space<hbm>>) dst(%dma_wait3A_250 : memref<80x128xf32, #tpu.memory_space<vmem>>)
    %dma_start3A_259 = arith.constant 0 : i32
    %dma_start3A_260 = arith.constant 0 : i32
    %dma_start3A_261 = arith.constant 0 : i32
    %dma_start3A_262 = arith.constant 0 : i32
    %dma_start3A_263 = arith.constant 0 : i32
    %dma_start3A_264 = tpu.memref_slice %arg9[%dma_start3A_259, %dma_start3A_262, %dma_start3A_263] : memref<2x80x128xf32, #tpu.memory_space<vmem>> -> memref<1x80x128xf32, #tpu.memory_space<vmem>>
    %dma_start3A_265 = tpu.memref_squeeze %dma_start3A_264 : memref<1x80x128xf32, #tpu.memory_space<vmem>> -> memref<80x128xf32, #tpu.memory_space<vmem>>
    %dma_start3A_266 = arith.constant 0 : i32
    %dma_start3A_267 = tpu.memref_slice %arg8[%dma_start3A_260, %dma_start3A_266] : memref<4x80xi32, #tpu.memory_space<vmem>> -> memref<1x80xi32, #tpu.memory_space<vmem>>
    %dma_start3A_268 = tpu.memref_squeeze %dma_start3A_267 : memref<1x80xi32, #tpu.memory_space<vmem>> -> memref<80xi32, #tpu.memory_space<vmem>>
    %dma_start3A_269 = arith.constant 0 : i32
    %dma_start3A_270 = arith.constant 0 : i32
    %dma_start3A_271 = tpu.memref_slice %arg13[%dma_start3A_269, %dma_start3A_270] : memref<10000x128xf32, #tpu.memory_space<vmem_shared>> -> memref<10000x128xf32, #tpu.memory_space<vmem_shared>>
    %dma_start3A_272 = tpu.memref_slice %arg16[%dma_start3A_261] : memref<2x!tpu.dma_semaphore, #tpu.memory_space<semaphore_mem>> -> memref<1x!tpu.dma_semaphore, #tpu.memory_space<semaphore_mem>>
    %dma_start3A_273 = tpu.memref_squeeze %dma_start3A_272 : memref<1x!tpu.dma_semaphore, #tpu.memory_space<semaphore_mem>> -> memref<!tpu.dma_semaphore, #tpu.memory_space<semaphore_mem>>
    tpu.enqueue_indirect_dma source(%dma_start3A_265 : memref<80x128xf32, #tpu.memory_space<vmem>>) target(%dma_start3A_271 : memref<10000x128xf32, #tpu.memory_space<vmem_shared>>) offsets(%dma_start3A_268 : memref<80xi32, #tpu.memory_space<vmem>>) semaphore(%dma_start3A_273 : memref<!tpu.dma_semaphore, #tpu.memory_space<semaphore_mem>>) {add = true}
    %get3A = arith.constant 0 : i32
    %get3A_274 = arith.constant 0 : i32
    %get3A_275 = tpu.memref_slice %arg7[%get3A, %get3A_274] : memref<4x80xi32, #tpu.memory_space<vmem>> -> memref<1x80xi32, #tpu.memory_space<vmem>>
    %get3A_276 = tpu.memref_squeeze %get3A_275 : memref<1x80xi32, #tpu.memory_space<vmem>> -> memref<80xi32, #tpu.memory_space<vmem>>
    %get3A_277 = arith.constant 0 : index
    %get3A_278 = tpu.vector_load %get3A_276[%get3A_277] {strides = array<i32>} : memref<80xi32, #tpu.memory_space<vmem>>, vector<16xi32>,
    %get3A_279 = arith.constant 0 : i32
    %get3A_280 = arith.constant 0 : i32
    %get3A_281 = tpu.memref_slice %arg8[%get3A_279, %get3A_280] : memref<4x80xi32, #tpu.memory_space<vmem>> -> memref<1x80xi32, #tpu.memory_space<vmem>>
    %get3A_282 = tpu.memref_squeeze %get3A_281 : memref<1x80xi32, #tpu.memory_space<vmem>> -> memref<80xi32, #tpu.memory_space<vmem>>
    %get3A_283 = arith.constant 0 : index
    %get3A_284 = tpu.vector_load %get3A_282[%get3A_283] {strides = array<i32>} : memref<80xi32, #tpu.memory_space<vmem>>, vector<16xi32>,
    %gather3A = tpu.vector_load_idx %arg11[%get3A_278] : memref<10000xf32, #tpu.memory_space<vmem>>[vector<16xi32>], vector<16xf32>,
    tpu.vector_store_idx %arg12[%get3A_284], %gather3A {add = true} : memref<10000xf32, #tpu.memory_space<vmem>>[vector<16xi32>], vector<16xf32>,
    %get3A_285 = arith.constant 0 : i32
    %get3A_286 = arith.constant 0 : i32
    %get3A_287 = tpu.memref_slice %arg7[%get3A_285, %get3A_286] : memref<4x80xi32, #tpu.memory_space<vmem>> -> memref<1x80xi32, #tpu.memory_space<vmem>>
    %get3A_288 = tpu.memref_squeeze %get3A_287 : memref<1x80xi32, #tpu.memory_space<vmem>> -> memref<80xi32, #tpu.memory_space<vmem>>
    %get3A_289 = arith.constant 16 : index
    %get3A_290 = tpu.vector_load %get3A_288[%get3A_289] {strides = array<i32>} : memref<80xi32, #tpu.memory_space<vmem>>, vector<16xi32>,
    %get3A_291 = arith.constant 0 : i32
    %get3A_292 = arith.constant 0 : i32
    %get3A_293 = tpu.memref_slice %arg8[%get3A_291, %get3A_292] : memref<4x80xi32, #tpu.memory_space<vmem>> -> memref<1x80xi32, #tpu.memory_space<vmem>>
    %get3A_294 = tpu.memref_squeeze %get3A_293 : memref<1x80xi32, #tpu.memory_space<vmem>> -> memref<80xi32, #tpu.memory_space<vmem>>
    %get3A_295 = arith.constant 16 : index
    %get3A_296 = tpu.vector_load %get3A_294[%get3A_295] {strides = array<i32>} : memref<80xi32, #tpu.memory_space<vmem>>, vector<16xi32>,
    %gather3A_297 = tpu.vector_load_idx %arg11[%get3A_290] : memref<10000xf32, #tpu.memory_space<vmem>>[vector<16xi32>], vector<16xf32>,
    tpu.vector_store_idx %arg12[%get3A_296], %gather3A_297 {add = true} : memref<10000xf32, #tpu.memory_space<vmem>>[vector<16xi32>], vector<16xf32>,
    %get3A_298 = arith.constant 0 : i32
    %get3A_299 = arith.constant 0 : i32
    %get3A_300 = tpu.memref_slice %arg7[%get3A_298, %get3A_299] : memref<4x80xi32, #tpu.memory_space<vmem>> -> memref<1x80xi32, #tpu.memory_space<vmem>>
    %get3A_301 = tpu.memref_squeeze %get3A_300 : memref<1x80xi32, #tpu.memory_space<vmem>> -> memref<80xi32, #tpu.memory_space<vmem>>
    %get3A_302 = arith.constant 32 : index
    %get3A_303 = tpu.vector_load %get3A_301[%get3A_302] {strides = array<i32>} : memref<80xi32, #tpu.memory_space<vmem>>, vector<16xi32>,
    %get3A_304 = arith.constant 0 : i32
    %get3A_305 = arith.constant 0 : i32
    %get3A_306 = tpu.memref_slice %arg8[%get3A_304, %get3A_305] : memref<4x80xi32, #tpu.memory_space<vmem>> -> memref<1x80xi32, #tpu.memory_space<vmem>>
    %get3A_307 = tpu.memref_squeeze %get3A_306 : memref<1x80xi32, #tpu.memory_space<vmem>> -> memref<80xi32, #tpu.memory_space<vmem>>
    %get3A_308 = arith.constant 32 : index
    %get3A_309 = tpu.vector_load %get3A_307[%get3A_308] {strides = array<i32>} : memref<80xi32, #tpu.memory_space<vmem>>, vector<16xi32>,
    %gather3A_310 = tpu.vector_load_idx %arg11[%get3A_303] : memref<10000xf32, #tpu.memory_space<vmem>>[vector<16xi32>], vector<16xf32>,
    tpu.vector_store_idx %arg12[%get3A_309], %gather3A_310 {add = true} : memref<10000xf32, #tpu.memory_space<vmem>>[vector<16xi32>], vector<16xf32>,
    %get3A_311 = arith.constant 0 : i32
    %get3A_312 = arith.constant 0 : i32
    %get3A_313 = tpu.memref_slice %arg7[%get3A_311, %get3A_312] : memref<4x80xi32, #tpu.memory_space<vmem>> -> memref<1x80xi32, #tpu.memory_space<vmem>>
    %get3A_314 = tpu.memref_squeeze %get3A_313 : memref<1x80xi32, #tpu.memory_space<vmem>> -> memref<80xi32, #tpu.memory_space<vmem>>
    %get3A_315 = arith.constant 48 : index
    %get3A_316 = tpu.vector_load %get3A_314[%get3A_315] {strides = array<i32>} : memref<80xi32, #tpu.memory_space<vmem>>, vector<16xi32>,
    %get3A_317 = arith.constant 0 : i32
    %get3A_318 = arith.constant 0 : i32
    %get3A_319 = tpu.memref_slice %arg8[%get3A_317, %get3A_318] : memref<4x80xi32, #tpu.memory_space<vmem>> -> memref<1x80xi32, #tpu.memory_space<vmem>>
    %get3A_320 = tpu.memref_squeeze %get3A_319 : memref<1x80xi32, #tpu.memory_space<vmem>> -> memref<80xi32, #tpu.memory_space<vmem>>
    %get3A_321 = arith.constant 48 : index
    %get3A_322 = tpu.vector_load %get3A_320[%get3A_321] {strides = array<i32>} : memref<80xi32, #tpu.memory_space<vmem>>, vector<16xi32>,
    %gather3A_323 = tpu.vector_load_idx %arg11[%get3A_316] : memref<10000xf32, #tpu.memory_space<vmem>>[vector<16xi32>], vector<16xf32>,
    tpu.vector_store_idx %arg12[%get3A_322], %gather3A_323 {add = true} : memref<10000xf32, #tpu.memory_space<vmem>>[vector<16xi32>], vector<16xf32>,
    %get3A_324 = arith.constant 0 : i32
    %get3A_325 = arith.constant 0 : i32
    %get3A_326 = tpu.memref_slice %arg7[%get3A_324, %get3A_325] : memref<4x80xi32, #tpu.memory_space<vmem>> -> memref<1x80xi32, #tpu.memory_space<vmem>>
    %get3A_327 = tpu.memref_squeeze %get3A_326 : memref<1x80xi32, #tpu.memory_space<vmem>> -> memref<80xi32, #tpu.memory_space<vmem>>
    %get3A_328 = arith.constant 64 : index
    %get3A_329 = tpu.vector_load %get3A_327[%get3A_328] {strides = array<i32>} : memref<80xi32, #tpu.memory_space<vmem>>, vector<16xi32>,
    %get3A_330 = arith.constant 0 : i32
    %get3A_331 = arith.constant 0 : i32
    %get3A_332 = tpu.memref_slice %arg8[%get3A_330, %get3A_331] : memref<4x80xi32, #tpu.memory_space<vmem>> -> memref<1x80xi32, #tpu.memory_space<vmem>>
    %get3A_333 = tpu.memref_squeeze %get3A_332 : memref<1x80xi32, #tpu.memory_space<vmem>> -> memref<80xi32, #tpu.memory_space<vmem>>
    %get3A_334 = arith.constant 64 : index
    %get3A_335 = tpu.vector_load %get3A_333[%get3A_334] {strides = array<i32>} : memref<80xi32, #tpu.memory_space<vmem>>, vector<16xi32>,
    %gather3A_336 = tpu.vector_load_idx %arg11[%get3A_329] : memref<10000xf32, #tpu.memory_space<vmem>>[vector<16xi32>], vector<16xf32>,
    tpu.vector_store_idx %arg12[%get3A_335], %gather3A_336 {add = true} : memref<10000xf32, #tpu.memory_space<vmem>>[vector<16xi32>], vector<16xf32>,
    %scan3A_337 = arith.constant 0 : i32
    %scan3A_338 = arith.constant 0 : i32
    %scan3A_339 = arith.constant 30 : i32
    %scan3A_340 = arith.addi %scan3A_338, %scan3A_339 : i32
    %scan3A_341 = arith.constant 1 : i32
    %scan3A_342 = scf.for %scan3A_971 = %scan3A_338 to %scan3A_340 step %scan3A_341 iter_args(%scan3A_972 = %scan3A_337) -> (i32)  : i32 {
      %mul3A_973 = arith.constant 4 : i32
      %mul3A_974 = arith.muli %mul3A_973, %scan3A_971 : i32
      %add3A_975 = arith.constant 1 : i32
      %add3A_976 = arith.addi %add3A_975, %mul3A_974 : i32
      %add3A_977 = arith.constant 0 : i32
      %add3A_978 = arith.addi %add3A_976, %add3A_977 : i32
      %add3A_979 = arith.constant 1 : i32
      %add3A_980 = arith.addi %add3A_978, %add3A_979 : i32
      %mul3A_981 = arith.constant 80 : i32
      %mul3A_982 = arith.muli %add3A_980, %mul3A_981 : i32
      %add3A_983 = arith.addi %mul3A_2, %mul3A_982 : i32
      %dma_wait3A_984 = arith.constant 2 : i32
      %dma_wait3A_985 = arith.constant 2 : i32
      %dma_wait3A_986 = arith.constant 0 : i32
      %dma_wait3A_987 = tpu.memref_slice %arg7[%dma_wait3A_984, %dma_wait3A_986] : memref<4x80xi32, #tpu.memory_space<vmem>> -> memref<1x80xi32, #tpu.memory_space<vmem>>
      %dma_wait3A_988 = tpu.memref_squeeze %dma_wait3A_987 : memref<1x80xi32, #tpu.memory_space<vmem>> -> memref<80xi32, #tpu.memory_space<vmem>>
      %dma_wait3A_989 = tpu.memref_slice %arg2[%add3A_983] : memref<640000xi32, #tpu.memory_space<hbm>> -> memref<80xi32, #tpu.memory_space<hbm>>
      %dma_wait3A_990 = tpu.memref_slice %arg15[%dma_wait3A_985] : memref<4x!tpu.dma_semaphore, #tpu.memory_space<semaphore_mem>> -> memref<1x!tpu.dma_semaphore, #tpu.memory_space<semaphore_mem>>
      %dma_wait3A_991 = tpu.memref_squeeze %dma_wait3A_990 : memref<1x!tpu.dma_semaphore, #tpu.memory_space<semaphore_mem>> -> memref<!tpu.dma_semaphore, #tpu.memory_space<semaphore_mem>>
      %dma_wait3A_992 = arith.constant 0 : i32
      %dma_wait3A_993 = tpu.memref_slice %arg7[%dma_wait3A_984, %dma_wait3A_992] : memref<4x80xi32, #tpu.memory_space<vmem>> -> memref<1x80xi32, #tpu.memory_space<vmem>>
      %dma_wait3A_994 = tpu.memref_squeeze %dma_wait3A_993 : memref<1x80xi32, #tpu.memory_space<vmem>> -> memref<80xi32, #tpu.memory_space<vmem>>
      %dma_wait3A_995 = tpu.memref_slice %arg2[%add3A_983] : memref<640000xi32, #tpu.memory_space<hbm>> -> memref<80xi32, #tpu.memory_space<hbm>>
      tpu.wait_dma2 semaphore(%dma_wait3A_991 : memref<!tpu.dma_semaphore, #tpu.memory_space<semaphore_mem>>) src(%dma_wait3A_995 : memref<80xi32, #tpu.memory_space<hbm>>) dst(%dma_wait3A_994 : memref<80xi32, #tpu.memory_space<vmem>>)
      %add3A_996 = arith.constant 320000 : i32
      %add3A_997 = arith.addi %add3A_996, %mul3A_2 : i32
      %mul3A_998 = arith.constant 80 : i32
      %mul3A_999 = arith.muli %add3A_980, %mul3A_998 : i32
      %add3A_1000 = arith.addi %add3A_997, %mul3A_999 : i32
      %dma_wait3A_1001 = arith.constant 2 : i32
      %dma_wait3A_1002 = arith.constant 2 : i32
      %dma_wait3A_1003 = arith.constant 0 : i32
      %dma_wait3A_1004 = tpu.memref_slice %arg8[%dma_wait3A_1001, %dma_wait3A_1003] : memref<4x80xi32, #tpu.memory_space<vmem>> -> memref<1x80xi32, #tpu.memory_space<vmem>>
      %dma_wait3A_1005 = tpu.memref_squeeze %dma_wait3A_1004 : memref<1x80xi32, #tpu.memory_space<vmem>> -> memref<80xi32, #tpu.memory_space<vmem>>
      %dma_wait3A_1006 = tpu.memref_slice %arg2[%add3A_1000] : memref<640000xi32, #tpu.memory_space<hbm>> -> memref<80xi32, #tpu.memory_space<hbm>>
      %dma_wait3A_1007 = tpu.memref_slice %arg15[%dma_wait3A_1002] : memref<4x!tpu.dma_semaphore, #tpu.memory_space<semaphore_mem>> -> memref<1x!tpu.dma_semaphore, #tpu.memory_space<semaphore_mem>>
      %dma_wait3A_1008 = tpu.memref_squeeze %dma_wait3A_1007 : memref<1x!tpu.dma_semaphore, #tpu.memory_space<semaphore_mem>> -> memref<!tpu.dma_semaphore, #tpu.memory_space<semaphore_mem>>
      %dma_wait3A_1009 = arith.constant 0 : i32
      %dma_wait3A_1010 = tpu.memref_slice %arg8[%dma_wait3A_1001, %dma_wait3A_1009] : memref<4x80xi32, #tpu.memory_space<vmem>> -> memref<1x80xi32, #tpu.memory_space<vmem>>
      %dma_wait3A_1011 = tpu.memref_squeeze %dma_wait3A_1010 : memref<1x80xi32, #tpu.memory_space<vmem>> -> memref<80xi32, #tpu.memory_space<vmem>>
      %dma_wait3A_1012 = tpu.memref_slice %arg2[%add3A_1000] : memref<640000xi32, #tpu.memory_space<hbm>> -> memref<80xi32, #tpu.memory_space<hbm>>
      tpu.wait_dma2 semaphore(%dma_wait3A_1008 : memref<!tpu.dma_semaphore, #tpu.memory_space<semaphore_mem>>) src(%dma_wait3A_1012 : memref<80xi32, #tpu.memory_space<hbm>>) dst(%dma_wait3A_1011 : memref<80xi32, #tpu.memory_space<vmem>>)
      %dma_wait3A_1013 = arith.constant 0 : i32
      %dma_wait3A_1014 = arith.constant 0 : i32
      %dma_wait3A_1015 = arith.constant 0 : i32
      %dma_wait3A_1016 = arith.constant 0 : i32
      %dma_wait3A_1017 = arith.constant 0 : i32
      %dma_wait3A_1018 = tpu.memref_slice %arg9[%dma_wait3A_1013, %dma_wait3A_1016, %dma_wait3A_1017] : memref<2x80x128xf32, #tpu.memory_space<vmem>> -> memref<1x80x128xf32, #tpu.memory_space<vmem>>
      %dma_wait3A_1019 = tpu.memref_squeeze %dma_wait3A_1018 : memref<1x80x128xf32, #tpu.memory_space<vmem>> -> memref<80x128xf32, #tpu.memory_space<vmem>>
      %dma_wait3A_1020 = arith.constant 0 : i32
      %dma_wait3A_1021 = tpu.memref_slice %arg8[%dma_wait3A_1014, %dma_wait3A_1020] : memref<4x80xi32, #tpu.memory_space<vmem>> -> memref<1x80xi32, #tpu.memory_space<vmem>>
      %dma_wait3A_1022 = tpu.memref_squeeze %dma_wait3A_1021 : memref<1x80xi32, #tpu.memory_space<vmem>> -> memref<80xi32, #tpu.memory_space<vmem>>
      %dma_wait3A_1023 = arith.constant 0 : i32
      %dma_wait3A_1024 = arith.constant 0 : i32
      %dma_wait3A_1025 = tpu.memref_slice %arg13[%dma_wait3A_1023, %dma_wait3A_1024] : memref<10000x128xf32, #tpu.memory_space<vmem_shared>> -> memref<10000x128xf32, #tpu.memory_space<vmem_shared>>
      %dma_wait3A_1026 = tpu.memref_slice %arg16[%dma_wait3A_1015] : memref<2x!tpu.dma_semaphore, #tpu.memory_space<semaphore_mem>> -> memref<1x!tpu.dma_semaphore, #tpu.memory_space<semaphore_mem>>
      %dma_wait3A_1027 = tpu.memref_squeeze %dma_wait3A_1026 : memref<1x!tpu.dma_semaphore, #tpu.memory_space<semaphore_mem>> -> memref<!tpu.dma_semaphore, #tpu.memory_space<semaphore_mem>>
      tpu.wait_indirect_dma semaphore(%dma_wait3A_1027 : memref<!tpu.dma_semaphore, #tpu.memory_space<semaphore_mem>>) src(%dma_wait3A_1019 : memref<80x128xf32, #tpu.memory_space<vmem>>) dst(%dma_wait3A_1025 : memref<10000x128xf32, #tpu.memory_space<vmem_shared>>)
      %dma_start3A_1028 = arith.constant 2 : i32
      %dma_start3A_1029 = arith.constant 0 : i32
      %dma_start3A_1030 = arith.constant 0 : i32
      %dma_start3A_1031 = arith.constant 0 : i32
      %dma_start3A_1032 = arith.constant 0 : i32
      %dma_start3A_1033 = tpu.memref_slice %arg9[%dma_start3A_1029, %dma_start3A_1031, %dma_start3A_1032] : memref<2x80x128xf32, #tpu.memory_space<vmem>> -> memref<1x80x128xf32, #tpu.memory_space<vmem>>
      %dma_start3A_1034 = tpu.memref_squeeze %dma_start3A_1033 : memref<1x80x128xf32, #tpu.memory_space<vmem>> -> memref<80x128xf32, #tpu.memory_space<vmem>>
      %dma_start3A_1035 = arith.constant 0 : i32
      %dma_start3A_1036 = tpu.memref_slice %arg7[%dma_start3A_1028, %dma_start3A_1035] : memref<4x80xi32, #tpu.memory_space<vmem>> -> memref<1x80xi32, #tpu.memory_space<vmem>>
      %dma_start3A_1037 = tpu.memref_squeeze %dma_start3A_1036 : memref<1x80xi32, #tpu.memory_space<vmem>> -> memref<80xi32, #tpu.memory_space<vmem>>
      %dma_start3A_1038 = arith.constant 0 : i32
      %dma_start3A_1039 = arith.constant 0 : i32
      %dma_start3A_1040 = tpu.memref_slice %arg3[%dma_start3A_1038, %dma_start3A_1039] : memref<10000x128xf32, #tpu.memory_space<hbm>> -> memref<10000x128xf32, #tpu.memory_space<hbm>>
      %dma_start3A_1041 = tpu.memref_slice %arg14[%dma_start3A_1030] : memref<2x!tpu.dma_semaphore, #tpu.memory_space<semaphore_mem>> -> memref<1x!tpu.dma_semaphore, #tpu.memory_space<semaphore_mem>>
      %dma_start3A_1042 = tpu.memref_squeeze %dma_start3A_1041 : memref<1x!tpu.dma_semaphore, #tpu.memory_space<semaphore_mem>> -> memref<!tpu.dma_semaphore, #tpu.memory_space<semaphore_mem>>
      tpu.enqueue_indirect_dma source(%dma_start3A_1040 : memref<10000x128xf32, #tpu.memory_space<hbm>>) target(%dma_start3A_1034 : memref<80x128xf32, #tpu.memory_space<vmem>>) offsets(%dma_start3A_1037 : memref<80xi32, #tpu.memory_space<vmem>>) semaphore(%dma_start3A_1042 : memref<!tpu.dma_semaphore, #tpu.memory_space<semaphore_mem>>)
      %add3A_1043 = arith.constant 3 : i32
      %add3A_1044 = arith.addi %add3A_978, %add3A_1043 : i32
      %mul3A_1045 = arith.constant 80 : i32
      %mul3A_1046 = arith.muli %add3A_1044, %mul3A_1045 : i32
      %add3A_1047 = arith.addi %mul3A_2, %mul3A_1046 : i32
      %dma_start3A_1048 = arith.constant 0 : i32
      %dma_start3A_1049 = arith.constant 0 : i32
      %dma_start3A_1050 = arith.constant 0 : i32
      %dma_start3A_1051 = tpu.memref_slice %arg7[%dma_start3A_1048, %dma_start3A_1050] : memref<4x80xi32, #tpu.memory_space<vmem>> -> memref<1x80xi32, #tpu.memory_space<vmem>>
      %dma_start3A_1052 = tpu.memref_squeeze %dma_start3A_1051 : memref<1x80xi32, #tpu.memory_space<vmem>> -> memref<80xi32, #tpu.memory_space<vmem>>
      %dma_start3A_1053 = tpu.memref_slice %arg2[%add3A_1047] : memref<640000xi32, #tpu.memory_space<hbm>> -> memref<80xi32, #tpu.memory_space<hbm>>
      %dma_start3A_1054 = tpu.memref_slice %arg15[%dma_start3A_1049] : memref<4x!tpu.dma_semaphore, #tpu.memory_space<semaphore_mem>> -> memref<1x!tpu.dma_semaphore, #tpu.memory_space<semaphore_mem>>
      %dma_start3A_1055 = tpu.memref_squeeze %dma_start3A_1054 : memref<1x!tpu.dma_semaphore, #tpu.memory_space<semaphore_mem>> -> memref<!tpu.dma_semaphore, #tpu.memory_space<semaphore_mem>>
      %dma_start3A_1056 = arith.constant 0 : i32
      %dma_start3A_1057 = tpu.memref_slice %arg7[%dma_start3A_1048, %dma_start3A_1056] : memref<4x80xi32, #tpu.memory_space<vmem>> -> memref<1x80xi32, #tpu.memory_space<vmem>>
      %dma_start3A_1058 = tpu.memref_squeeze %dma_start3A_1057 : memref<1x80xi32, #tpu.memory_space<vmem>> -> memref<80xi32, #tpu.memory_space<vmem>>
      %dma_start3A_1059 = tpu.memref_slice %arg2[%add3A_1047] : memref<640000xi32, #tpu.memory_space<hbm>> -> memref<80xi32, #tpu.memory_space<hbm>>
      tpu.enqueue_dma source(%dma_start3A_1059 : memref<80xi32, #tpu.memory_space<hbm>>) target(%dma_start3A_1058 : memref<80xi32, #tpu.memory_space<vmem>>) target_semaphore(%dma_start3A_1055 : memref<!tpu.dma_semaphore, #tpu.memory_space<semaphore_mem>>)
      %add3A_1060 = arith.constant 320000 : i32
      %add3A_1061 = arith.addi %add3A_1060, %mul3A_2 : i32
      %mul3A_1062 = arith.constant 80 : i32
      %mul3A_1063 = arith.muli %add3A_1044, %mul3A_1062 : i32
      %add3A_1064 = arith.addi %add3A_1061, %mul3A_1063 : i32
      %dma_start3A_1065 = arith.constant 0 : i32
      %dma_start3A_1066 = arith.constant 0 : i32
      %dma_start3A_1067 = arith.constant 0 : i32
      %dma_start3A_1068 = tpu.memref_slice %arg8[%dma_start3A_1065, %dma_start3A_1067] : memref<4x80xi32, #tpu.memory_space<vmem>> -> memref<1x80xi32, #tpu.memory_space<vmem>>
      %dma_start3A_1069 = tpu.memref_squeeze %dma_start3A_1068 : memref<1x80xi32, #tpu.memory_space<vmem>> -> memref<80xi32, #tpu.memory_space<vmem>>
      %dma_start3A_1070 = tpu.memref_slice %arg2[%add3A_1064] : memref<640000xi32, #tpu.memory_space<hbm>> -> memref<80xi32, #tpu.memory_space<hbm>>
      %dma_start3A_1071 = tpu.memref_slice %arg15[%dma_start3A_1066] : memref<4x!tpu.dma_semaphore, #tpu.memory_space<semaphore_mem>> -> memref<1x!tpu.dma_semaphore, #tpu.memory_space<semaphore_mem>>
      %dma_start3A_1072 = tpu.memref_squeeze %dma_start3A_1071 : memref<1x!tpu.dma_semaphore, #tpu.memory_space<semaphore_mem>> -> memref<!tpu.dma_semaphore, #tpu.memory_space<semaphore_mem>>
      %dma_start3A_1073 = arith.constant 0 : i32
      %dma_start3A_1074 = tpu.memref_slice %arg8[%dma_start3A_1065, %dma_start3A_1073] : memref<4x80xi32, #tpu.memory_space<vmem>> -> memref<1x80xi32, #tpu.memory_space<vmem>>
      %dma_start3A_1075 = tpu.memref_squeeze %dma_start3A_1074 : memref<1x80xi32, #tpu.memory_space<vmem>> -> memref<80xi32, #tpu.memory_space<vmem>>
      %dma_start3A_1076 = tpu.memref_slice %arg2[%add3A_1064] : memref<640000xi32, #tpu.memory_space<hbm>> -> memref<80xi32, #tpu.memory_space<hbm>>
      tpu.enqueue_dma source(%dma_start3A_1076 : memref<80xi32, #tpu.memory_space<hbm>>) target(%dma_start3A_1075 : memref<80xi32, #tpu.memory_space<vmem>>) target_semaphore(%dma_start3A_1072 : memref<!tpu.dma_semaphore, #tpu.memory_space<semaphore_mem>>)
      %dma_wait3A_1077 = arith.constant 1 : i32
      %dma_wait3A_1078 = arith.constant 1 : i32
      %dma_wait3A_1079 = arith.constant 1 : i32
      %dma_wait3A_1080 = arith.constant 0 : i32
      %dma_wait3A_1081 = arith.constant 0 : i32
      %dma_wait3A_1082 = tpu.memref_slice %arg9[%dma_wait3A_1078, %dma_wait3A_1080, %dma_wait3A_1081] : memref<2x80x128xf32, #tpu.memory_space<vmem>> -> memref<1x80x128xf32, #tpu.memory_space<vmem>>
      %dma_wait3A_1083 = tpu.memref_squeeze %dma_wait3A_1082 : memref<1x80x128xf32, #tpu.memory_space<vmem>> -> memref<80x128xf32, #tpu.memory_space<vmem>>
      %dma_wait3A_1084 = arith.constant 0 : i32
      %dma_wait3A_1085 = tpu.memref_slice %arg7[%dma_wait3A_1077, %dma_wait3A_1084] : memref<4x80xi32, #tpu.memory_space<vmem>> -> memref<1x80xi32, #tpu.memory_space<vmem>>
      %dma_wait3A_1086 = tpu.memref_squeeze %dma_wait3A_1085 : memref<1x80xi32, #tpu.memory_space<vmem>> -> memref<80xi32, #tpu.memory_space<vmem>>
      %dma_wait3A_1087 = arith.constant 0 : i32
      %dma_wait3A_1088 = arith.constant 0 : i32
      %dma_wait3A_1089 = tpu.memref_slice %arg3[%dma_wait3A_1087, %dma_wait3A_1088] : memref<10000x128xf32, #tpu.memory_space<hbm>> -> memref<10000x128xf32, #tpu.memory_space<hbm>>
      %dma_wait3A_1090 = tpu.memref_slice %arg14[%dma_wait3A_1079] : memref<2x!tpu.dma_semaphore, #tpu.memory_space<semaphore_mem>> -> memref<1x!tpu.dma_semaphore, #tpu.memory_space<semaphore_mem>>
      %dma_wait3A_1091 = tpu.memref_squeeze %dma_wait3A_1090 : memref<1x!tpu.dma_semaphore, #tpu.memory_space<semaphore_mem>> -> memref<!tpu.dma_semaphore, #tpu.memory_space<semaphore_mem>>
      tpu.wait_indirect_dma semaphore(%dma_wait3A_1091 : memref<!tpu.dma_semaphore, #tpu.memory_space<semaphore_mem>>) src(%dma_wait3A_1089 : memref<10000x128xf32, #tpu.memory_space<hbm>>) dst(%dma_wait3A_1083 : memref<80x128xf32, #tpu.memory_space<vmem>>)
      %dma_start3A_1092 = arith.constant 1 : i32
      %dma_start3A_1093 = arith.constant 1 : i32
      %dma_start3A_1094 = arith.constant 1 : i32
      %dma_start3A_1095 = arith.constant 0 : i32
      %dma_start3A_1096 = arith.constant 0 : i32
      %dma_start3A_1097 = tpu.memref_slice %arg9[%dma_start3A_1092, %dma_start3A_1095, %dma_start3A_1096] : memref<2x80x128xf32, #tpu.memory_space<vmem>> -> memref<1x80x128xf32, #tpu.memory_space<vmem>>
      %dma_start3A_1098 = tpu.memref_squeeze %dma_start3A_1097 : memref<1x80x128xf32, #tpu.memory_space<vmem>> -> memref<80x128xf32, #tpu.memory_space<vmem>>
      %dma_start3A_1099 = arith.constant 0 : i32
      %dma_start3A_1100 = tpu.memref_slice %arg8[%dma_start3A_1093, %dma_start3A_1099] : memref<4x80xi32, #tpu.memory_space<vmem>> -> memref<1x80xi32, #tpu.memory_space<vmem>>
      %dma_start3A_1101 = tpu.memref_squeeze %dma_start3A_1100 : memref<1x80xi32, #tpu.memory_space<vmem>> -> memref<80xi32, #tpu.memory_space<vmem>>
      %dma_start3A_1102 = arith.constant 0 : i32
      %dma_start3A_1103 = arith.constant 0 : i32
      %dma_start3A_1104 = tpu.memref_slice %arg13[%dma_start3A_1102, %dma_start3A_1103] : memref<10000x128xf32, #tpu.memory_space<vmem_shared>> -> memref<10000x128xf32, #tpu.memory_space<vmem_shared>>
      %dma_start3A_1105 = tpu.memref_slice %arg16[%dma_start3A_1094] : memref<2x!tpu.dma_semaphore, #tpu.memory_space<semaphore_mem>> -> memref<1x!tpu.dma_semaphore, #tpu.memory_space<semaphore_mem>>
      %dma_start3A_1106 = tpu.memref_squeeze %dma_start3A_1105 : memref<1x!tpu.dma_semaphore, #tpu.memory_space<semaphore_mem>> -> memref<!tpu.dma_semaphore, #tpu.memory_space<semaphore_mem>>
      tpu.enqueue_indirect_dma source(%dma_start3A_1098 : memref<80x128xf32, #tpu.memory_space<vmem>>) target(%dma_start3A_1104 : memref<10000x128xf32, #tpu.memory_space<vmem_shared>>) offsets(%dma_start3A_1101 : memref<80xi32, #tpu.memory_space<vmem>>) semaphore(%dma_start3A_1106 : memref<!tpu.dma_semaphore, #tpu.memory_space<semaphore_mem>>) {add = true}
      %get3A_1107 = arith.constant 1 : i32
      %get3A_1108 = arith.constant 0 : i32
      %get3A_1109 = tpu.memref_slice %arg7[%get3A_1107, %get3A_1108] : memref<4x80xi32, #tpu.memory_space<vmem>> -> memref<1x80xi32, #tpu.memory_space<vmem>>
      %get3A_1110 = tpu.memref_squeeze %get3A_1109 : memref<1x80xi32, #tpu.memory_space<vmem>> -> memref<80xi32, #tpu.memory_space<vmem>>
      %get3A_1111 = arith.constant 0 : index
      %get3A_1112 = tpu.vector_load %get3A_1110[%get3A_1111] {strides = array<i32>} : memref<80xi32, #tpu.memory_space<vmem>>, vector<16xi32>,
      %get3A_1113 = arith.constant 1 : i32
      %get3A_1114 = arith.constant 0 : i32
      %get3A_1115 = tpu.memref_slice %arg8[%get3A_1113, %get3A_1114] : memref<4x80xi32, #tpu.memory_space<vmem>> -> memref<1x80xi32, #tpu.memory_space<vmem>>
      %get3A_1116 = tpu.memref_squeeze %get3A_1115 : memref<1x80xi32, #tpu.memory_space<vmem>> -> memref<80xi32, #tpu.memory_space<vmem>>
      %get3A_1117 = arith.constant 0 : index
      %get3A_1118 = tpu.vector_load %get3A_1116[%get3A_1117] {strides = array<i32>} : memref<80xi32, #tpu.memory_space<vmem>>, vector<16xi32>,
      %gather3A_1119 = tpu.vector_load_idx %arg11[%get3A_1112] : memref<10000xf32, #tpu.memory_space<vmem>>[vector<16xi32>], vector<16xf32>,
      tpu.vector_store_idx %arg12[%get3A_1118], %gather3A_1119 {add = true} : memref<10000xf32, #tpu.memory_space<vmem>>[vector<16xi32>], vector<16xf32>,
      %get3A_1120 = arith.constant 1 : i32
      %get3A_1121 = arith.constant 0 : i32
      %get3A_1122 = tpu.memref_slice %arg7[%get3A_1120, %get3A_1121] : memref<4x80xi32, #tpu.memory_space<vmem>> -> memref<1x80xi32, #tpu.memory_space<vmem>>
      %get3A_1123 = tpu.memref_squeeze %get3A_1122 : memref<1x80xi32, #tpu.memory_space<vmem>> -> memref<80xi32, #tpu.memory_space<vmem>>
      %get3A_1124 = arith.constant 16 : index
      %get3A_1125 = tpu.vector_load %get3A_1123[%get3A_1124] {strides = array<i32>} : memref<80xi32, #tpu.memory_space<vmem>>, vector<16xi32>,
      %get3A_1126 = arith.constant 1 : i32
      %get3A_1127 = arith.constant 0 : i32
      %get3A_1128 = tpu.memref_slice %arg8[%get3A_1126, %get3A_1127] : memref<4x80xi32, #tpu.memory_space<vmem>> -> memref<1x80xi32, #tpu.memory_space<vmem>>
      %get3A_1129 = tpu.memref_squeeze %get3A_1128 : memref<1x80xi32, #tpu.memory_space<vmem>> -> memref<80xi32, #tpu.memory_space<vmem>>
      %get3A_1130 = arith.constant 16 : index
      %get3A_1131 = tpu.vector_load %get3A_1129[%get3A_1130] {strides = array<i32>} : memref<80xi32, #tpu.memory_space<vmem>>, vector<16xi32>,
      %gather3A_1132 = tpu.vector_load_idx %arg11[%get3A_1125] : memref<10000xf32, #tpu.memory_space<vmem>>[vector<16xi32>], vector<16xf32>,
      tpu.vector_store_idx %arg12[%get3A_1131], %gather3A_1132 {add = true} : memref<10000xf32, #tpu.memory_space<vmem>>[vector<16xi32>], vector<16xf32>,
      %get3A_1133 = arith.constant 1 : i32
      %get3A_1134 = arith.constant 0 : i32
      %get3A_1135 = tpu.memref_slice %arg7[%get3A_1133, %get3A_1134] : memref<4x80xi32, #tpu.memory_space<vmem>> -> memref<1x80xi32, #tpu.memory_space<vmem>>
      %get3A_1136 = tpu.memref_squeeze %get3A_1135 : memref<1x80xi32, #tpu.memory_space<vmem>> -> memref<80xi32, #tpu.memory_space<vmem>>
      %get3A_1137 = arith.constant 32 : index
      %get3A_1138 = tpu.vector_load %get3A_1136[%get3A_1137] {strides = array<i32>} : memref<80xi32, #tpu.memory_space<vmem>>, vector<16xi32>,
      %get3A_1139 = arith.constant 1 : i32
      %get3A_1140 = arith.constant 0 : i32
      %get3A_1141 = tpu.memref_slice %arg8[%get3A_1139, %get3A_1140] : memref<4x80xi32, #tpu.memory_space<vmem>> -> memref<1x80xi32, #tpu.memory_space<vmem>>
      %get3A_1142 = tpu.memref_squeeze %get3A_1141 : memref<1x80xi32, #tpu.memory_space<vmem>> -> memref<80xi32, #tpu.memory_space<vmem>>
      %get3A_1143 = arith.constant 32 : index
      %get3A_1144 = tpu.vector_load %get3A_1142[%get3A_1143] {strides = array<i32>} : memref<80xi32, #tpu.memory_space<vmem>>, vector<16xi32>,
      %gather3A_1145 = tpu.vector_load_idx %arg11[%get3A_1138] : memref<10000xf32, #tpu.memory_space<vmem>>[vector<16xi32>], vector<16xf32>,
      tpu.vector_store_idx %arg12[%get3A_1144], %gather3A_1145 {add = true} : memref<10000xf32, #tpu.memory_space<vmem>>[vector<16xi32>], vector<16xf32>,
      %get3A_1146 = arith.constant 1 : i32
      %get3A_1147 = arith.constant 0 : i32
      %get3A_1148 = tpu.memref_slice %arg7[%get3A_1146, %get3A_1147] : memref<4x80xi32, #tpu.memory_space<vmem>> -> memref<1x80xi32, #tpu.memory_space<vmem>>
      %get3A_1149 = tpu.memref_squeeze %get3A_1148 : memref<1x80xi32, #tpu.memory_space<vmem>> -> memref<80xi32, #tpu.memory_space<vmem>>
      %get3A_1150 = arith.constant 48 : index
      %get3A_1151 = tpu.vector_load %get3A_1149[%get3A_1150] {strides = array<i32>} : memref<80xi32, #tpu.memory_space<vmem>>, vector<16xi32>,
      %get3A_1152 = arith.constant 1 : i32
      %get3A_1153 = arith.constant 0 : i32
      %get3A_1154 = tpu.memref_slice %arg8[%get3A_1152, %get3A_1153] : memref<4x80xi32, #tpu.memory_space<vmem>> -> memref<1x80xi32, #tpu.memory_space<vmem>>
      %get3A_1155 = tpu.memref_squeeze %get3A_1154 : memref<1x80xi32, #tpu.memory_space<vmem>> -> memref<80xi32, #tpu.memory_space<vmem>>
      %get3A_1156 = arith.constant 48 : index
      %get3A_1157 = tpu.vector_load %get3A_1155[%get3A_1156] {strides = array<i32>} : memref<80xi32, #tpu.memory_space<vmem>>, vector<16xi32>,
      %gather3A_1158 = tpu.vector_load_idx %arg11[%get3A_1151] : memref<10000xf32, #tpu.memory_space<vmem>>[vector<16xi32>], vector<16xf32>,
      tpu.vector_store_idx %arg12[%get3A_1157], %gather3A_1158 {add = true} : memref<10000xf32, #tpu.memory_space<vmem>>[vector<16xi32>], vector<16xf32>,
      %get3A_1159 = arith.constant 1 : i32
      %get3A_1160 = arith.constant 0 : i32
      %get3A_1161 = tpu.memref_slice %arg7[%get3A_1159, %get3A_1160] : memref<4x80xi32, #tpu.memory_space<vmem>> -> memref<1x80xi32, #tpu.memory_space<vmem>>
      %get3A_1162 = tpu.memref_squeeze %get3A_1161 : memref<1x80xi32, #tpu.memory_space<vmem>> -> memref<80xi32, #tpu.memory_space<vmem>>
      %get3A_1163 = arith.constant 64 : index
      %get3A_1164 = tpu.vector_load %get3A_1162[%get3A_1163] {strides = array<i32>} : memref<80xi32, #tpu.memory_space<vmem>>, vector<16xi32>,
      %get3A_1165 = arith.constant 1 : i32
      %get3A_1166 = arith.constant 0 : i32
      %get3A_1167 = tpu.memref_slice %arg8[%get3A_1165, %get3A_1166] : memref<4x80xi32, #tpu.memory_space<vmem>> -> memref<1x80xi32, #tpu.memory_space<vmem>>
      %get3A_1168 = tpu.memref_squeeze %get3A_1167 : memref<1x80xi32, #tpu.memory_space<vmem>> -> memref<80xi32, #tpu.memory_space<vmem>>
      %get3A_1169 = arith.constant 64 : index
      %get3A_1170 = tpu.vector_load %get3A_1168[%get3A_1169] {strides = array<i32>} : memref<80xi32, #tpu.memory_space<vmem>>, vector<16xi32>,
      %gather3A_1171 = tpu.vector_load_idx %arg11[%get3A_1164] : memref<10000xf32, #tpu.memory_space<vmem>>[vector<16xi32>], vector<16xf32>,
      tpu.vector_store_idx %arg12[%get3A_1170], %gather3A_1171 {add = true} : memref<10000xf32, #tpu.memory_space<vmem>>[vector<16xi32>], vector<16xf32>,
      %mul3A_1172 = arith.constant 4 : i32
      %mul3A_1173 = arith.muli %mul3A_1172, %scan3A_971 : i32
      %add3A_1174 = arith.constant 1 : i32
      %add3A_1175 = arith.addi %add3A_1174, %mul3A_1173 : i32
      %add3A_1176 = arith.constant 1 : i32
      %add3A_1177 = arith.addi %add3A_1175, %add3A_1176 : i32
      %add3A_1178 = arith.constant 1 : i32
      %add3A_1179 = arith.addi %add3A_1177, %add3A_1178 : i32
      %mul3A_1180 = arith.constant 80 : i32
      %mul3A_1181 = arith.muli %add3A_1179, %mul3A_1180 : i32
      %add3A_1182 = arith.addi %mul3A_2, %mul3A_1181 : i32
      %dma_wait3A_1183 = arith.constant 3 : i32
      %dma_wait3A_1184 = arith.constant 3 : i32
      %dma_wait3A_1185 = arith.constant 0 : i32
      %dma_wait3A_1186 = tpu.memref_slice %arg7[%dma_wait3A_1183, %dma_wait3A_1185] : memref<4x80xi32, #tpu.memory_space<vmem>> -> memref<1x80xi32, #tpu.memory_space<vmem>>
      %dma_wait3A_1187 = tpu.memref_squeeze %dma_wait3A_1186 : memref<1x80xi32, #tpu.memory_space<vmem>> -> memref<80xi32, #tpu.memory_space<vmem>>
      %dma_wait3A_1188 = tpu.memref_slice %arg2[%add3A_1182] : memref<640000xi32, #tpu.memory_space<hbm>> -> memref<80xi32, #tpu.memory_space<hbm>>
      %dma_wait3A_1189 = tpu.memref_slice %arg15[%dma_wait3A_1184] : memref<4x!tpu.dma_semaphore, #tpu.memory_space<semaphore_mem>> -> memref<1x!tpu.dma_semaphore, #tpu.memory_space<semaphore_mem>>
      %dma_wait3A_1190 = tpu.memref_squeeze %dma_wait3A_1189 : memref<1x!tpu.dma_semaphore, #tpu.memory_space<semaphore_mem>> -> memref<!tpu.dma_semaphore, #tpu.memory_space<semaphore_mem>>
      %dma_wait3A_1191 = arith.constant 0 : i32
      %dma_wait3A_1192 = tpu.memref_slice %arg7[%dma_wait3A_1183, %dma_wait3A_1191] : memref<4x80xi32, #tpu.memory_space<vmem>> -> memref<1x80xi32, #tpu.memory_space<vmem>>
      %dma_wait3A_1193 = tpu.memref_squeeze %dma_wait3A_1192 : memref<1x80xi32, #tpu.memory_space<vmem>> -> memref<80xi32, #tpu.memory_space<vmem>>
      %dma_wait3A_1194 = tpu.memref_slice %arg2[%add3A_1182] : memref<640000xi32, #tpu.memory_space<hbm>> -> memref<80xi32, #tpu.memory_space<hbm>>
      tpu.wait_dma2 semaphore(%dma_wait3A_1190 : memref<!tpu.dma_semaphore, #tpu.memory_space<semaphore_mem>>) src(%dma_wait3A_1194 : memref<80xi32, #tpu.memory_space<hbm>>) dst(%dma_wait3A_1193 : memref<80xi32, #tpu.memory_space<vmem>>)
      %add3A_1195 = arith.constant 320000 : i32
      %add3A_1196 = arith.addi %add3A_1195, %mul3A_2 : i32
      %mul3A_1197 = arith.constant 80 : i32
      %mul3A_1198 = arith.muli %add3A_1179, %mul3A_1197 : i32
      %add3A_1199 = arith.addi %add3A_1196, %mul3A_1198 : i32
      %dma_wait3A_1200 = arith.constant 3 : i32
      %dma_wait3A_1201 = arith.constant 3 : i32
      %dma_wait3A_1202 = arith.constant 0 : i32
      %dma_wait3A_1203 = tpu.memref_slice %arg8[%dma_wait3A_1200, %dma_wait3A_1202] : memref<4x80xi32, #tpu.memory_space<vmem>> -> memref<1x80xi32, #tpu.memory_space<vmem>>
      %dma_wait3A_1204 = tpu.memref_squeeze %dma_wait3A_1203 : memref<1x80xi32, #tpu.memory_space<vmem>> -> memref<80xi32, #tpu.memory_space<vmem>>
      %dma_wait3A_1205 = tpu.memref_slice %arg2[%add3A_1199] : memref<640000xi32, #tpu.memory_space<hbm>> -> memref<80xi32, #tpu.memory_space<hbm>>
      %dma_wait3A_1206 = tpu.memref_slice %arg15[%dma_wait3A_1201] : memref<4x!tpu.dma_semaphore, #tpu.memory_space<semaphore_mem>> -> memref<1x!tpu.dma_semaphore, #tpu.memory_space<semaphore_mem>>
      %dma_wait3A_1207 = tpu.memref_squeeze %dma_wait3A_1206 : memref<1x!tpu.dma_semaphore, #tpu.memory_space<semaphore_mem>> -> memref<!tpu.dma_semaphore, #tpu.memory_space<semaphore_mem>>
      %dma_wait3A_1208 = arith.constant 0 : i32
      %dma_wait3A_1209 = tpu.memref_slice %arg8[%dma_wait3A_1200, %dma_wait3A_1208] : memref<4x80xi32, #tpu.memory_space<vmem>> -> memref<1x80xi32, #tpu.memory_space<vmem>>
      %dma_wait3A_1210 = tpu.memref_squeeze %dma_wait3A_1209 : memref<1x80xi32, #tpu.memory_space<vmem>> -> memref<80xi32, #tpu.memory_space<vmem>>
      %dma_wait3A_1211 = tpu.memref_slice %arg2[%add3A_1199] : memref<640000xi32, #tpu.memory_space<hbm>> -> memref<80xi32, #tpu.memory_space<hbm>>
      tpu.wait_dma2 semaphore(%dma_wait3A_1207 : memref<!tpu.dma_semaphore, #tpu.memory_space<semaphore_mem>>) src(%dma_wait3A_1211 : memref<80xi32, #tpu.memory_space<hbm>>) dst(%dma_wait3A_1210 : memref<80xi32, #tpu.memory_space<vmem>>)
      %dma_wait3A_1212 = arith.constant 1 : i32
      %dma_wait3A_1213 = arith.constant 1 : i32
      %dma_wait3A_1214 = arith.constant 1 : i32
      %dma_wait3A_1215 = arith.constant 0 : i32
      %dma_wait3A_1216 = arith.constant 0 : i32
      %dma_wait3A_1217 = tpu.memref_slice %arg9[%dma_wait3A_1212, %dma_wait3A_1215, %dma_wait3A_1216] : memref<2x80x128xf32, #tpu.memory_space<vmem>> -> memref<1x80x128xf32, #tpu.memory_space<vmem>>
      %dma_wait3A_1218 = tpu.memref_squeeze %dma_wait3A_1217 : memref<1x80x128xf32, #tpu.memory_space<vmem>> -> memref<80x128xf32, #tpu.memory_space<vmem>>
      %dma_wait3A_1219 = arith.constant 0 : i32
      %dma_wait3A_1220 = tpu.memref_slice %arg8[%dma_wait3A_1213, %dma_wait3A_1219] : memref<4x80xi32, #tpu.memory_space<vmem>> -> memref<1x80xi32, #tpu.memory_space<vmem>>
      %dma_wait3A_1221 = tpu.memref_squeeze %dma_wait3A_1220 : memref<1x80xi32, #tpu.memory_space<vmem>> -> memref<80xi32, #tpu.memory_space<vmem>>
      %dma_wait3A_1222 = arith.constant 0 : i32
      %dma_wait3A_1223 = arith.constant 0 : i32
      %dma_wait3A_1224 = tpu.memref_slice %arg13[%dma_wait3A_1222, %dma_wait3A_1223] : memref<10000x128xf32, #tpu.memory_space<vmem_shared>> -> memref<10000x128xf32, #tpu.memory_space<vmem_shared>>
      %dma_wait3A_1225 = tpu.memref_slice %arg16[%dma_wait3A_1214] : memref<2x!tpu.dma_semaphore, #tpu.memory_space<semaphore_mem>> -> memref<1x!tpu.dma_semaphore, #tpu.memory_space<semaphore_mem>>
      %dma_wait3A_1226 = tpu.memref_squeeze %dma_wait3A_1225 : memref<1x!tpu.dma_semaphore, #tpu.memory_space<semaphore_mem>> -> memref<!tpu.dma_semaphore, #tpu.memory_space<semaphore_mem>>
      tpu.wait_indirect_dma semaphore(%dma_wait3A_1226 : memref<!tpu.dma_semaphore, #tpu.memory_space<semaphore_mem>>) src(%dma_wait3A_1218 : memref<80x128xf32, #tpu.memory_space<vmem>>) dst(%dma_wait3A_1224 : memref<10000x128xf32, #tpu.memory_space<vmem_shared>>)
      %dma_start3A_1227 = arith.constant 3 : i32
      %dma_start3A_1228 = arith.constant 1 : i32
      %dma_start3A_1229 = arith.constant 1 : i32
      %dma_start3A_1230 = arith.constant 0 : i32
      %dma_start3A_1231 = arith.constant 0 : i32
      %dma_start3A_1232 = tpu.memref_slice %arg9[%dma_start3A_1228, %dma_start3A_1230, %dma_start3A_1231] : memref<2x80x128xf32, #tpu.memory_space<vmem>> -> memref<1x80x128xf32, #tpu.memory_space<vmem>>
      %dma_start3A_1233 = tpu.memref_squeeze %dma_start3A_1232 : memref<1x80x128xf32, #tpu.memory_space<vmem>> -> memref<80x128xf32, #tpu.memory_space<vmem>>
      %dma_start3A_1234 = arith.constant 0 : i32
      %dma_start3A_1235 = tpu.memref_slice %arg7[%dma_start3A_1227, %dma_start3A_1234] : memref<4x80xi32, #tpu.memory_space<vmem>> -> memref<1x80xi32, #tpu.memory_space<vmem>>
      %dma_start3A_1236 = tpu.memref_squeeze %dma_start3A_1235 : memref<1x80xi32, #tpu.memory_space<vmem>> -> memref<80xi32, #tpu.memory_space<vmem>>
      %dma_start3A_1237 = arith.constant 0 : i32
      %dma_start3A_1238 = arith.constant 0 : i32
      %dma_start3A_1239 = tpu.memref_slice %arg3[%dma_start3A_1237, %dma_start3A_1238] : memref<10000x128xf32, #tpu.memory_space<hbm>> -> memref<10000x128xf32, #tpu.memory_space<hbm>>
      %dma_start3A_1240 = tpu.memref_slice %arg14[%dma_start3A_1229] : memref<2x!tpu.dma_semaphore, #tpu.memory_space<semaphore_mem>> -> memref<1x!tpu.dma_semaphore, #tpu.memory_space<semaphore_mem>>
      %dma_start3A_1241 = tpu.memref_squeeze %dma_start3A_1240 : memref<1x!tpu.dma_semaphore, #tpu.memory_space<semaphore_mem>> -> memref<!tpu.dma_semaphore, #tpu.memory_space<semaphore_mem>>
      tpu.enqueue_indirect_dma source(%dma_start3A_1239 : memref<10000x128xf32, #tpu.memory_space<hbm>>) target(%dma_start3A_1233 : memref<80x128xf32, #tpu.memory_space<vmem>>) offsets(%dma_start3A_1236 : memref<80xi32, #tpu.memory_space<vmem>>) semaphore(%dma_start3A_1241 : memref<!tpu.dma_semaphore, #tpu.memory_space<semaphore_mem>>)
      %add3A_1242 = arith.constant 3 : i32
      %add3A_1243 = arith.addi %add3A_1177, %add3A_1242 : i32
      %mul3A_1244 = arith.constant 80 : i32
      %mul3A_1245 = arith.muli %add3A_1243, %mul3A_1244 : i32
      %add3A_1246 = arith.addi %mul3A_2, %mul3A_1245 : i32
      %dma_start3A_1247 = arith.constant 1 : i32
      %dma_start3A_1248 = arith.constant 1 : i32
      %dma_start3A_1249 = arith.constant 0 : i32
      %dma_start3A_1250 = tpu.memref_slice %arg7[%dma_start3A_1247, %dma_start3A_1249] : memref<4x80xi32, #tpu.memory_space<vmem>> -> memref<1x80xi32, #tpu.memory_space<vmem>>
      %dma_start3A_1251 = tpu.memref_squeeze %dma_start3A_1250 : memref<1x80xi32, #tpu.memory_space<vmem>> -> memref<80xi32, #tpu.memory_space<vmem>>
      %dma_start3A_1252 = tpu.memref_slice %arg2[%add3A_1246] : memref<640000xi32, #tpu.memory_space<hbm>> -> memref<80xi32, #tpu.memory_space<hbm>>
      %dma_start3A_1253 = tpu.memref_slice %arg15[%dma_start3A_1248] : memref<4x!tpu.dma_semaphore, #tpu.memory_space<semaphore_mem>> -> memref<1x!tpu.dma_semaphore, #tpu.memory_space<semaphore_mem>>
      %dma_start3A_1254 = tpu.memref_squeeze %dma_start3A_1253 : memref<1x!tpu.dma_semaphore, #tpu.memory_space<semaphore_mem>> -> memref<!tpu.dma_semaphore, #tpu.memory_space<semaphore_mem>>
      %dma_start3A_1255 = arith.constant 0 : i32
      %dma_start3A_1256 = tpu.memref_slice %arg7[%dma_start3A_1247, %dma_start3A_1255] : memref<4x80xi32, #tpu.memory_space<vmem>> -> memref<1x80xi32, #tpu.memory_space<vmem>>
      %dma_start3A_1257 = tpu.memref_squeeze %dma_start3A_1256 : memref<1x80xi32, #tpu.memory_space<vmem>> -> memref<80xi32, #tpu.memory_space<vmem>>
      %dma_start3A_1258 = tpu.memref_slice %arg2[%add3A_1246] : memref<640000xi32, #tpu.memory_space<hbm>> -> memref<80xi32, #tpu.memory_space<hbm>>
      tpu.enqueue_dma source(%dma_start3A_1258 : memref<80xi32, #tpu.memory_space<hbm>>) target(%dma_start3A_1257 : memref<80xi32, #tpu.memory_space<vmem>>) target_semaphore(%dma_start3A_1254 : memref<!tpu.dma_semaphore, #tpu.memory_space<semaphore_mem>>)
      %add3A_1259 = arith.constant 320000 : i32
      %add3A_1260 = arith.addi %add3A_1259, %mul3A_2 : i32
      %mul3A_1261 = arith.constant 80 : i32
      %mul3A_1262 = arith.muli %add3A_1243, %mul3A_1261 : i32
      %add3A_1263 = arith.addi %add3A_1260, %mul3A_1262 : i32
      %dma_start3A_1264 = arith.constant 1 : i32
      %dma_start3A_1265 = arith.constant 1 : i32
      %dma_start3A_1266 = arith.constant 0 : i32
      %dma_start3A_1267 = tpu.memref_slice %arg8[%dma_start3A_1264, %dma_start3A_1266] : memref<4x80xi32, #tpu.memory_space<vmem>> -> memref<1x80xi32, #tpu.memory_space<vmem>>
      %dma_start3A_1268 = tpu.memref_squeeze %dma_start3A_1267 : memref<1x80xi32, #tpu.memory_space<vmem>> -> memref<80xi32, #tpu.memory_space<vmem>>
      %dma_start3A_1269 = tpu.memref_slice %arg2[%add3A_1263] : memref<640000xi32, #tpu.memory_space<hbm>> -> memref<80xi32, #tpu.memory_space<hbm>>
      %dma_start3A_1270 = tpu.memref_slice %arg15[%dma_start3A_1265] : memref<4x!tpu.dma_semaphore, #tpu.memory_space<semaphore_mem>> -> memref<1x!tpu.dma_semaphore, #tpu.memory_space<semaphore_mem>>
      %dma_start3A_1271 = tpu.memref_squeeze %dma_start3A_1270 : memref<1x!tpu.dma_semaphore, #tpu.memory_space<semaphore_mem>> -> memref<!tpu.dma_semaphore, #tpu.memory_space<semaphore_mem>>
      %dma_start3A_1272 = arith.constant 0 : i32
      %dma_start3A_1273 = tpu.memref_slice %arg8[%dma_start3A_1264, %dma_start3A_1272] : memref<4x80xi32, #tpu.memory_space<vmem>> -> memref<1x80xi32, #tpu.memory_space<vmem>>
      %dma_start3A_1274 = tpu.memref_squeeze %dma_start3A_1273 : memref<1x80xi32, #tpu.memory_space<vmem>> -> memref<80xi32, #tpu.memory_space<vmem>>
      %dma_start3A_1275 = tpu.memref_slice %arg2[%add3A_1263] : memref<640000xi32, #tpu.memory_space<hbm>> -> memref<80xi32, #tpu.memory_space<hbm>>
      tpu.enqueue_dma source(%dma_start3A_1275 : memref<80xi32, #tpu.memory_space<hbm>>) target(%dma_start3A_1274 : memref<80xi32, #tpu.memory_space<vmem>>) target_semaphore(%dma_start3A_1271 : memref<!tpu.dma_semaphore, #tpu.memory_space<semaphore_mem>>)
      %dma_wait3A_1276 = arith.constant 2 : i32
      %dma_wait3A_1277 = arith.constant 0 : i32
      %dma_wait3A_1278 = arith.constant 0 : i32
      %dma_wait3A_1279 = arith.constant 0 : i32
      %dma_wait3A_1280 = arith.constant 0 : i32
      %dma_wait3A_1281 = tpu.memref_slice %arg9[%dma_wait3A_1277, %dma_wait3A_1279, %dma_wait3A_1280] : memref<2x80x128xf32, #tpu.memory_space<vmem>> -> memref<1x80x128xf32, #tpu.memory_space<vmem>>
      %dma_wait3A_1282 = tpu.memref_squeeze %dma_wait3A_1281 : memref<1x80x128xf32, #tpu.memory_space<vmem>> -> memref<80x128xf32, #tpu.memory_space<vmem>>
      %dma_wait3A_1283 = arith.constant 0 : i32
      %dma_wait3A_1284 = tpu.memref_slice %arg7[%dma_wait3A_1276, %dma_wait3A_1283] : memref<4x80xi32, #tpu.memory_space<vmem>> -> memref<1x80xi32, #tpu.memory_space<vmem>>
      %dma_wait3A_1285 = tpu.memref_squeeze %dma_wait3A_1284 : memref<1x80xi32, #tpu.memory_space<vmem>> -> memref<80xi32, #tpu.memory_space<vmem>>
      %dma_wait3A_1286 = arith.constant 0 : i32
      %dma_wait3A_1287 = arith.constant 0 : i32
      %dma_wait3A_1288 = tpu.memref_slice %arg3[%dma_wait3A_1286, %dma_wait3A_1287] : memref<10000x128xf32, #tpu.memory_space<hbm>> -> memref<10000x128xf32, #tpu.memory_space<hbm>>
      %dma_wait3A_1289 = tpu.memref_slice %arg14[%dma_wait3A_1278] : memref<2x!tpu.dma_semaphore, #tpu.memory_space<semaphore_mem>> -> memref<1x!tpu.dma_semaphore, #tpu.memory_space<semaphore_mem>>
      %dma_wait3A_1290 = tpu.memref_squeeze %dma_wait3A_1289 : memref<1x!tpu.dma_semaphore, #tpu.memory_space<semaphore_mem>> -> memref<!tpu.dma_semaphore, #tpu.memory_space<semaphore_mem>>
      tpu.wait_indirect_dma semaphore(%dma_wait3A_1290 : memref<!tpu.dma_semaphore, #tpu.memory_space<semaphore_mem>>) src(%dma_wait3A_1288 : memref<10000x128xf32, #tpu.memory_space<hbm>>) dst(%dma_wait3A_1282 : memref<80x128xf32, #tpu.memory_space<vmem>>)
      %dma_start3A_1291 = arith.constant 0 : i32
      %dma_start3A_1292 = arith.constant 2 : i32
      %dma_start3A_1293 = arith.constant 0 : i32
      %dma_start3A_1294 = arith.constant 0 : i32
      %dma_start3A_1295 = arith.constant 0 : i32
      %dma_start3A_1296 = tpu.memref_slice %arg9[%dma_start3A_1291, %dma_start3A_1294, %dma_start3A_1295] : memref<2x80x128xf32, #tpu.memory_space<vmem>> -> memref<1x80x128xf32, #tpu.memory_space<vmem>>
      %dma_start3A_1297 = tpu.memref_squeeze %dma_start3A_1296 : memref<1x80x128xf32, #tpu.memory_space<vmem>> -> memref<80x128xf32, #tpu.memory_space<vmem>>
      %dma_start3A_1298 = arith.constant 0 : i32
      %dma_start3A_1299 = tpu.memref_slice %arg8[%dma_start3A_1292, %dma_start3A_1298] : memref<4x80xi32, #tpu.memory_space<vmem>> -> memref<1x80xi32, #tpu.memory_space<vmem>>
      %dma_start3A_1300 = tpu.memref_squeeze %dma_start3A_1299 : memref<1x80xi32, #tpu.memory_space<vmem>> -> memref<80xi32, #tpu.memory_space<vmem>>
      %dma_start3A_1301 = arith.constant 0 : i32
      %dma_start3A_1302 = arith.constant 0 : i32
      %dma_start3A_1303 = tpu.memref_slice %arg13[%dma_start3A_1301, %dma_start3A_1302] : memref<10000x128xf32, #tpu.memory_space<vmem_shared>> -> memref<10000x128xf32, #tpu.memory_space<vmem_shared>>
      %dma_start3A_1304 = tpu.memref_slice %arg16[%dma_start3A_1293] : memref<2x!tpu.dma_semaphore, #tpu.memory_space<semaphore_mem>> -> memref<1x!tpu.dma_semaphore, #tpu.memory_space<semaphore_mem>>
      %dma_start3A_1305 = tpu.memref_squeeze %dma_start3A_1304 : memref<1x!tpu.dma_semaphore, #tpu.memory_space<semaphore_mem>> -> memref<!tpu.dma_semaphore, #tpu.memory_space<semaphore_mem>>
      tpu.enqueue_indirect_dma source(%dma_start3A_1297 : memref<80x128xf32, #tpu.memory_space<vmem>>) target(%dma_start3A_1303 : memref<10000x128xf32, #tpu.memory_space<vmem_shared>>) offsets(%dma_start3A_1300 : memref<80xi32, #tpu.memory_space<vmem>>) semaphore(%dma_start3A_1305 : memref<!tpu.dma_semaphore, #tpu.memory_space<semaphore_mem>>) {add = true}
      %get3A_1306 = arith.constant 2 : i32
      %get3A_1307 = arith.constant 0 : i32
      %get3A_1308 = tpu.memref_slice %arg7[%get3A_1306, %get3A_1307] : memref<4x80xi32, #tpu.memory_space<vmem>> -> memref<1x80xi32, #tpu.memory_space<vmem>>
      %get3A_1309 = tpu.memref_squeeze %get3A_1308 : memref<1x80xi32, #tpu.memory_space<vmem>> -> memref<80xi32, #tpu.memory_space<vmem>>
      %get3A_1310 = arith.constant 0 : index
      %get3A_1311 = tpu.vector_load %get3A_1309[%get3A_1310] {strides = array<i32>} : memref<80xi32, #tpu.memory_space<vmem>>, vector<16xi32>,
      %get3A_1312 = arith.constant 2 : i32
      %get3A_1313 = arith.constant 0 : i32
      %get3A_1314 = tpu.memref_slice %arg8[%get3A_1312, %get3A_1313] : memref<4x80xi32, #tpu.memory_space<vmem>> -> memref<1x80xi32, #tpu.memory_space<vmem>>
      %get3A_1315 = tpu.memref_squeeze %get3A_1314 : memref<1x80xi32, #tpu.memory_space<vmem>> -> memref<80xi32, #tpu.memory_space<vmem>>
      %get3A_1316 = arith.constant 0 : index
      %get3A_1317 = tpu.vector_load %get3A_1315[%get3A_1316] {strides = array<i32>} : memref<80xi32, #tpu.memory_space<vmem>>, vector<16xi32>,
      %gather3A_1318 = tpu.vector_load_idx %arg11[%get3A_1311] : memref<10000xf32, #tpu.memory_space<vmem>>[vector<16xi32>], vector<16xf32>,
      tpu.vector_store_idx %arg12[%get3A_1317], %gather3A_1318 {add = true} : memref<10000xf32, #tpu.memory_space<vmem>>[vector<16xi32>], vector<16xf32>,
      %get3A_1319 = arith.constant 2 : i32
      %get3A_1320 = arith.constant 0 : i32
      %get3A_1321 = tpu.memref_slice %arg7[%get3A_1319, %get3A_1320] : memref<4x80xi32, #tpu.memory_space<vmem>> -> memref<1x80xi32, #tpu.memory_space<vmem>>
      %get3A_1322 = tpu.memref_squeeze %get3A_1321 : memref<1x80xi32, #tpu.memory_space<vmem>> -> memref<80xi32, #tpu.memory_space<vmem>>
      %get3A_1323 = arith.constant 16 : index
      %get3A_1324 = tpu.vector_load %get3A_1322[%get3A_1323] {strides = array<i32>} : memref<80xi32, #tpu.memory_space<vmem>>, vector<16xi32>,
      %get3A_1325 = arith.constant 2 : i32
      %get3A_1326 = arith.constant 0 : i32
      %get3A_1327 = tpu.memref_slice %arg8[%get3A_1325, %get3A_1326] : memref<4x80xi32, #tpu.memory_space<vmem>> -> memref<1x80xi32, #tpu.memory_space<vmem>>
      %get3A_1328 = tpu.memref_squeeze %get3A_1327 : memref<1x80xi32, #tpu.memory_space<vmem>> -> memref<80xi32, #tpu.memory_space<vmem>>
      %get3A_1329 = arith.constant 16 : index
      %get3A_1330 = tpu.vector_load %get3A_1328[%get3A_1329] {strides = array<i32>} : memref<80xi32, #tpu.memory_space<vmem>>, vector<16xi32>,
      %gather3A_1331 = tpu.vector_load_idx %arg11[%get3A_1324] : memref<10000xf32, #tpu.memory_space<vmem>>[vector<16xi32>], vector<16xf32>,
      tpu.vector_store_idx %arg12[%get3A_1330], %gather3A_1331 {add = true} : memref<10000xf32, #tpu.memory_space<vmem>>[vector<16xi32>], vector<16xf32>,
      %get3A_1332 = arith.constant 2 : i32
      %get3A_1333 = arith.constant 0 : i32
      %get3A_1334 = tpu.memref_slice %arg7[%get3A_1332, %get3A_1333] : memref<4x80xi32, #tpu.memory_space<vmem>> -> memref<1x80xi32, #tpu.memory_space<vmem>>
      %get3A_1335 = tpu.memref_squeeze %get3A_1334 : memref<1x80xi32, #tpu.memory_space<vmem>> -> memref<80xi32, #tpu.memory_space<vmem>>
      %get3A_1336 = arith.constant 32 : index
      %get3A_1337 = tpu.vector_load %get3A_1335[%get3A_1336] {strides = array<i32>} : memref<80xi32, #tpu.memory_space<vmem>>, vector<16xi32>,
      %get3A_1338 = arith.constant 2 : i32
      %get3A_1339 = arith.constant 0 : i32
      %get3A_1340 = tpu.memref_slice %arg8[%get3A_1338, %get3A_1339] : memref<4x80xi32, #tpu.memory_space<vmem>> -> memref<1x80xi32, #tpu.memory_space<vmem>>
      %get3A_1341 = tpu.memref_squeeze %get3A_1340 : memref<1x80xi32, #tpu.memory_space<vmem>> -> memref<80xi32, #tpu.memory_space<vmem>>
      %get3A_1342 = arith.constant 32 : index
      %get3A_1343 = tpu.vector_load %get3A_1341[%get3A_1342] {strides = array<i32>} : memref<80xi32, #tpu.memory_space<vmem>>, vector<16xi32>,
      %gather3A_1344 = tpu.vector_load_idx %arg11[%get3A_1337] : memref<10000xf32, #tpu.memory_space<vmem>>[vector<16xi32>], vector<16xf32>,
      tpu.vector_store_idx %arg12[%get3A_1343], %gather3A_1344 {add = true} : memref<10000xf32, #tpu.memory_space<vmem>>[vector<16xi32>], vector<16xf32>,
      %get3A_1345 = arith.constant 2 : i32
      %get3A_1346 = arith.constant 0 : i32
      %get3A_1347 = tpu.memref_slice %arg7[%get3A_1345, %get3A_1346] : memref<4x80xi32, #tpu.memory_space<vmem>> -> memref<1x80xi32, #tpu.memory_space<vmem>>
      %get3A_1348 = tpu.memref_squeeze %get3A_1347 : memref<1x80xi32, #tpu.memory_space<vmem>> -> memref<80xi32, #tpu.memory_space<vmem>>
      %get3A_1349 = arith.constant 48 : index
      %get3A_1350 = tpu.vector_load %get3A_1348[%get3A_1349] {strides = array<i32>} : memref<80xi32, #tpu.memory_space<vmem>>, vector<16xi32>,
      %get3A_1351 = arith.constant 2 : i32
      %get3A_1352 = arith.constant 0 : i32
      %get3A_1353 = tpu.memref_slice %arg8[%get3A_1351, %get3A_1352] : memref<4x80xi32, #tpu.memory_space<vmem>> -> memref<1x80xi32, #tpu.memory_space<vmem>>
      %get3A_1354 = tpu.memref_squeeze %get3A_1353 : memref<1x80xi32, #tpu.memory_space<vmem>> -> memref<80xi32, #tpu.memory_space<vmem>>
      %get3A_1355 = arith.constant 48 : index
      %get3A_1356 = tpu.vector_load %get3A_1354[%get3A_1355] {strides = array<i32>} : memref<80xi32, #tpu.memory_space<vmem>>, vector<16xi32>,
      %gather3A_1357 = tpu.vector_load_idx %arg11[%get3A_1350] : memref<10000xf32, #tpu.memory_space<vmem>>[vector<16xi32>], vector<16xf32>,
      tpu.vector_store_idx %arg12[%get3A_1356], %gather3A_1357 {add = true} : memref<10000xf32, #tpu.memory_space<vmem>>[vector<16xi32>], vector<16xf32>,
      %get3A_1358 = arith.constant 2 : i32
      %get3A_1359 = arith.constant 0 : i32
      %get3A_1360 = tpu.memref_slice %arg7[%get3A_1358, %get3A_1359] : memref<4x80xi32, #tpu.memory_space<vmem>> -> memref<1x80xi32, #tpu.memory_space<vmem>>
      %get3A_1361 = tpu.memref_squeeze %get3A_1360 : memref<1x80xi32, #tpu.memory_space<vmem>> -> memref<80xi32, #tpu.memory_space<vmem>>
      %get3A_1362 = arith.constant 64 : index
      %get3A_1363 = tpu.vector_load %get3A_1361[%get3A_1362] {strides = array<i32>} : memref<80xi32, #tpu.memory_space<vmem>>, vector<16xi32>,
      %get3A_1364 = arith.constant 2 : i32
      %get3A_1365 = arith.constant 0 : i32
      %get3A_1366 = tpu.memref_slice %arg8[%get3A_1364, %get3A_1365] : memref<4x80xi32, #tpu.memory_space<vmem>> -> memref<1x80xi32, #tpu.memory_space<vmem>>
      %get3A_1367 = tpu.memref_squeeze %get3A_1366 : memref<1x80xi32, #tpu.memory_space<vmem>> -> memref<80xi32, #tpu.memory_space<vmem>>
      %get3A_1368 = arith.constant 64 : index
      %get3A_1369 = tpu.vector_load %get3A_1367[%get3A_1368] {strides = array<i32>} : memref<80xi32, #tpu.memory_space<vmem>>, vector<16xi32>,
      %gather3A_1370 = tpu.vector_load_idx %arg11[%get3A_1363] : memref<10000xf32, #tpu.memory_space<vmem>>[vector<16xi32>], vector<16xf32>,
      tpu.vector_store_idx %arg12[%get3A_1369], %gather3A_1370 {add = true} : memref<10000xf32, #tpu.memory_space<vmem>>[vector<16xi32>], vector<16xf32>,
      %mul3A_1371 = arith.constant 4 : i32
      %mul3A_1372 = arith.muli %mul3A_1371, %scan3A_971 : i32
      %add3A_1373 = arith.constant 1 : i32
      %add3A_1374 = arith.addi %add3A_1373, %mul3A_1372 : i32
      %add3A_1375 = arith.constant 2 : i32
      %add3A_1376 = arith.addi %add3A_1374, %add3A_1375 : i32
      %add3A_1377 = arith.constant 1 : i32
      %add3A_1378 = arith.addi %add3A_1376, %add3A_1377 : i32
      %mul3A_1379 = arith.constant 80 : i32
      %mul3A_1380 = arith.muli %add3A_1378, %mul3A_1379 : i32
      %add3A_1381 = arith.addi %mul3A_2, %mul3A_1380 : i32
      %dma_wait3A_1382 = arith.constant 0 : i32
      %dma_wait3A_1383 = arith.constant 0 : i32
      %dma_wait3A_1384 = arith.constant 0 : i32
      %dma_wait3A_1385 = tpu.memref_slice %arg7[%dma_wait3A_1382, %dma_wait3A_1384] : memref<4x80xi32, #tpu.memory_space<vmem>> -> memref<1x80xi32, #tpu.memory_space<vmem>>
      %dma_wait3A_1386 = tpu.memref_squeeze %dma_wait3A_1385 : memref<1x80xi32, #tpu.memory_space<vmem>> -> memref<80xi32, #tpu.memory_space<vmem>>
      %dma_wait3A_1387 = tpu.memref_slice %arg2[%add3A_1381] : memref<640000xi32, #tpu.memory_space<hbm>> -> memref<80xi32, #tpu.memory_space<hbm>>
      %dma_wait3A_1388 = tpu.memref_slice %arg15[%dma_wait3A_1383] : memref<4x!tpu.dma_semaphore, #tpu.memory_space<semaphore_mem>> -> memref<1x!tpu.dma_semaphore, #tpu.memory_space<semaphore_mem>>
      %dma_wait3A_1389 = tpu.memref_squeeze %dma_wait3A_1388 : memref<1x!tpu.dma_semaphore, #tpu.memory_space<semaphore_mem>> -> memref<!tpu.dma_semaphore, #tpu.memory_space<semaphore_mem>>
      %dma_wait3A_1390 = arith.constant 0 : i32
      %dma_wait3A_1391 = tpu.memref_slice %arg7[%dma_wait3A_1382, %dma_wait3A_1390] : memref<4x80xi32, #tpu.memory_space<vmem>> -> memref<1x80xi32, #tpu.memory_space<vmem>>
      %dma_wait3A_1392 = tpu.memref_squeeze %dma_wait3A_1391 : memref<1x80xi32, #tpu.memory_space<vmem>> -> memref<80xi32, #tpu.memory_space<vmem>>
      %dma_wait3A_1393 = tpu.memref_slice %arg2[%add3A_1381] : memref<640000xi32, #tpu.memory_space<hbm>> -> memref<80xi32, #tpu.memory_space<hbm>>
      tpu.wait_dma2 semaphore(%dma_wait3A_1389 : memref<!tpu.dma_semaphore, #tpu.memory_space<semaphore_mem>>) src(%dma_wait3A_1393 : memref<80xi32, #tpu.memory_space<hbm>>) dst(%dma_wait3A_1392 : memref<80xi32, #tpu.memory_space<vmem>>)
      %add3A_1394 = arith.constant 320000 : i32
      %add3A_1395 = arith.addi %add3A_1394, %mul3A_2 : i32
      %mul3A_1396 = arith.constant 80 : i32
      %mul3A_1397 = arith.muli %add3A_1378, %mul3A_1396 : i32
      %add3A_1398 = arith.addi %add3A_1395, %mul3A_1397 : i32
      %dma_wait3A_1399 = arith.constant 0 : i32
      %dma_wait3A_1400 = arith.constant 0 : i32
      %dma_wait3A_1401 = arith.constant 0 : i32
      %dma_wait3A_1402 = tpu.memref_slice %arg8[%dma_wait3A_1399, %dma_wait3A_1401] : memref<4x80xi32, #tpu.memory_space<vmem>> -> memref<1x80xi32, #tpu.memory_space<vmem>>
      %dma_wait3A_1403 = tpu.memref_squeeze %dma_wait3A_1402 : memref<1x80xi32, #tpu.memory_space<vmem>> -> memref<80xi32, #tpu.memory_space<vmem>>
      %dma_wait3A_1404 = tpu.memref_slice %arg2[%add3A_1398] : memref<640000xi32, #tpu.memory_space<hbm>> -> memref<80xi32, #tpu.memory_space<hbm>>
      %dma_wait3A_1405 = tpu.memref_slice %arg15[%dma_wait3A_1400] : memref<4x!tpu.dma_semaphore, #tpu.memory_space<semaphore_mem>> -> memref<1x!tpu.dma_semaphore, #tpu.memory_space<semaphore_mem>>
      %dma_wait3A_1406 = tpu.memref_squeeze %dma_wait3A_1405 : memref<1x!tpu.dma_semaphore, #tpu.memory_space<semaphore_mem>> -> memref<!tpu.dma_semaphore, #tpu.memory_space<semaphore_mem>>
      %dma_wait3A_1407 = arith.constant 0 : i32
      %dma_wait3A_1408 = tpu.memref_slice %arg8[%dma_wait3A_1399, %dma_wait3A_1407] : memref<4x80xi32, #tpu.memory_space<vmem>> -> memref<1x80xi32, #tpu.memory_space<vmem>>
      %dma_wait3A_1409 = tpu.memref_squeeze %dma_wait3A_1408 : memref<1x80xi32, #tpu.memory_space<vmem>> -> memref<80xi32, #tpu.memory_space<vmem>>
      %dma_wait3A_1410 = tpu.memref_slice %arg2[%add3A_1398] : memref<640000xi32, #tpu.memory_space<hbm>> -> memref<80xi32, #tpu.memory_space<hbm>>
      tpu.wait_dma2 semaphore(%dma_wait3A_1406 : memref<!tpu.dma_semaphore, #tpu.memory_space<semaphore_mem>>) src(%dma_wait3A_1410 : memref<80xi32, #tpu.memory_space<hbm>>) dst(%dma_wait3A_1409 : memref<80xi32, #tpu.memory_space<vmem>>)
      %dma_wait3A_1411 = arith.constant 0 : i32
      %dma_wait3A_1412 = arith.constant 2 : i32
      %dma_wait3A_1413 = arith.constant 0 : i32
      %dma_wait3A_1414 = arith.constant 0 : i32
      %dma_wait3A_1415 = arith.constant 0 : i32
      %dma_wait3A_1416 = tpu.memref_slice %arg9[%dma_wait3A_1411, %dma_wait3A_1414, %dma_wait3A_1415] : memref<2x80x128xf32, #tpu.memory_space<vmem>> -> memref<1x80x128xf32, #tpu.memory_space<vmem>>
      %dma_wait3A_1417 = tpu.memref_squeeze %dma_wait3A_1416 : memref<1x80x128xf32, #tpu.memory_space<vmem>> -> memref<80x128xf32, #tpu.memory_space<vmem>>
      %dma_wait3A_1418 = arith.constant 0 : i32
      %dma_wait3A_1419 = tpu.memref_slice %arg8[%dma_wait3A_1412, %dma_wait3A_1418] : memref<4x80xi32, #tpu.memory_space<vmem>> -> memref<1x80xi32, #tpu.memory_space<vmem>>
      %dma_wait3A_1420 = tpu.memref_squeeze %dma_wait3A_1419 : memref<1x80xi32, #tpu.memory_space<vmem>> -> memref<80xi32, #tpu.memory_space<vmem>>
      %dma_wait3A_1421 = arith.constant 0 : i32
      %dma_wait3A_1422 = arith.constant 0 : i32
      %dma_wait3A_1423 = tpu.memref_slice %arg13[%dma_wait3A_1421, %dma_wait3A_1422] : memref<10000x128xf32, #tpu.memory_space<vmem_shared>> -> memref<10000x128xf32, #tpu.memory_space<vmem_shared>>
      %dma_wait3A_1424 = tpu.memref_slice %arg16[%dma_wait3A_1413] : memref<2x!tpu.dma_semaphore, #tpu.memory_space<semaphore_mem>> -> memref<1x!tpu.dma_semaphore, #tpu.memory_space<semaphore_mem>>
      %dma_wait3A_1425 = tpu.memref_squeeze %dma_wait3A_1424 : memref<1x!tpu.dma_semaphore, #tpu.memory_space<semaphore_mem>> -> memref<!tpu.dma_semaphore, #tpu.memory_space<semaphore_mem>>
      tpu.wait_indirect_dma semaphore(%dma_wait3A_1425 : memref<!tpu.dma_semaphore, #tpu.memory_space<semaphore_mem>>) src(%dma_wait3A_1417 : memref<80x128xf32, #tpu.memory_space<vmem>>) dst(%dma_wait3A_1423 : memref<10000x128xf32, #tpu.memory_space<vmem_shared>>)
      %dma_start3A_1426 = arith.constant 0 : i32
      %dma_start3A_1427 = arith.constant 0 : i32
      %dma_start3A_1428 = arith.constant 0 : i32
      %dma_start3A_1429 = arith.constant 0 : i32
      %dma_start3A_1430 = arith.constant 0 : i32
      %dma_start3A_1431 = tpu.memref_slice %arg9[%dma_start3A_1427, %dma_start3A_1429, %dma_start3A_1430] : memref<2x80x128xf32, #tpu.memory_space<vmem>> -> memref<1x80x128xf32, #tpu.memory_space<vmem>>
      %dma_start3A_1432 = tpu.memref_squeeze %dma_start3A_1431 : memref<1x80x128xf32, #tpu.memory_space<vmem>> -> memref<80x128xf32, #tpu.memory_space<vmem>>
      %dma_start3A_1433 = arith.constant 0 : i32
      %dma_start3A_1434 = tpu.memref_slice %arg7[%dma_start3A_1426, %dma_start3A_1433] : memref<4x80xi32, #tpu.memory_space<vmem>> -> memref<1x80xi32, #tpu.memory_space<vmem>>
      %dma_start3A_1435 = tpu.memref_squeeze %dma_start3A_1434 : memref<1x80xi32, #tpu.memory_space<vmem>> -> memref<80xi32, #tpu.memory_space<vmem>>
      %dma_start3A_1436 = arith.constant 0 : i32
      %dma_start3A_1437 = arith.constant 0 : i32
      %dma_start3A_1438 = tpu.memref_slice %arg3[%dma_start3A_1436, %dma_start3A_1437] : memref<10000x128xf32, #tpu.memory_space<hbm>> -> memref<10000x128xf32, #tpu.memory_space<hbm>>
      %dma_start3A_1439 = tpu.memref_slice %arg14[%dma_start3A_1428] : memref<2x!tpu.dma_semaphore, #tpu.memory_space<semaphore_mem>> -> memref<1x!tpu.dma_semaphore, #tpu.memory_space<semaphore_mem>>
      %dma_start3A_1440 = tpu.memref_squeeze %dma_start3A_1439 : memref<1x!tpu.dma_semaphore, #tpu.memory_space<semaphore_mem>> -> memref<!tpu.dma_semaphore, #tpu.memory_space<semaphore_mem>>
      tpu.enqueue_indirect_dma source(%dma_start3A_1438 : memref<10000x128xf32, #tpu.memory_space<hbm>>) target(%dma_start3A_1432 : memref<80x128xf32, #tpu.memory_space<vmem>>) offsets(%dma_start3A_1435 : memref<80xi32, #tpu.memory_space<vmem>>) semaphore(%dma_start3A_1440 : memref<!tpu.dma_semaphore, #tpu.memory_space<semaphore_mem>>)
      %add3A_1441 = arith.constant 3 : i32
      %add3A_1442 = arith.addi %add3A_1376, %add3A_1441 : i32
      %mul3A_1443 = arith.constant 80 : i32
      %mul3A_1444 = arith.muli %add3A_1442, %mul3A_1443 : i32
      %add3A_1445 = arith.addi %mul3A_2, %mul3A_1444 : i32
      %dma_start3A_1446 = arith.constant 2 : i32
      %dma_start3A_1447 = arith.constant 2 : i32
      %dma_start3A_1448 = arith.constant 0 : i32
      %dma_start3A_1449 = tpu.memref_slice %arg7[%dma_start3A_1446, %dma_start3A_1448] : memref<4x80xi32, #tpu.memory_space<vmem>> -> memref<1x80xi32, #tpu.memory_space<vmem>>
      %dma_start3A_1450 = tpu.memref_squeeze %dma_start3A_1449 : memref<1x80xi32, #tpu.memory_space<vmem>> -> memref<80xi32, #tpu.memory_space<vmem>>
      %dma_start3A_1451 = tpu.memref_slice %arg2[%add3A_1445] : memref<640000xi32, #tpu.memory_space<hbm>> -> memref<80xi32, #tpu.memory_space<hbm>>
      %dma_start3A_1452 = tpu.memref_slice %arg15[%dma_start3A_1447] : memref<4x!tpu.dma_semaphore, #tpu.memory_space<semaphore_mem>> -> memref<1x!tpu.dma_semaphore, #tpu.memory_space<semaphore_mem>>
      %dma_start3A_1453 = tpu.memref_squeeze %dma_start3A_1452 : memref<1x!tpu.dma_semaphore, #tpu.memory_space<semaphore_mem>> -> memref<!tpu.dma_semaphore, #tpu.memory_space<semaphore_mem>>
      %dma_start3A_1454 = arith.constant 0 : i32
      %dma_start3A_1455 = tpu.memref_slice %arg7[%dma_start3A_1446, %dma_start3A_1454] : memref<4x80xi32, #tpu.memory_space<vmem>> -> memref<1x80xi32, #tpu.memory_space<vmem>>
      %dma_start3A_1456 = tpu.memref_squeeze %dma_start3A_1455 : memref<1x80xi32, #tpu.memory_space<vmem>> -> memref<80xi32, #tpu.memory_space<vmem>>
      %dma_start3A_1457 = tpu.memref_slice %arg2[%add3A_1445] : memref<640000xi32, #tpu.memory_space<hbm>> -> memref<80xi32, #tpu.memory_space<hbm>>
      tpu.enqueue_dma source(%dma_start3A_1457 : memref<80xi32, #tpu.memory_space<hbm>>) target(%dma_start3A_1456 : memref<80xi32, #tpu.memory_space<vmem>>) target_semaphore(%dma_start3A_1453 : memref<!tpu.dma_semaphore, #tpu.memory_space<semaphore_mem>>)
      %add3A_1458 = arith.constant 320000 : i32
      %add3A_1459 = arith.addi %add3A_1458, %mul3A_2 : i32
      %mul3A_1460 = arith.constant 80 : i32
      %mul3A_1461 = arith.muli %add3A_1442, %mul3A_1460 : i32
      %add3A_1462 = arith.addi %add3A_1459, %mul3A_1461 : i32
      %dma_start3A_1463 = arith.constant 2 : i32
      %dma_start3A_1464 = arith.constant 2 : i32
      %dma_start3A_1465 = arith.constant 0 : i32
      %dma_start3A_1466 = tpu.memref_slice %arg8[%dma_start3A_1463, %dma_start3A_1465] : memref<4x80xi32, #tpu.memory_space<vmem>> -> memref<1x80xi32, #tpu.memory_space<vmem>>
      %dma_start3A_1467 = tpu.memref_squeeze %dma_start3A_1466 : memref<1x80xi32, #tpu.memory_space<vmem>> -> memref<80xi32, #tpu.memory_space<vmem>>
      %dma_start3A_1468 = tpu.memref_slice %arg2[%add3A_1462] : memref<640000xi32, #tpu.memory_space<hbm>> -> memref<80xi32, #tpu.memory_space<hbm>>
      %dma_start3A_1469 = tpu.memref_slice %arg15[%dma_start3A_1464] : memref<4x!tpu.dma_semaphore, #tpu.memory_space<semaphore_mem>> -> memref<1x!tpu.dma_semaphore, #tpu.memory_space<semaphore_mem>>
      %dma_start3A_1470 = tpu.memref_squeeze %dma_start3A_1469 : memref<1x!tpu.dma_semaphore, #tpu.memory_space<semaphore_mem>> -> memref<!tpu.dma_semaphore, #tpu.memory_space<semaphore_mem>>
      %dma_start3A_1471 = arith.constant 0 : i32
      %dma_start3A_1472 = tpu.memref_slice %arg8[%dma_start3A_1463, %dma_start3A_1471] : memref<4x80xi32, #tpu.memory_space<vmem>> -> memref<1x80xi32, #tpu.memory_space<vmem>>
      %dma_start3A_1473 = tpu.memref_squeeze %dma_start3A_1472 : memref<1x80xi32, #tpu.memory_space<vmem>> -> memref<80xi32, #tpu.memory_space<vmem>>
      %dma_start3A_1474 = tpu.memref_slice %arg2[%add3A_1462] : memref<640000xi32, #tpu.memory_space<hbm>> -> memref<80xi32, #tpu.memory_space<hbm>>
      tpu.enqueue_dma source(%dma_start3A_1474 : memref<80xi32, #tpu.memory_space<hbm>>) target(%dma_start3A_1473 : memref<80xi32, #tpu.memory_space<vmem>>) target_semaphore(%dma_start3A_1470 : memref<!tpu.dma_semaphore, #tpu.memory_space<semaphore_mem>>)
      %dma_wait3A_1475 = arith.constant 3 : i32
      %dma_wait3A_1476 = arith.constant 1 : i32
      %dma_wait3A_1477 = arith.constant 1 : i32
      %dma_wait3A_1478 = arith.constant 0 : i32
      %dma_wait3A_1479 = arith.constant 0 : i32
      %dma_wait3A_1480 = tpu.memref_slice %arg9[%dma_wait3A_1476, %dma_wait3A_1478, %dma_wait3A_1479] : memref<2x80x128xf32, #tpu.memory_space<vmem>> -> memref<1x80x128xf32, #tpu.memory_space<vmem>>
      %dma_wait3A_1481 = tpu.memref_squeeze %dma_wait3A_1480 : memref<1x80x128xf32, #tpu.memory_space<vmem>> -> memref<80x128xf32, #tpu.memory_space<vmem>>
      %dma_wait3A_1482 = arith.constant 0 : i32
      %dma_wait3A_1483 = tpu.memref_slice %arg7[%dma_wait3A_1475, %dma_wait3A_1482] : memref<4x80xi32, #tpu.memory_space<vmem>> -> memref<1x80xi32, #tpu.memory_space<vmem>>
      %dma_wait3A_1484 = tpu.memref_squeeze %dma_wait3A_1483 : memref<1x80xi32, #tpu.memory_space<vmem>> -> memref<80xi32, #tpu.memory_space<vmem>>
      %dma_wait3A_1485 = arith.constant 0 : i32
      %dma_wait3A_1486 = arith.constant 0 : i32
      %dma_wait3A_1487 = tpu.memref_slice %arg3[%dma_wait3A_1485, %dma_wait3A_1486] : memref<10000x128xf32, #tpu.memory_space<hbm>> -> memref<10000x128xf32, #tpu.memory_space<hbm>>
      %dma_wait3A_1488 = tpu.memref_slice %arg14[%dma_wait3A_1477] : memref<2x!tpu.dma_semaphore, #tpu.memory_space<semaphore_mem>> -> memref<1x!tpu.dma_semaphore, #tpu.memory_space<semaphore_mem>>
      %dma_wait3A_1489 = tpu.memref_squeeze %dma_wait3A_1488 : memref<1x!tpu.dma_semaphore, #tpu.memory_space<semaphore_mem>> -> memref<!tpu.dma_semaphore, #tpu.memory_space<semaphore_mem>>
      tpu.wait_indirect_dma semaphore(%dma_wait3A_1489 : memref<!tpu.dma_semaphore, #tpu.memory_space<semaphore_mem>>) src(%dma_wait3A_1487 : memref<10000x128xf32, #tpu.memory_space<hbm>>) dst(%dma_wait3A_1481 : memref<80x128xf32, #tpu.memory_space<vmem>>)
      %dma_start3A_1490 = arith.constant 1 : i32
      %dma_start3A_1491 = arith.constant 3 : i32
      %dma_start3A_1492 = arith.constant 1 : i32
      %dma_start3A_1493 = arith.constant 0 : i32
      %dma_start3A_1494 = arith.constant 0 : i32
      %dma_start3A_1495 = tpu.memref_slice %arg9[%dma_start3A_1490, %dma_start3A_1493, %dma_start3A_1494] : memref<2x80x128xf32, #tpu.memory_space<vmem>> -> memref<1x80x128xf32, #tpu.memory_space<vmem>>
      %dma_start3A_1496 = tpu.memref_squeeze %dma_start3A_1495 : memref<1x80x128xf32, #tpu.memory_space<vmem>> -> memref<80x128xf32, #tpu.memory_space<vmem>>
      %dma_start3A_1497 = arith.constant 0 : i32
      %dma_start3A_1498 = tpu.memref_slice %arg8[%dma_start3A_1491, %dma_start3A_1497] : memref<4x80xi32, #tpu.memory_space<vmem>> -> memref<1x80xi32, #tpu.memory_space<vmem>>
      %dma_start3A_1499 = tpu.memref_squeeze %dma_start3A_1498 : memref<1x80xi32, #tpu.memory_space<vmem>> -> memref<80xi32, #tpu.memory_space<vmem>>
      %dma_start3A_1500 = arith.constant 0 : i32
      %dma_start3A_1501 = arith.constant 0 : i32
      %dma_start3A_1502 = tpu.memref_slice %arg13[%dma_start3A_1500, %dma_start3A_1501] : memref<10000x128xf32, #tpu.memory_space<vmem_shared>> -> memref<10000x128xf32, #tpu.memory_space<vmem_shared>>
      %dma_start3A_1503 = tpu.memref_slice %arg16[%dma_start3A_1492] : memref<2x!tpu.dma_semaphore, #tpu.memory_space<semaphore_mem>> -> memref<1x!tpu.dma_semaphore, #tpu.memory_space<semaphore_mem>>
      %dma_start3A_1504 = tpu.memref_squeeze %dma_start3A_1503 : memref<1x!tpu.dma_semaphore, #tpu.memory_space<semaphore_mem>> -> memref<!tpu.dma_semaphore, #tpu.memory_space<semaphore_mem>>
      tpu.enqueue_indirect_dma source(%dma_start3A_1496 : memref<80x128xf32, #tpu.memory_space<vmem>>) target(%dma_start3A_1502 : memref<10000x128xf32, #tpu.memory_space<vmem_shared>>) offsets(%dma_start3A_1499 : memref<80xi32, #tpu.memory_space<vmem>>) semaphore(%dma_start3A_1504 : memref<!tpu.dma_semaphore, #tpu.memory_space<semaphore_mem>>) {add = true}
      %get3A_1505 = arith.constant 3 : i32
      %get3A_1506 = arith.constant 0 : i32
      %get3A_1507 = tpu.memref_slice %arg7[%get3A_1505, %get3A_1506] : memref<4x80xi32, #tpu.memory_space<vmem>> -> memref<1x80xi32, #tpu.memory_space<vmem>>
      %get3A_1508 = tpu.memref_squeeze %get3A_1507 : memref<1x80xi32, #tpu.memory_space<vmem>> -> memref<80xi32, #tpu.memory_space<vmem>>
      %get3A_1509 = arith.constant 0 : index
      %get3A_1510 = tpu.vector_load %get3A_1508[%get3A_1509] {strides = array<i32>} : memref<80xi32, #tpu.memory_space<vmem>>, vector<16xi32>,
      %get3A_1511 = arith.constant 3 : i32
      %get3A_1512 = arith.constant 0 : i32
      %get3A_1513 = tpu.memref_slice %arg8[%get3A_1511, %get3A_1512] : memref<4x80xi32, #tpu.memory_space<vmem>> -> memref<1x80xi32, #tpu.memory_space<vmem>>
      %get3A_1514 = tpu.memref_squeeze %get3A_1513 : memref<1x80xi32, #tpu.memory_space<vmem>> -> memref<80xi32, #tpu.memory_space<vmem>>
      %get3A_1515 = arith.constant 0 : index
      %get3A_1516 = tpu.vector_load %get3A_1514[%get3A_1515] {strides = array<i32>} : memref<80xi32, #tpu.memory_space<vmem>>, vector<16xi32>,
      %gather3A_1517 = tpu.vector_load_idx %arg11[%get3A_1510] : memref<10000xf32, #tpu.memory_space<vmem>>[vector<16xi32>], vector<16xf32>,
      tpu.vector_store_idx %arg12[%get3A_1516], %gather3A_1517 {add = true} : memref<10000xf32, #tpu.memory_space<vmem>>[vector<16xi32>], vector<16xf32>,
      %get3A_1518 = arith.constant 3 : i32
      %get3A_1519 = arith.constant 0 : i32
      %get3A_1520 = tpu.memref_slice %arg7[%get3A_1518, %get3A_1519] : memref<4x80xi32, #tpu.memory_space<vmem>> -> memref<1x80xi32, #tpu.memory_space<vmem>>
      %get3A_1521 = tpu.memref_squeeze %get3A_1520 : memref<1x80xi32, #tpu.memory_space<vmem>> -> memref<80xi32, #tpu.memory_space<vmem>>
      %get3A_1522 = arith.constant 16 : index
      %get3A_1523 = tpu.vector_load %get3A_1521[%get3A_1522] {strides = array<i32>} : memref<80xi32, #tpu.memory_space<vmem>>, vector<16xi32>,
      %get3A_1524 = arith.constant 3 : i32
      %get3A_1525 = arith.constant 0 : i32
      %get3A_1526 = tpu.memref_slice %arg8[%get3A_1524, %get3A_1525] : memref<4x80xi32, #tpu.memory_space<vmem>> -> memref<1x80xi32, #tpu.memory_space<vmem>>
      %get3A_1527 = tpu.memref_squeeze %get3A_1526 : memref<1x80xi32, #tpu.memory_space<vmem>> -> memref<80xi32, #tpu.memory_space<vmem>>
      %get3A_1528 = arith.constant 16 : index
      %get3A_1529 = tpu.vector_load %get3A_1527[%get3A_1528] {strides = array<i32>} : memref<80xi32, #tpu.memory_space<vmem>>, vector<16xi32>,
      %gather3A_1530 = tpu.vector_load_idx %arg11[%get3A_1523] : memref<10000xf32, #tpu.memory_space<vmem>>[vector<16xi32>], vector<16xf32>,
      tpu.vector_store_idx %arg12[%get3A_1529], %gather3A_1530 {add = true} : memref<10000xf32, #tpu.memory_space<vmem>>[vector<16xi32>], vector<16xf32>,
      %get3A_1531 = arith.constant 3 : i32
      %get3A_1532 = arith.constant 0 : i32
      %get3A_1533 = tpu.memref_slice %arg7[%get3A_1531, %get3A_1532] : memref<4x80xi32, #tpu.memory_space<vmem>> -> memref<1x80xi32, #tpu.memory_space<vmem>>
      %get3A_1534 = tpu.memref_squeeze %get3A_1533 : memref<1x80xi32, #tpu.memory_space<vmem>> -> memref<80xi32, #tpu.memory_space<vmem>>
      %get3A_1535 = arith.constant 32 : index
      %get3A_1536 = tpu.vector_load %get3A_1534[%get3A_1535] {strides = array<i32>} : memref<80xi32, #tpu.memory_space<vmem>>, vector<16xi32>,
      %get3A_1537 = arith.constant 3 : i32
      %get3A_1538 = arith.constant 0 : i32
      %get3A_1539 = tpu.memref_slice %arg8[%get3A_1537, %get3A_1538] : memref<4x80xi32, #tpu.memory_space<vmem>> -> memref<1x80xi32, #tpu.memory_space<vmem>>
      %get3A_1540 = tpu.memref_squeeze %get3A_1539 : memref<1x80xi32, #tpu.memory_space<vmem>> -> memref<80xi32, #tpu.memory_space<vmem>>
      %get3A_1541 = arith.constant 32 : index
      %get3A_1542 = tpu.vector_load %get3A_1540[%get3A_1541] {strides = array<i32>} : memref<80xi32, #tpu.memory_space<vmem>>, vector<16xi32>,
      %gather3A_1543 = tpu.vector_load_idx %arg11[%get3A_1536] : memref<10000xf32, #tpu.memory_space<vmem>>[vector<16xi32>], vector<16xf32>,
      tpu.vector_store_idx %arg12[%get3A_1542], %gather3A_1543 {add = true} : memref<10000xf32, #tpu.memory_space<vmem>>[vector<16xi32>], vector<16xf32>,
      %get3A_1544 = arith.constant 3 : i32
      %get3A_1545 = arith.constant 0 : i32
      %get3A_1546 = tpu.memref_slice %arg7[%get3A_1544, %get3A_1545] : memref<4x80xi32, #tpu.memory_space<vmem>> -> memref<1x80xi32, #tpu.memory_space<vmem>>
      %get3A_1547 = tpu.memref_squeeze %get3A_1546 : memref<1x80xi32, #tpu.memory_space<vmem>> -> memref<80xi32, #tpu.memory_space<vmem>>
      %get3A_1548 = arith.constant 48 : index
      %get3A_1549 = tpu.vector_load %get3A_1547[%get3A_1548] {strides = array<i32>} : memref<80xi32, #tpu.memory_space<vmem>>, vector<16xi32>,
      %get3A_1550 = arith.constant 3 : i32
      %get3A_1551 = arith.constant 0 : i32
      %get3A_1552 = tpu.memref_slice %arg8[%get3A_1550, %get3A_1551] : memref<4x80xi32, #tpu.memory_space<vmem>> -> memref<1x80xi32, #tpu.memory_space<vmem>>
      %get3A_1553 = tpu.memref_squeeze %get3A_1552 : memref<1x80xi32, #tpu.memory_space<vmem>> -> memref<80xi32, #tpu.memory_space<vmem>>
      %get3A_1554 = arith.constant 48 : index
      %get3A_1555 = tpu.vector_load %get3A_1553[%get3A_1554] {strides = array<i32>} : memref<80xi32, #tpu.memory_space<vmem>>, vector<16xi32>,
      %gather3A_1556 = tpu.vector_load_idx %arg11[%get3A_1549] : memref<10000xf32, #tpu.memory_space<vmem>>[vector<16xi32>], vector<16xf32>,
      tpu.vector_store_idx %arg12[%get3A_1555], %gather3A_1556 {add = true} : memref<10000xf32, #tpu.memory_space<vmem>>[vector<16xi32>], vector<16xf32>,
      %get3A_1557 = arith.constant 3 : i32
      %get3A_1558 = arith.constant 0 : i32
      %get3A_1559 = tpu.memref_slice %arg7[%get3A_1557, %get3A_1558] : memref<4x80xi32, #tpu.memory_space<vmem>> -> memref<1x80xi32, #tpu.memory_space<vmem>>
      %get3A_1560 = tpu.memref_squeeze %get3A_1559 : memref<1x80xi32, #tpu.memory_space<vmem>> -> memref<80xi32, #tpu.memory_space<vmem>>
      %get3A_1561 = arith.constant 64 : index
      %get3A_1562 = tpu.vector_load %get3A_1560[%get3A_1561] {strides = array<i32>} : memref<80xi32, #tpu.memory_space<vmem>>, vector<16xi32>,
      %get3A_1563 = arith.constant 3 : i32
      %get3A_1564 = arith.constant 0 : i32
      %get3A_1565 = tpu.memref_slice %arg8[%get3A_1563, %get3A_1564] : memref<4x80xi32, #tpu.memory_space<vmem>> -> memref<1x80xi32, #tpu.memory_space<vmem>>
      %get3A_1566 = tpu.memref_squeeze %get3A_1565 : memref<1x80xi32, #tpu.memory_space<vmem>> -> memref<80xi32, #tpu.memory_space<vmem>>
      %get3A_1567 = arith.constant 64 : index
      %get3A_1568 = tpu.vector_load %get3A_1566[%get3A_1567] {strides = array<i32>} : memref<80xi32, #tpu.memory_space<vmem>>, vector<16xi32>,
      %gather3A_1569 = tpu.vector_load_idx %arg11[%get3A_1562] : memref<10000xf32, #tpu.memory_space<vmem>>[vector<16xi32>], vector<16xf32>,
      tpu.vector_store_idx %arg12[%get3A_1568], %gather3A_1569 {add = true} : memref<10000xf32, #tpu.memory_space<vmem>>[vector<16xi32>], vector<16xf32>,
      %mul3A_1570 = arith.constant 4 : i32
      %mul3A_1571 = arith.muli %mul3A_1570, %scan3A_971 : i32
      %add3A_1572 = arith.constant 1 : i32
      %add3A_1573 = arith.addi %add3A_1572, %mul3A_1571 : i32
      %add3A_1574 = arith.constant 3 : i32
      %add3A_1575 = arith.addi %add3A_1573, %add3A_1574 : i32
      %add3A_1576 = arith.constant 1 : i32
      %add3A_1577 = arith.addi %add3A_1575, %add3A_1576 : i32
      %mul3A_1578 = arith.constant 80 : i32
      %mul3A_1579 = arith.muli %add3A_1577, %mul3A_1578 : i32
      %add3A_1580 = arith.addi %mul3A_2, %mul3A_1579 : i32
      %dma_wait3A_1581 = arith.constant 1 : i32
      %dma_wait3A_1582 = arith.constant 1 : i32
      %dma_wait3A_1583 = arith.constant 0 : i32
      %dma_wait3A_1584 = tpu.memref_slice %arg7[%dma_wait3A_1581, %dma_wait3A_1583] : memref<4x80xi32, #tpu.memory_space<vmem>> -> memref<1x80xi32, #tpu.memory_space<vmem>>
      %dma_wait3A_1585 = tpu.memref_squeeze %dma_wait3A_1584 : memref<1x80xi32, #tpu.memory_space<vmem>> -> memref<80xi32, #tpu.memory_space<vmem>>
      %dma_wait3A_1586 = tpu.memref_slice %arg2[%add3A_1580] : memref<640000xi32, #tpu.memory_space<hbm>> -> memref<80xi32, #tpu.memory_space<hbm>>
      %dma_wait3A_1587 = tpu.memref_slice %arg15[%dma_wait3A_1582] : memref<4x!tpu.dma_semaphore, #tpu.memory_space<semaphore_mem>> -> memref<1x!tpu.dma_semaphore, #tpu.memory_space<semaphore_mem>>
      %dma_wait3A_1588 = tpu.memref_squeeze %dma_wait3A_1587 : memref<1x!tpu.dma_semaphore, #tpu.memory_space<semaphore_mem>> -> memref<!tpu.dma_semaphore, #tpu.memory_space<semaphore_mem>>
      %dma_wait3A_1589 = arith.constant 0 : i32
      %dma_wait3A_1590 = tpu.memref_slice %arg7[%dma_wait3A_1581, %dma_wait3A_1589] : memref<4x80xi32, #tpu.memory_space<vmem>> -> memref<1x80xi32, #tpu.memory_space<vmem>>
      %dma_wait3A_1591 = tpu.memref_squeeze %dma_wait3A_1590 : memref<1x80xi32, #tpu.memory_space<vmem>> -> memref<80xi32, #tpu.memory_space<vmem>>
      %dma_wait3A_1592 = tpu.memref_slice %arg2[%add3A_1580] : memref<640000xi32, #tpu.memory_space<hbm>> -> memref<80xi32, #tpu.memory_space<hbm>>
      tpu.wait_dma2 semaphore(%dma_wait3A_1588 : memref<!tpu.dma_semaphore, #tpu.memory_space<semaphore_mem>>) src(%dma_wait3A_1592 : memref<80xi32, #tpu.memory_space<hbm>>) dst(%dma_wait3A_1591 : memref<80xi32, #tpu.memory_space<vmem>>)
      %add3A_1593 = arith.constant 320000 : i32
      %add3A_1594 = arith.addi %add3A_1593, %mul3A_2 : i32
      %mul3A_1595 = arith.constant 80 : i32
      %mul3A_1596 = arith.muli %add3A_1577, %mul3A_1595 : i32
      %add3A_1597 = arith.addi %add3A_1594, %mul3A_1596 : i32
      %dma_wait3A_1598 = arith.constant 1 : i32
      %dma_wait3A_1599 = arith.constant 1 : i32
      %dma_wait3A_1600 = arith.constant 0 : i32
      %dma_wait3A_1601 = tpu.memref_slice %arg8[%dma_wait3A_1598, %dma_wait3A_1600] : memref<4x80xi32, #tpu.memory_space<vmem>> -> memref<1x80xi32, #tpu.memory_space<vmem>>
      %dma_wait3A_1602 = tpu.memref_squeeze %dma_wait3A_1601 : memref<1x80xi32, #tpu.memory_space<vmem>> -> memref<80xi32, #tpu.memory_space<vmem>>
      %dma_wait3A_1603 = tpu.memref_slice %arg2[%add3A_1597] : memref<640000xi32, #tpu.memory_space<hbm>> -> memref<80xi32, #tpu.memory_space<hbm>>
      %dma_wait3A_1604 = tpu.memref_slice %arg15[%dma_wait3A_1599] : memref<4x!tpu.dma_semaphore, #tpu.memory_space<semaphore_mem>> -> memref<1x!tpu.dma_semaphore, #tpu.memory_space<semaphore_mem>>
      %dma_wait3A_1605 = tpu.memref_squeeze %dma_wait3A_1604 : memref<1x!tpu.dma_semaphore, #tpu.memory_space<semaphore_mem>> -> memref<!tpu.dma_semaphore, #tpu.memory_space<semaphore_mem>>
      %dma_wait3A_1606 = arith.constant 0 : i32
      %dma_wait3A_1607 = tpu.memref_slice %arg8[%dma_wait3A_1598, %dma_wait3A_1606] : memref<4x80xi32, #tpu.memory_space<vmem>> -> memref<1x80xi32, #tpu.memory_space<vmem>>
      %dma_wait3A_1608 = tpu.memref_squeeze %dma_wait3A_1607 : memref<1x80xi32, #tpu.memory_space<vmem>> -> memref<80xi32, #tpu.memory_space<vmem>>
      %dma_wait3A_1609 = tpu.memref_slice %arg2[%add3A_1597] : memref<640000xi32, #tpu.memory_space<hbm>> -> memref<80xi32, #tpu.memory_space<hbm>>
      tpu.wait_dma2 semaphore(%dma_wait3A_1605 : memref<!tpu.dma_semaphore, #tpu.memory_space<semaphore_mem>>) src(%dma_wait3A_1609 : memref<80xi32, #tpu.memory_space<hbm>>) dst(%dma_wait3A_1608 : memref<80xi32, #tpu.memory_space<vmem>>)
      %dma_wait3A_1610 = arith.constant 1 : i32
      %dma_wait3A_1611 = arith.constant 3 : i32
      %dma_wait3A_1612 = arith.constant 1 : i32
      %dma_wait3A_1613 = arith.constant 0 : i32
      %dma_wait3A_1614 = arith.constant 0 : i32
      %dma_wait3A_1615 = tpu.memref_slice %arg9[%dma_wait3A_1610, %dma_wait3A_1613, %dma_wait3A_1614] : memref<2x80x128xf32, #tpu.memory_space<vmem>> -> memref<1x80x128xf32, #tpu.memory_space<vmem>>
      %dma_wait3A_1616 = tpu.memref_squeeze %dma_wait3A_1615 : memref<1x80x128xf32, #tpu.memory_space<vmem>> -> memref<80x128xf32, #tpu.memory_space<vmem>>
      %dma_wait3A_1617 = arith.constant 0 : i32
      %dma_wait3A_1618 = tpu.memref_slice %arg8[%dma_wait3A_1611, %dma_wait3A_1617] : memref<4x80xi32, #tpu.memory_space<vmem>> -> memref<1x80xi32, #tpu.memory_space<vmem>>
      %dma_wait3A_1619 = tpu.memref_squeeze %dma_wait3A_1618 : memref<1x80xi32, #tpu.memory_space<vmem>> -> memref<80xi32, #tpu.memory_space<vmem>>
      %dma_wait3A_1620 = arith.constant 0 : i32
      %dma_wait3A_1621 = arith.constant 0 : i32
      %dma_wait3A_1622 = tpu.memref_slice %arg13[%dma_wait3A_1620, %dma_wait3A_1621] : memref<10000x128xf32, #tpu.memory_space<vmem_shared>> -> memref<10000x128xf32, #tpu.memory_space<vmem_shared>>
      %dma_wait3A_1623 = tpu.memref_slice %arg16[%dma_wait3A_1612] : memref<2x!tpu.dma_semaphore, #tpu.memory_space<semaphore_mem>> -> memref<1x!tpu.dma_semaphore, #tpu.memory_space<semaphore_mem>>
      %dma_wait3A_1624 = tpu.memref_squeeze %dma_wait3A_1623 : memref<1x!tpu.dma_semaphore, #tpu.memory_space<semaphore_mem>> -> memref<!tpu.dma_semaphore, #tpu.memory_space<semaphore_mem>>
      tpu.wait_indirect_dma semaphore(%dma_wait3A_1624 : memref<!tpu.dma_semaphore, #tpu.memory_space<semaphore_mem>>) src(%dma_wait3A_1616 : memref<80x128xf32, #tpu.memory_space<vmem>>) dst(%dma_wait3A_1622 : memref<10000x128xf32, #tpu.memory_space<vmem_shared>>)
      %dma_start3A_1625 = arith.constant 1 : i32
      %dma_start3A_1626 = arith.constant 1 : i32
      %dma_start3A_1627 = arith.constant 1 : i32
      %dma_start3A_1628 = arith.constant 0 : i32
      %dma_start3A_1629 = arith.constant 0 : i32
      %dma_start3A_1630 = tpu.memref_slice %arg9[%dma_start3A_1626, %dma_start3A_1628, %dma_start3A_1629] : memref<2x80x128xf32, #tpu.memory_space<vmem>> -> memref<1x80x128xf32, #tpu.memory_space<vmem>>
      %dma_start3A_1631 = tpu.memref_squeeze %dma_start3A_1630 : memref<1x80x128xf32, #tpu.memory_space<vmem>> -> memref<80x128xf32, #tpu.memory_space<vmem>>
      %dma_start3A_1632 = arith.constant 0 : i32
      %dma_start3A_1633 = tpu.memref_slice %arg7[%dma_start3A_1625, %dma_start3A_1632] : memref<4x80xi32, #tpu.memory_space<vmem>> -> memref<1x80xi32, #tpu.memory_space<vmem>>
      %dma_start3A_1634 = tpu.memref_squeeze %dma_start3A_1633 : memref<1x80xi32, #tpu.memory_space<vmem>> -> memref<80xi32, #tpu.memory_space<vmem>>
      %dma_start3A_1635 = arith.constant 0 : i32
      %dma_start3A_1636 = arith.constant 0 : i32
      %dma_start3A_1637 = tpu.memref_slice %arg3[%dma_start3A_1635, %dma_start3A_1636] : memref<10000x128xf32, #tpu.memory_space<hbm>> -> memref<10000x128xf32, #tpu.memory_space<hbm>>
      %dma_start3A_1638 = tpu.memref_slice %arg14[%dma_start3A_1627] : memref<2x!tpu.dma_semaphore, #tpu.memory_space<semaphore_mem>> -> memref<1x!tpu.dma_semaphore, #tpu.memory_space<semaphore_mem>>
      %dma_start3A_1639 = tpu.memref_squeeze %dma_start3A_1638 : memref<1x!tpu.dma_semaphore, #tpu.memory_space<semaphore_mem>> -> memref<!tpu.dma_semaphore, #tpu.memory_space<semaphore_mem>>
      tpu.enqueue_indirect_dma source(%dma_start3A_1637 : memref<10000x128xf32, #tpu.memory_space<hbm>>) target(%dma_start3A_1631 : memref<80x128xf32, #tpu.memory_space<vmem>>) offsets(%dma_start3A_1634 : memref<80xi32, #tpu.memory_space<vmem>>) semaphore(%dma_start3A_1639 : memref<!tpu.dma_semaphore, #tpu.memory_space<semaphore_mem>>)
      %add3A_1640 = arith.constant 3 : i32
      %add3A_1641 = arith.addi %add3A_1575, %add3A_1640 : i32
      %mul3A_1642 = arith.constant 80 : i32
      %mul3A_1643 = arith.muli %add3A_1641, %mul3A_1642 : i32
      %add3A_1644 = arith.addi %mul3A_2, %mul3A_1643 : i32
      %dma_start3A_1645 = arith.constant 3 : i32
      %dma_start3A_1646 = arith.constant 3 : i32
      %dma_start3A_1647 = arith.constant 0 : i32
      %dma_start3A_1648 = tpu.memref_slice %arg7[%dma_start3A_1645, %dma_start3A_1647] : memref<4x80xi32, #tpu.memory_space<vmem>> -> memref<1x80xi32, #tpu.memory_space<vmem>>
      %dma_start3A_1649 = tpu.memref_squeeze %dma_start3A_1648 : memref<1x80xi32, #tpu.memory_space<vmem>> -> memref<80xi32, #tpu.memory_space<vmem>>
      %dma_start3A_1650 = tpu.memref_slice %arg2[%add3A_1644] : memref<640000xi32, #tpu.memory_space<hbm>> -> memref<80xi32, #tpu.memory_space<hbm>>
      %dma_start3A_1651 = tpu.memref_slice %arg15[%dma_start3A_1646] : memref<4x!tpu.dma_semaphore, #tpu.memory_space<semaphore_mem>> -> memref<1x!tpu.dma_semaphore, #tpu.memory_space<semaphore_mem>>
      %dma_start3A_1652 = tpu.memref_squeeze %dma_start3A_1651 : memref<1x!tpu.dma_semaphore, #tpu.memory_space<semaphore_mem>> -> memref<!tpu.dma_semaphore, #tpu.memory_space<semaphore_mem>>
      %dma_start3A_1653 = arith.constant 0 : i32
      %dma_start3A_1654 = tpu.memref_slice %arg7[%dma_start3A_1645, %dma_start3A_1653] : memref<4x80xi32, #tpu.memory_space<vmem>> -> memref<1x80xi32, #tpu.memory_space<vmem>>
      %dma_start3A_1655 = tpu.memref_squeeze %dma_start3A_1654 : memref<1x80xi32, #tpu.memory_space<vmem>> -> memref<80xi32, #tpu.memory_space<vmem>>
      %dma_start3A_1656 = tpu.memref_slice %arg2[%add3A_1644] : memref<640000xi32, #tpu.memory_space<hbm>> -> memref<80xi32, #tpu.memory_space<hbm>>
      tpu.enqueue_dma source(%dma_start3A_1656 : memref<80xi32, #tpu.memory_space<hbm>>) target(%dma_start3A_1655 : memref<80xi32, #tpu.memory_space<vmem>>) target_semaphore(%dma_start3A_1652 : memref<!tpu.dma_semaphore, #tpu.memory_space<semaphore_mem>>)
      %add3A_1657 = arith.constant 320000 : i32
      %add3A_1658 = arith.addi %add3A_1657, %mul3A_2 : i32
      %mul3A_1659 = arith.constant 80 : i32
      %mul3A_1660 = arith.muli %add3A_1641, %mul3A_1659 : i32
      %add3A_1661 = arith.addi %add3A_1658, %mul3A_1660 : i32
      %dma_start3A_1662 = arith.constant 3 : i32
      %dma_start3A_1663 = arith.constant 3 : i32
      %dma_start3A_1664 = arith.constant 0 : i32
      %dma_start3A_1665 = tpu.memref_slice %arg8[%dma_start3A_1662, %dma_start3A_1664] : memref<4x80xi32, #tpu.memory_space<vmem>> -> memref<1x80xi32, #tpu.memory_space<vmem>>
      %dma_start3A_1666 = tpu.memref_squeeze %dma_start3A_1665 : memref<1x80xi32, #tpu.memory_space<vmem>> -> memref<80xi32, #tpu.memory_space<vmem>>
      %dma_start3A_1667 = tpu.memref_slice %arg2[%add3A_1661] : memref<640000xi32, #tpu.memory_space<hbm>> -> memref<80xi32, #tpu.memory_space<hbm>>
      %dma_start3A_1668 = tpu.memref_slice %arg15[%dma_start3A_1663] : memref<4x!tpu.dma_semaphore, #tpu.memory_space<semaphore_mem>> -> memref<1x!tpu.dma_semaphore, #tpu.memory_space<semaphore_mem>>
      %dma_start3A_1669 = tpu.memref_squeeze %dma_start3A_1668 : memref<1x!tpu.dma_semaphore, #tpu.memory_space<semaphore_mem>> -> memref<!tpu.dma_semaphore, #tpu.memory_space<semaphore_mem>>
      %dma_start3A_1670 = arith.constant 0 : i32
      %dma_start3A_1671 = tpu.memref_slice %arg8[%dma_start3A_1662, %dma_start3A_1670] : memref<4x80xi32, #tpu.memory_space<vmem>> -> memref<1x80xi32, #tpu.memory_space<vmem>>
      %dma_start3A_1672 = tpu.memref_squeeze %dma_start3A_1671 : memref<1x80xi32, #tpu.memory_space<vmem>> -> memref<80xi32, #tpu.memory_space<vmem>>
      %dma_start3A_1673 = tpu.memref_slice %arg2[%add3A_1661] : memref<640000xi32, #tpu.memory_space<hbm>> -> memref<80xi32, #tpu.memory_space<hbm>>
      tpu.enqueue_dma source(%dma_start3A_1673 : memref<80xi32, #tpu.memory_space<hbm>>) target(%dma_start3A_1672 : memref<80xi32, #tpu.memory_space<vmem>>) target_semaphore(%dma_start3A_1669 : memref<!tpu.dma_semaphore, #tpu.memory_space<semaphore_mem>>)
      %dma_wait3A_1674 = arith.constant 0 : i32
      %dma_wait3A_1675 = arith.constant 0 : i32
      %dma_wait3A_1676 = arith.constant 0 : i32
      %dma_wait3A_1677 = arith.constant 0 : i32
      %dma_wait3A_1678 = arith.constant 0 : i32
      %dma_wait3A_1679 = tpu.memref_slice %arg9[%dma_wait3A_1675, %dma_wait3A_1677, %dma_wait3A_1678] : memref<2x80x128xf32, #tpu.memory_space<vmem>> -> memref<1x80x128xf32, #tpu.memory_space<vmem>>
      %dma_wait3A_1680 = tpu.memref_squeeze %dma_wait3A_1679 : memref<1x80x128xf32, #tpu.memory_space<vmem>> -> memref<80x128xf32, #tpu.memory_space<vmem>>
      %dma_wait3A_1681 = arith.constant 0 : i32
      %dma_wait3A_1682 = tpu.memref_slice %arg7[%dma_wait3A_1674, %dma_wait3A_1681] : memref<4x80xi32, #tpu.memory_space<vmem>> -> memref<1x80xi32, #tpu.memory_space<vmem>>
      %dma_wait3A_1683 = tpu.memref_squeeze %dma_wait3A_1682 : memref<1x80xi32, #tpu.memory_space<vmem>> -> memref<80xi32, #tpu.memory_space<vmem>>
      %dma_wait3A_1684 = arith.constant 0 : i32
      %dma_wait3A_1685 = arith.constant 0 : i32
      %dma_wait3A_1686 = tpu.memref_slice %arg3[%dma_wait3A_1684, %dma_wait3A_1685] : memref<10000x128xf32, #tpu.memory_space<hbm>> -> memref<10000x128xf32, #tpu.memory_space<hbm>>
      %dma_wait3A_1687 = tpu.memref_slice %arg14[%dma_wait3A_1676] : memref<2x!tpu.dma_semaphore, #tpu.memory_space<semaphore_mem>> -> memref<1x!tpu.dma_semaphore, #tpu.memory_space<semaphore_mem>>
      %dma_wait3A_1688 = tpu.memref_squeeze %dma_wait3A_1687 : memref<1x!tpu.dma_semaphore, #tpu.memory_space<semaphore_mem>> -> memref<!tpu.dma_semaphore, #tpu.memory_space<semaphore_mem>>
      tpu.wait_indirect_dma semaphore(%dma_wait3A_1688 : memref<!tpu.dma_semaphore, #tpu.memory_space<semaphore_mem>>) src(%dma_wait3A_1686 : memref<10000x128xf32, #tpu.memory_space<hbm>>) dst(%dma_wait3A_1680 : memref<80x128xf32, #tpu.memory_space<vmem>>)
      %dma_start3A_1689 = arith.constant 0 : i32
      %dma_start3A_1690 = arith.constant 0 : i32
      %dma_start3A_1691 = arith.constant 0 : i32
      %dma_start3A_1692 = arith.constant 0 : i32
      %dma_start3A_1693 = arith.constant 0 : i32
      %dma_start3A_1694 = tpu.memref_slice %arg9[%dma_start3A_1689, %dma_start3A_1692, %dma_start3A_1693] : memref<2x80x128xf32, #tpu.memory_space<vmem>> -> memref<1x80x128xf32, #tpu.memory_space<vmem>>
      %dma_start3A_1695 = tpu.memref_squeeze %dma_start3A_1694 : memref<1x80x128xf32, #tpu.memory_space<vmem>> -> memref<80x128xf32, #tpu.memory_space<vmem>>
      %dma_start3A_1696 = arith.constant 0 : i32
      %dma_start3A_1697 = tpu.memref_slice %arg8[%dma_start3A_1690, %dma_start3A_1696] : memref<4x80xi32, #tpu.memory_space<vmem>> -> memref<1x80xi32, #tpu.memory_space<vmem>>
      %dma_start3A_1698 = tpu.memref_squeeze %dma_start3A_1697 : memref<1x80xi32, #tpu.memory_space<vmem>> -> memref<80xi32, #tpu.memory_space<vmem>>
      %dma_start3A_1699 = arith.constant 0 : i32
      %dma_start3A_1700 = arith.constant 0 : i32
      %dma_start3A_1701 = tpu.memref_slice %arg13[%dma_start3A_1699, %dma_start3A_1700] : memref<10000x128xf32, #tpu.memory_space<vmem_shared>> -> memref<10000x128xf32, #tpu.memory_space<vmem_shared>>
      %dma_start3A_1702 = tpu.memref_slice %arg16[%dma_start3A_1691] : memref<2x!tpu.dma_semaphore, #tpu.memory_space<semaphore_mem>> -> memref<1x!tpu.dma_semaphore, #tpu.memory_space<semaphore_mem>>
      %dma_start3A_1703 = tpu.memref_squeeze %dma_start3A_1702 : memref<1x!tpu.dma_semaphore, #tpu.memory_space<semaphore_mem>> -> memref<!tpu.dma_semaphore, #tpu.memory_space<semaphore_mem>>
      tpu.enqueue_indirect_dma source(%dma_start3A_1695 : memref<80x128xf32, #tpu.memory_space<vmem>>) target(%dma_start3A_1701 : memref<10000x128xf32, #tpu.memory_space<vmem_shared>>) offsets(%dma_start3A_1698 : memref<80xi32, #tpu.memory_space<vmem>>) semaphore(%dma_start3A_1703 : memref<!tpu.dma_semaphore, #tpu.memory_space<semaphore_mem>>) {add = true}
      %get3A_1704 = arith.constant 0 : i32
      %get3A_1705 = arith.constant 0 : i32
      %get3A_1706 = tpu.memref_slice %arg7[%get3A_1704, %get3A_1705] : memref<4x80xi32, #tpu.memory_space<vmem>> -> memref<1x80xi32, #tpu.memory_space<vmem>>
      %get3A_1707 = tpu.memref_squeeze %get3A_1706 : memref<1x80xi32, #tpu.memory_space<vmem>> -> memref<80xi32, #tpu.memory_space<vmem>>
      %get3A_1708 = arith.constant 0 : index
      %get3A_1709 = tpu.vector_load %get3A_1707[%get3A_1708] {strides = array<i32>} : memref<80xi32, #tpu.memory_space<vmem>>, vector<16xi32>,
      %get3A_1710 = arith.constant 0 : i32
      %get3A_1711 = arith.constant 0 : i32
      %get3A_1712 = tpu.memref_slice %arg8[%get3A_1710, %get3A_1711] : memref<4x80xi32, #tpu.memory_space<vmem>> -> memref<1x80xi32, #tpu.memory_space<vmem>>
      %get3A_1713 = tpu.memref_squeeze %get3A_1712 : memref<1x80xi32, #tpu.memory_space<vmem>> -> memref<80xi32, #tpu.memory_space<vmem>>
      %get3A_1714 = arith.constant 0 : index
      %get3A_1715 = tpu.vector_load %get3A_1713[%get3A_1714] {strides = array<i32>} : memref<80xi32, #tpu.memory_space<vmem>>, vector<16xi32>,
      %gather3A_1716 = tpu.vector_load_idx %arg11[%get3A_1709] : memref<10000xf32, #tpu.memory_space<vmem>>[vector<16xi32>], vector<16xf32>,
      tpu.vector_store_idx %arg12[%get3A_1715], %gather3A_1716 {add = true} : memref<10000xf32, #tpu.memory_space<vmem>>[vector<16xi32>], vector<16xf32>,
      %get3A_1717 = arith.constant 0 : i32
      %get3A_1718 = arith.constant 0 : i32
      %get3A_1719 = tpu.memref_slice %arg7[%get3A_1717, %get3A_1718] : memref<4x80xi32, #tpu.memory_space<vmem>> -> memref<1x80xi32, #tpu.memory_space<vmem>>
      %get3A_1720 = tpu.memref_squeeze %get3A_1719 : memref<1x80xi32, #tpu.memory_space<vmem>> -> memref<80xi32, #tpu.memory_space<vmem>>
      %get3A_1721 = arith.constant 16 : index
      %get3A_1722 = tpu.vector_load %get3A_1720[%get3A_1721] {strides = array<i32>} : memref<80xi32, #tpu.memory_space<vmem>>, vector<16xi32>,
      %get3A_1723 = arith.constant 0 : i32
      %get3A_1724 = arith.constant 0 : i32
      %get3A_1725 = tpu.memref_slice %arg8[%get3A_1723, %get3A_1724] : memref<4x80xi32, #tpu.memory_space<vmem>> -> memref<1x80xi32, #tpu.memory_space<vmem>>
      %get3A_1726 = tpu.memref_squeeze %get3A_1725 : memref<1x80xi32, #tpu.memory_space<vmem>> -> memref<80xi32, #tpu.memory_space<vmem>>
      %get3A_1727 = arith.constant 16 : index
      %get3A_1728 = tpu.vector_load %get3A_1726[%get3A_1727] {strides = array<i32>} : memref<80xi32, #tpu.memory_space<vmem>>, vector<16xi32>,
      %gather3A_1729 = tpu.vector_load_idx %arg11[%get3A_1722] : memref<10000xf32, #tpu.memory_space<vmem>>[vector<16xi32>], vector<16xf32>,
      tpu.vector_store_idx %arg12[%get3A_1728], %gather3A_1729 {add = true} : memref<10000xf32, #tpu.memory_space<vmem>>[vector<16xi32>], vector<16xf32>,
      %get3A_1730 = arith.constant 0 : i32
      %get3A_1731 = arith.constant 0 : i32
      %get3A_1732 = tpu.memref_slice %arg7[%get3A_1730, %get3A_1731] : memref<4x80xi32, #tpu.memory_space<vmem>> -> memref<1x80xi32, #tpu.memory_space<vmem>>
      %get3A_1733 = tpu.memref_squeeze %get3A_1732 : memref<1x80xi32, #tpu.memory_space<vmem>> -> memref<80xi32, #tpu.memory_space<vmem>>
      %get3A_1734 = arith.constant 32 : index
      %get3A_1735 = tpu.vector_load %get3A_1733[%get3A_1734] {strides = array<i32>} : memref<80xi32, #tpu.memory_space<vmem>>, vector<16xi32>,
      %get3A_1736 = arith.constant 0 : i32
      %get3A_1737 = arith.constant 0 : i32
      %get3A_1738 = tpu.memref_slice %arg8[%get3A_1736, %get3A_1737] : memref<4x80xi32, #tpu.memory_space<vmem>> -> memref<1x80xi32, #tpu.memory_space<vmem>>
      %get3A_1739 = tpu.memref_squeeze %get3A_1738 : memref<1x80xi32, #tpu.memory_space<vmem>> -> memref<80xi32, #tpu.memory_space<vmem>>
      %get3A_1740 = arith.constant 32 : index
      %get3A_1741 = tpu.vector_load %get3A_1739[%get3A_1740] {strides = array<i32>} : memref<80xi32, #tpu.memory_space<vmem>>, vector<16xi32>,
      %gather3A_1742 = tpu.vector_load_idx %arg11[%get3A_1735] : memref<10000xf32, #tpu.memory_space<vmem>>[vector<16xi32>], vector<16xf32>,
      tpu.vector_store_idx %arg12[%get3A_1741], %gather3A_1742 {add = true} : memref<10000xf32, #tpu.memory_space<vmem>>[vector<16xi32>], vector<16xf32>,
      %get3A_1743 = arith.constant 0 : i32
      %get3A_1744 = arith.constant 0 : i32
      %get3A_1745 = tpu.memref_slice %arg7[%get3A_1743, %get3A_1744] : memref<4x80xi32, #tpu.memory_space<vmem>> -> memref<1x80xi32, #tpu.memory_space<vmem>>
      %get3A_1746 = tpu.memref_squeeze %get3A_1745 : memref<1x80xi32, #tpu.memory_space<vmem>> -> memref<80xi32, #tpu.memory_space<vmem>>
      %get3A_1747 = arith.constant 48 : index
      %get3A_1748 = tpu.vector_load %get3A_1746[%get3A_1747] {strides = array<i32>} : memref<80xi32, #tpu.memory_space<vmem>>, vector<16xi32>,
      %get3A_1749 = arith.constant 0 : i32
      %get3A_1750 = arith.constant 0 : i32
      %get3A_1751 = tpu.memref_slice %arg8[%get3A_1749, %get3A_1750] : memref<4x80xi32, #tpu.memory_space<vmem>> -> memref<1x80xi32, #tpu.memory_space<vmem>>
      %get3A_1752 = tpu.memref_squeeze %get3A_1751 : memref<1x80xi32, #tpu.memory_space<vmem>> -> memref<80xi32, #tpu.memory_space<vmem>>
      %get3A_1753 = arith.constant 48 : index
      %get3A_1754 = tpu.vector_load %get3A_1752[%get3A_1753] {strides = array<i32>} : memref<80xi32, #tpu.memory_space<vmem>>, vector<16xi32>,
      %gather3A_1755 = tpu.vector_load_idx %arg11[%get3A_1748] : memref<10000xf32, #tpu.memory_space<vmem>>[vector<16xi32>], vector<16xf32>,
      tpu.vector_store_idx %arg12[%get3A_1754], %gather3A_1755 {add = true} : memref<10000xf32, #tpu.memory_space<vmem>>[vector<16xi32>], vector<16xf32>,
      %get3A_1756 = arith.constant 0 : i32
      %get3A_1757 = arith.constant 0 : i32
      %get3A_1758 = tpu.memref_slice %arg7[%get3A_1756, %get3A_1757] : memref<4x80xi32, #tpu.memory_space<vmem>> -> memref<1x80xi32, #tpu.memory_space<vmem>>
      %get3A_1759 = tpu.memref_squeeze %get3A_1758 : memref<1x80xi32, #tpu.memory_space<vmem>> -> memref<80xi32, #tpu.memory_space<vmem>>
      %get3A_1760 = arith.constant 64 : index
      %get3A_1761 = tpu.vector_load %get3A_1759[%get3A_1760] {strides = array<i32>} : memref<80xi32, #tpu.memory_space<vmem>>, vector<16xi32>,
      %get3A_1762 = arith.constant 0 : i32
      %get3A_1763 = arith.constant 0 : i32
      %get3A_1764 = tpu.memref_slice %arg8[%get3A_1762, %get3A_1763] : memref<4x80xi32, #tpu.memory_space<vmem>> -> memref<1x80xi32, #tpu.memory_space<vmem>>
      %get3A_1765 = tpu.memref_squeeze %get3A_1764 : memref<1x80xi32, #tpu.memory_space<vmem>> -> memref<80xi32, #tpu.memory_space<vmem>>
      %get3A_1766 = arith.constant 64 : index
      %get3A_1767 = tpu.vector_load %get3A_1765[%get3A_1766] {strides = array<i32>} : memref<80xi32, #tpu.memory_space<vmem>>, vector<16xi32>,
      %gather3A_1768 = tpu.vector_load_idx %arg11[%get3A_1761] : memref<10000xf32, #tpu.memory_space<vmem>>[vector<16xi32>], vector<16xf32>,
      tpu.vector_store_idx %arg12[%get3A_1767], %gather3A_1768 {add = true} : memref<10000xf32, #tpu.memory_space<vmem>>[vector<16xi32>], vector<16xf32>,
      %scan3A_1769 = arith.constant 0 : i32
      scf.yield %scan3A_1769 : i32
    }
    %scan3A_343 = arith.constant 30 : i32
    %add3A_344 = arith.constant 9760 : i32
    %add3A_345 = arith.addi %mul3A_2, %add3A_344 : i32
    %dma_wait3A_346 = arith.constant 2 : i32
    %dma_wait3A_347 = arith.constant 2 : i32
    %dma_wait3A_348 = arith.constant 0 : i32
    %dma_wait3A_349 = tpu.memref_slice %arg7[%dma_wait3A_346, %dma_wait3A_348] : memref<4x80xi32, #tpu.memory_space<vmem>> -> memref<1x80xi32, #tpu.memory_space<vmem>>
    %dma_wait3A_350 = tpu.memref_squeeze %dma_wait3A_349 : memref<1x80xi32, #tpu.memory_space<vmem>> -> memref<80xi32, #tpu.memory_space<vmem>>
    %dma_wait3A_351 = tpu.memref_slice %arg2[%add3A_345] : memref<640000xi32, #tpu.memory_space<hbm>> -> memref<80xi32, #tpu.memory_space<hbm>>
    %dma_wait3A_352 = tpu.memref_slice %arg15[%dma_wait3A_347] : memref<4x!tpu.dma_semaphore, #tpu.memory_space<semaphore_mem>> -> memref<1x!tpu.dma_semaphore, #tpu.memory_space<semaphore_mem>>
    %dma_wait3A_353 = tpu.memref_squeeze %dma_wait3A_352 : memref<1x!tpu.dma_semaphore, #tpu.memory_space<semaphore_mem>> -> memref<!tpu.dma_semaphore, #tpu.memory_space<semaphore_mem>>
    %dma_wait3A_354 = arith.constant 0 : i32
    %dma_wait3A_355 = tpu.memref_slice %arg7[%dma_wait3A_346, %dma_wait3A_354] : memref<4x80xi32, #tpu.memory_space<vmem>> -> memref<1x80xi32, #tpu.memory_space<vmem>>
    %dma_wait3A_356 = tpu.memref_squeeze %dma_wait3A_355 : memref<1x80xi32, #tpu.memory_space<vmem>> -> memref<80xi32, #tpu.memory_space<vmem>>
    %dma_wait3A_357 = tpu.memref_slice %arg2[%add3A_345] : memref<640000xi32, #tpu.memory_space<hbm>> -> memref<80xi32, #tpu.memory_space<hbm>>
    tpu.wait_dma2 semaphore(%dma_wait3A_353 : memref<!tpu.dma_semaphore, #tpu.memory_space<semaphore_mem>>) src(%dma_wait3A_357 : memref<80xi32, #tpu.memory_space<hbm>>) dst(%dma_wait3A_356 : memref<80xi32, #tpu.memory_space<vmem>>)
    %add3A_358 = arith.constant 320000 : i32
    %add3A_359 = arith.addi %add3A_358, %mul3A_2 : i32
    %add3A_360 = arith.constant 9760 : i32
    %add3A_361 = arith.addi %add3A_359, %add3A_360 : i32
    %dma_wait3A_362 = arith.constant 2 : i32
    %dma_wait3A_363 = arith.constant 2 : i32
    %dma_wait3A_364 = arith.constant 0 : i32
    %dma_wait3A_365 = tpu.memref_slice %arg8[%dma_wait3A_362, %dma_wait3A_364] : memref<4x80xi32, #tpu.memory_space<vmem>> -> memref<1x80xi32, #tpu.memory_space<vmem>>
    %dma_wait3A_366 = tpu.memref_squeeze %dma_wait3A_365 : memref<1x80xi32, #tpu.memory_space<vmem>> -> memref<80xi32, #tpu.memory_space<vmem>>
    %dma_wait3A_367 = tpu.memref_slice %arg2[%add3A_361] : memref<640000xi32, #tpu.memory_space<hbm>> -> memref<80xi32, #tpu.memory_space<hbm>>
    %dma_wait3A_368 = tpu.memref_slice %arg15[%dma_wait3A_363] : memref<4x!tpu.dma_semaphore, #tpu.memory_space<semaphore_mem>> -> memref<1x!tpu.dma_semaphore, #tpu.memory_space<semaphore_mem>>
    %dma_wait3A_369 = tpu.memref_squeeze %dma_wait3A_368 : memref<1x!tpu.dma_semaphore, #tpu.memory_space<semaphore_mem>> -> memref<!tpu.dma_semaphore, #tpu.memory_space<semaphore_mem>>
    %dma_wait3A_370 = arith.constant 0 : i32
    %dma_wait3A_371 = tpu.memref_slice %arg8[%dma_wait3A_362, %dma_wait3A_370] : memref<4x80xi32, #tpu.memory_space<vmem>> -> memref<1x80xi32, #tpu.memory_space<vmem>>
    %dma_wait3A_372 = tpu.memref_squeeze %dma_wait3A_371 : memref<1x80xi32, #tpu.memory_space<vmem>> -> memref<80xi32, #tpu.memory_space<vmem>>
    %dma_wait3A_373 = tpu.memref_slice %arg2[%add3A_361] : memref<640000xi32, #tpu.memory_space<hbm>> -> memref<80xi32, #tpu.memory_space<hbm>>
    tpu.wait_dma2 semaphore(%dma_wait3A_369 : memref<!tpu.dma_semaphore, #tpu.memory_space<semaphore_mem>>) src(%dma_wait3A_373 : memref<80xi32, #tpu.memory_space<hbm>>) dst(%dma_wait3A_372 : memref<80xi32, #tpu.memory_space<vmem>>)
    %dma_wait3A_374 = arith.constant 0 : i32
    %dma_wait3A_375 = arith.constant 0 : i32
    %dma_wait3A_376 = arith.constant 0 : i32
    %dma_wait3A_377 = arith.constant 0 : i32
    %dma_wait3A_378 = arith.constant 0 : i32
    %dma_wait3A_379 = tpu.memref_slice %arg9[%dma_wait3A_374, %dma_wait3A_377, %dma_wait3A_378] : memref<2x80x128xf32, #tpu.memory_space<vmem>> -> memref<1x80x128xf32, #tpu.memory_space<vmem>>
    %dma_wait3A_380 = tpu.memref_squeeze %dma_wait3A_379 : memref<1x80x128xf32, #tpu.memory_space<vmem>> -> memref<80x128xf32, #tpu.memory_space<vmem>>
    %dma_wait3A_381 = arith.constant 0 : i32
    %dma_wait3A_382 = tpu.memref_slice %arg8[%dma_wait3A_375, %dma_wait3A_381] : memref<4x80xi32, #tpu.memory_space<vmem>> -> memref<1x80xi32, #tpu.memory_space<vmem>>
    %dma_wait3A_383 = tpu.memref_squeeze %dma_wait3A_382 : memref<1x80xi32, #tpu.memory_space<vmem>> -> memref<80xi32, #tpu.memory_space<vmem>>
    %dma_wait3A_384 = arith.constant 0 : i32
    %dma_wait3A_385 = arith.constant 0 : i32
    %dma_wait3A_386 = tpu.memref_slice %arg13[%dma_wait3A_384, %dma_wait3A_385] : memref<10000x128xf32, #tpu.memory_space<vmem_shared>> -> memref<10000x128xf32, #tpu.memory_space<vmem_shared>>
    %dma_wait3A_387 = tpu.memref_slice %arg16[%dma_wait3A_376] : memref<2x!tpu.dma_semaphore, #tpu.memory_space<semaphore_mem>> -> memref<1x!tpu.dma_semaphore, #tpu.memory_space<semaphore_mem>>
    %dma_wait3A_388 = tpu.memref_squeeze %dma_wait3A_387 : memref<1x!tpu.dma_semaphore, #tpu.memory_space<semaphore_mem>> -> memref<!tpu.dma_semaphore, #tpu.memory_space<semaphore_mem>>
    tpu.wait_indirect_dma semaphore(%dma_wait3A_388 : memref<!tpu.dma_semaphore, #tpu.memory_space<semaphore_mem>>) src(%dma_wait3A_380 : memref<80x128xf32, #tpu.memory_space<vmem>>) dst(%dma_wait3A_386 : memref<10000x128xf32, #tpu.memory_space<vmem_shared>>)
    %dma_start3A_389 = arith.constant 2 : i32
    %dma_start3A_390 = arith.constant 0 : i32
    %dma_start3A_391 = arith.constant 0 : i32
    %dma_start3A_392 = arith.constant 0 : i32
    %dma_start3A_393 = arith.constant 0 : i32
    %dma_start3A_394 = tpu.memref_slice %arg9[%dma_start3A_390, %dma_start3A_392, %dma_start3A_393] : memref<2x80x128xf32, #tpu.memory_space<vmem>> -> memref<1x80x128xf32, #tpu.memory_space<vmem>>
    %dma_start3A_395 = tpu.memref_squeeze %dma_start3A_394 : memref<1x80x128xf32, #tpu.memory_space<vmem>> -> memref<80x128xf32, #tpu.memory_space<vmem>>
    %dma_start3A_396 = arith.constant 0 : i32
    %dma_start3A_397 = tpu.memref_slice %arg7[%dma_start3A_389, %dma_start3A_396] : memref<4x80xi32, #tpu.memory_space<vmem>> -> memref<1x80xi32, #tpu.memory_space<vmem>>
    %dma_start3A_398 = tpu.memref_squeeze %dma_start3A_397 : memref<1x80xi32, #tpu.memory_space<vmem>> -> memref<80xi32, #tpu.memory_space<vmem>>
    %dma_start3A_399 = arith.constant 0 : i32
    %dma_start3A_400 = arith.constant 0 : i32
    %dma_start3A_401 = tpu.memref_slice %arg3[%dma_start3A_399, %dma_start3A_400] : memref<10000x128xf32, #tpu.memory_space<hbm>> -> memref<10000x128xf32, #tpu.memory_space<hbm>>
    %dma_start3A_402 = tpu.memref_slice %arg14[%dma_start3A_391] : memref<2x!tpu.dma_semaphore, #tpu.memory_space<semaphore_mem>> -> memref<1x!tpu.dma_semaphore, #tpu.memory_space<semaphore_mem>>
    %dma_start3A_403 = tpu.memref_squeeze %dma_start3A_402 : memref<1x!tpu.dma_semaphore, #tpu.memory_space<semaphore_mem>> -> memref<!tpu.dma_semaphore, #tpu.memory_space<semaphore_mem>>
    tpu.enqueue_indirect_dma source(%dma_start3A_401 : memref<10000x128xf32, #tpu.memory_space<hbm>>) target(%dma_start3A_395 : memref<80x128xf32, #tpu.memory_space<vmem>>) offsets(%dma_start3A_398 : memref<80xi32, #tpu.memory_space<vmem>>) semaphore(%dma_start3A_403 : memref<!tpu.dma_semaphore, #tpu.memory_space<semaphore_mem>>)
    %add3A_404 = arith.constant 9920 : i32
    %add3A_405 = arith.addi %mul3A_2, %add3A_404 : i32
    %dma_start3A_406 = arith.constant 0 : i32
    %dma_start3A_407 = arith.constant 0 : i32
    %dma_start3A_408 = arith.constant 0 : i32
    %dma_start3A_409 = tpu.memref_slice %arg7[%dma_start3A_406, %dma_start3A_408] : memref<4x80xi32, #tpu.memory_space<vmem>> -> memref<1x80xi32, #tpu.memory_space<vmem>>
    %dma_start3A_410 = tpu.memref_squeeze %dma_start3A_409 : memref<1x80xi32, #tpu.memory_space<vmem>> -> memref<80xi32, #tpu.memory_space<vmem>>
    %dma_start3A_411 = tpu.memref_slice %arg2[%add3A_405] : memref<640000xi32, #tpu.memory_space<hbm>> -> memref<80xi32, #tpu.memory_space<hbm>>
    %dma_start3A_412 = tpu.memref_slice %arg15[%dma_start3A_407] : memref<4x!tpu.dma_semaphore, #tpu.memory_space<semaphore_mem>> -> memref<1x!tpu.dma_semaphore, #tpu.memory_space<semaphore_mem>>
    %dma_start3A_413 = tpu.memref_squeeze %dma_start3A_412 : memref<1x!tpu.dma_semaphore, #tpu.memory_space<semaphore_mem>> -> memref<!tpu.dma_semaphore, #tpu.memory_space<semaphore_mem>>
    %dma_start3A_414 = arith.constant 0 : i32
    %dma_start3A_415 = tpu.memref_slice %arg7[%dma_start3A_406, %dma_start3A_414] : memref<4x80xi32, #tpu.memory_space<vmem>> -> memref<1x80xi32, #tpu.memory_space<vmem>>
    %dma_start3A_416 = tpu.memref_squeeze %dma_start3A_415 : memref<1x80xi32, #tpu.memory_space<vmem>> -> memref<80xi32, #tpu.memory_space<vmem>>
    %dma_start3A_417 = tpu.memref_slice %arg2[%add3A_405] : memref<640000xi32, #tpu.memory_space<hbm>> -> memref<80xi32, #tpu.memory_space<hbm>>
    tpu.enqueue_dma source(%dma_start3A_417 : memref<80xi32, #tpu.memory_space<hbm>>) target(%dma_start3A_416 : memref<80xi32, #tpu.memory_space<vmem>>) target_semaphore(%dma_start3A_413 : memref<!tpu.dma_semaphore, #tpu.memory_space<semaphore_mem>>)
    %add3A_418 = arith.constant 320000 : i32
    %add3A_419 = arith.addi %add3A_418, %mul3A_2 : i32
    %add3A_420 = arith.constant 9920 : i32
    %add3A_421 = arith.addi %add3A_419, %add3A_420 : i32
    %dma_start3A_422 = arith.constant 0 : i32
    %dma_start3A_423 = arith.constant 0 : i32
    %dma_start3A_424 = arith.constant 0 : i32
    %dma_start3A_425 = tpu.memref_slice %arg8[%dma_start3A_422, %dma_start3A_424] : memref<4x80xi32, #tpu.memory_space<vmem>> -> memref<1x80xi32, #tpu.memory_space<vmem>>
    %dma_start3A_426 = tpu.memref_squeeze %dma_start3A_425 : memref<1x80xi32, #tpu.memory_space<vmem>> -> memref<80xi32, #tpu.memory_space<vmem>>
    %dma_start3A_427 = tpu.memref_slice %arg2[%add3A_421] : memref<640000xi32, #tpu.memory_space<hbm>> -> memref<80xi32, #tpu.memory_space<hbm>>
    %dma_start3A_428 = tpu.memref_slice %arg15[%dma_start3A_423] : memref<4x!tpu.dma_semaphore, #tpu.memory_space<semaphore_mem>> -> memref<1x!tpu.dma_semaphore, #tpu.memory_space<semaphore_mem>>
    %dma_start3A_429 = tpu.memref_squeeze %dma_start3A_428 : memref<1x!tpu.dma_semaphore, #tpu.memory_space<semaphore_mem>> -> memref<!tpu.dma_semaphore, #tpu.memory_space<semaphore_mem>>
    %dma_start3A_430 = arith.constant 0 : i32
    %dma_start3A_431 = tpu.memref_slice %arg8[%dma_start3A_422, %dma_start3A_430] : memref<4x80xi32, #tpu.memory_space<vmem>> -> memref<1x80xi32, #tpu.memory_space<vmem>>
    %dma_start3A_432 = tpu.memref_squeeze %dma_start3A_431 : memref<1x80xi32, #tpu.memory_space<vmem>> -> memref<80xi32, #tpu.memory_space<vmem>>
    %dma_start3A_433 = tpu.memref_slice %arg2[%add3A_421] : memref<640000xi32, #tpu.memory_space<hbm>> -> memref<80xi32, #tpu.memory_space<hbm>>
    tpu.enqueue_dma source(%dma_start3A_433 : memref<80xi32, #tpu.memory_space<hbm>>) target(%dma_start3A_432 : memref<80xi32, #tpu.memory_space<vmem>>) target_semaphore(%dma_start3A_429 : memref<!tpu.dma_semaphore, #tpu.memory_space<semaphore_mem>>)
    %dma_wait3A_434 = arith.constant 1 : i32
    %dma_wait3A_435 = arith.constant 1 : i32
    %dma_wait3A_436 = arith.constant 1 : i32
    %dma_wait3A_437 = arith.constant 0 : i32
    %dma_wait3A_438 = arith.constant 0 : i32
    %dma_wait3A_439 = tpu.memref_slice %arg9[%dma_wait3A_435, %dma_wait3A_437, %dma_wait3A_438] : memref<2x80x128xf32, #tpu.memory_space<vmem>> -> memref<1x80x128xf32, #tpu.memory_space<vmem>>
    %dma_wait3A_440 = tpu.memref_squeeze %dma_wait3A_439 : memref<1x80x128xf32, #tpu.memory_space<vmem>> -> memref<80x128xf32, #tpu.memory_space<vmem>>
    %dma_wait3A_441 = arith.constant 0 : i32
    %dma_wait3A_442 = tpu.memref_slice %arg7[%dma_wait3A_434, %dma_wait3A_441] : memref<4x80xi32, #tpu.memory_space<vmem>> -> memref<1x80xi32, #tpu.memory_space<vmem>>
    %dma_wait3A_443 = tpu.memref_squeeze %dma_wait3A_442 : memref<1x80xi32, #tpu.memory_space<vmem>> -> memref<80xi32, #tpu.memory_space<vmem>>
    %dma_wait3A_444 = arith.constant 0 : i32
    %dma_wait3A_445 = arith.constant 0 : i32
    %dma_wait3A_446 = tpu.memref_slice %arg3[%dma_wait3A_444, %dma_wait3A_445] : memref<10000x128xf32, #tpu.memory_space<hbm>> -> memref<10000x128xf32, #tpu.memory_space<hbm>>
    %dma_wait3A_447 = tpu.memref_slice %arg14[%dma_wait3A_436] : memref<2x!tpu.dma_semaphore, #tpu.memory_space<semaphore_mem>> -> memref<1x!tpu.dma_semaphore, #tpu.memory_space<semaphore_mem>>
    %dma_wait3A_448 = tpu.memref_squeeze %dma_wait3A_447 : memref<1x!tpu.dma_semaphore, #tpu.memory_space<semaphore_mem>> -> memref<!tpu.dma_semaphore, #tpu.memory_space<semaphore_mem>>
    tpu.wait_indirect_dma semaphore(%dma_wait3A_448 : memref<!tpu.dma_semaphore, #tpu.memory_space<semaphore_mem>>) src(%dma_wait3A_446 : memref<10000x128xf32, #tpu.memory_space<hbm>>) dst(%dma_wait3A_440 : memref<80x128xf32, #tpu.memory_space<vmem>>)
    %dma_start3A_449 = arith.constant 1 : i32
    %dma_start3A_450 = arith.constant 1 : i32
    %dma_start3A_451 = arith.constant 1 : i32
    %dma_start3A_452 = arith.constant 0 : i32
    %dma_start3A_453 = arith.constant 0 : i32
    %dma_start3A_454 = tpu.memref_slice %arg9[%dma_start3A_449, %dma_start3A_452, %dma_start3A_453] : memref<2x80x128xf32, #tpu.memory_space<vmem>> -> memref<1x80x128xf32, #tpu.memory_space<vmem>>
    %dma_start3A_455 = tpu.memref_squeeze %dma_start3A_454 : memref<1x80x128xf32, #tpu.memory_space<vmem>> -> memref<80x128xf32, #tpu.memory_space<vmem>>
    %dma_start3A_456 = arith.constant 0 : i32
    %dma_start3A_457 = tpu.memref_slice %arg8[%dma_start3A_450, %dma_start3A_456] : memref<4x80xi32, #tpu.memory_space<vmem>> -> memref<1x80xi32, #tpu.memory_space<vmem>>
    %dma_start3A_458 = tpu.memref_squeeze %dma_start3A_457 : memref<1x80xi32, #tpu.memory_space<vmem>> -> memref<80xi32, #tpu.memory_space<vmem>>
    %dma_start3A_459 = arith.constant 0 : i32
    %dma_start3A_460 = arith.constant 0 : i32
    %dma_start3A_461 = tpu.memref_slice %arg13[%dma_start3A_459, %dma_start3A_460] : memref<10000x128xf32, #tpu.memory_space<vmem_shared>> -> memref<10000x128xf32, #tpu.memory_space<vmem_shared>>
    %dma_start3A_462 = tpu.memref_slice %arg16[%dma_start3A_451] : memref<2x!tpu.dma_semaphore, #tpu.memory_space<semaphore_mem>> -> memref<1x!tpu.dma_semaphore, #tpu.memory_space<semaphore_mem>>
    %dma_start3A_463 = tpu.memref_squeeze %dma_start3A_462 : memref<1x!tpu.dma_semaphore, #tpu.memory_space<semaphore_mem>> -> memref<!tpu.dma_semaphore, #tpu.memory_space<semaphore_mem>>
    tpu.enqueue_indirect_dma source(%dma_start3A_455 : memref<80x128xf32, #tpu.memory_space<vmem>>) target(%dma_start3A_461 : memref<10000x128xf32, #tpu.memory_space<vmem_shared>>) offsets(%dma_start3A_458 : memref<80xi32, #tpu.memory_space<vmem>>) semaphore(%dma_start3A_463 : memref<!tpu.dma_semaphore, #tpu.memory_space<semaphore_mem>>) {add = true}
    %get3A_464 = arith.constant 1 : i32
    %get3A_465 = arith.constant 0 : i32
    %get3A_466 = tpu.memref_slice %arg7[%get3A_464, %get3A_465] : memref<4x80xi32, #tpu.memory_space<vmem>> -> memref<1x80xi32, #tpu.memory_space<vmem>>
    %get3A_467 = tpu.memref_squeeze %get3A_466 : memref<1x80xi32, #tpu.memory_space<vmem>> -> memref<80xi32, #tpu.memory_space<vmem>>
    %get3A_468 = arith.constant 0 : index
    %get3A_469 = tpu.vector_load %get3A_467[%get3A_468] {strides = array<i32>} : memref<80xi32, #tpu.memory_space<vmem>>, vector<16xi32>,
    %get3A_470 = arith.constant 1 : i32
    %get3A_471 = arith.constant 0 : i32
    %get3A_472 = tpu.memref_slice %arg8[%get3A_470, %get3A_471] : memref<4x80xi32, #tpu.memory_space<vmem>> -> memref<1x80xi32, #tpu.memory_space<vmem>>
    %get3A_473 = tpu.memref_squeeze %get3A_472 : memref<1x80xi32, #tpu.memory_space<vmem>> -> memref<80xi32, #tpu.memory_space<vmem>>
    %get3A_474 = arith.constant 0 : index
    %get3A_475 = tpu.vector_load %get3A_473[%get3A_474] {strides = array<i32>} : memref<80xi32, #tpu.memory_space<vmem>>, vector<16xi32>,
    %gather3A_476 = tpu.vector_load_idx %arg11[%get3A_469] : memref<10000xf32, #tpu.memory_space<vmem>>[vector<16xi32>], vector<16xf32>,
    tpu.vector_store_idx %arg12[%get3A_475], %gather3A_476 {add = true} : memref<10000xf32, #tpu.memory_space<vmem>>[vector<16xi32>], vector<16xf32>,
    %get3A_477 = arith.constant 1 : i32
    %get3A_478 = arith.constant 0 : i32
    %get3A_479 = tpu.memref_slice %arg7[%get3A_477, %get3A_478] : memref<4x80xi32, #tpu.memory_space<vmem>> -> memref<1x80xi32, #tpu.memory_space<vmem>>
    %get3A_480 = tpu.memref_squeeze %get3A_479 : memref<1x80xi32, #tpu.memory_space<vmem>> -> memref<80xi32, #tpu.memory_space<vmem>>
    %get3A_481 = arith.constant 16 : index
    %get3A_482 = tpu.vector_load %get3A_480[%get3A_481] {strides = array<i32>} : memref<80xi32, #tpu.memory_space<vmem>>, vector<16xi32>,
    %get3A_483 = arith.constant 1 : i32
    %get3A_484 = arith.constant 0 : i32
    %get3A_485 = tpu.memref_slice %arg8[%get3A_483, %get3A_484] : memref<4x80xi32, #tpu.memory_space<vmem>> -> memref<1x80xi32, #tpu.memory_space<vmem>>
    %get3A_486 = tpu.memref_squeeze %get3A_485 : memref<1x80xi32, #tpu.memory_space<vmem>> -> memref<80xi32, #tpu.memory_space<vmem>>
    %get3A_487 = arith.constant 16 : index
    %get3A_488 = tpu.vector_load %get3A_486[%get3A_487] {strides = array<i32>} : memref<80xi32, #tpu.memory_space<vmem>>, vector<16xi32>,
    %gather3A_489 = tpu.vector_load_idx %arg11[%get3A_482] : memref<10000xf32, #tpu.memory_space<vmem>>[vector<16xi32>], vector<16xf32>,
    tpu.vector_store_idx %arg12[%get3A_488], %gather3A_489 {add = true} : memref<10000xf32, #tpu.memory_space<vmem>>[vector<16xi32>], vector<16xf32>,
    %get3A_490 = arith.constant 1 : i32
    %get3A_491 = arith.constant 0 : i32
    %get3A_492 = tpu.memref_slice %arg7[%get3A_490, %get3A_491] : memref<4x80xi32, #tpu.memory_space<vmem>> -> memref<1x80xi32, #tpu.memory_space<vmem>>
    %get3A_493 = tpu.memref_squeeze %get3A_492 : memref<1x80xi32, #tpu.memory_space<vmem>> -> memref<80xi32, #tpu.memory_space<vmem>>
    %get3A_494 = arith.constant 32 : index
    %get3A_495 = tpu.vector_load %get3A_493[%get3A_494] {strides = array<i32>} : memref<80xi32, #tpu.memory_space<vmem>>, vector<16xi32>,
    %get3A_496 = arith.constant 1 : i32
    %get3A_497 = arith.constant 0 : i32
    %get3A_498 = tpu.memref_slice %arg8[%get3A_496, %get3A_497] : memref<4x80xi32, #tpu.memory_space<vmem>> -> memref<1x80xi32, #tpu.memory_space<vmem>>
    %get3A_499 = tpu.memref_squeeze %get3A_498 : memref<1x80xi32, #tpu.memory_space<vmem>> -> memref<80xi32, #tpu.memory_space<vmem>>
    %get3A_500 = arith.constant 32 : index
    %get3A_501 = tpu.vector_load %get3A_499[%get3A_500] {strides = array<i32>} : memref<80xi32, #tpu.memory_space<vmem>>, vector<16xi32>,
    %gather3A_502 = tpu.vector_load_idx %arg11[%get3A_495] : memref<10000xf32, #tpu.memory_space<vmem>>[vector<16xi32>], vector<16xf32>,
    tpu.vector_store_idx %arg12[%get3A_501], %gather3A_502 {add = true} : memref<10000xf32, #tpu.memory_space<vmem>>[vector<16xi32>], vector<16xf32>,
    %get3A_503 = arith.constant 1 : i32
    %get3A_504 = arith.constant 0 : i32
    %get3A_505 = tpu.memref_slice %arg7[%get3A_503, %get3A_504] : memref<4x80xi32, #tpu.memory_space<vmem>> -> memref<1x80xi32, #tpu.memory_space<vmem>>
    %get3A_506 = tpu.memref_squeeze %get3A_505 : memref<1x80xi32, #tpu.memory_space<vmem>> -> memref<80xi32, #tpu.memory_space<vmem>>
    %get3A_507 = arith.constant 48 : index
    %get3A_508 = tpu.vector_load %get3A_506[%get3A_507] {strides = array<i32>} : memref<80xi32, #tpu.memory_space<vmem>>, vector<16xi32>,
    %get3A_509 = arith.constant 1 : i32
    %get3A_510 = arith.constant 0 : i32
    %get3A_511 = tpu.memref_slice %arg8[%get3A_509, %get3A_510] : memref<4x80xi32, #tpu.memory_space<vmem>> -> memref<1x80xi32, #tpu.memory_space<vmem>>
    %get3A_512 = tpu.memref_squeeze %get3A_511 : memref<1x80xi32, #tpu.memory_space<vmem>> -> memref<80xi32, #tpu.memory_space<vmem>>
    %get3A_513 = arith.constant 48 : index
    %get3A_514 = tpu.vector_load %get3A_512[%get3A_513] {strides = array<i32>} : memref<80xi32, #tpu.memory_space<vmem>>, vector<16xi32>,
    %gather3A_515 = tpu.vector_load_idx %arg11[%get3A_508] : memref<10000xf32, #tpu.memory_space<vmem>>[vector<16xi32>], vector<16xf32>,
    tpu.vector_store_idx %arg12[%get3A_514], %gather3A_515 {add = true} : memref<10000xf32, #tpu.memory_space<vmem>>[vector<16xi32>], vector<16xf32>,
    %get3A_516 = arith.constant 1 : i32
    %get3A_517 = arith.constant 0 : i32
    %get3A_518 = tpu.memref_slice %arg7[%get3A_516, %get3A_517] : memref<4x80xi32, #tpu.memory_space<vmem>> -> memref<1x80xi32, #tpu.memory_space<vmem>>
    %get3A_519 = tpu.memref_squeeze %get3A_518 : memref<1x80xi32, #tpu.memory_space<vmem>> -> memref<80xi32, #tpu.memory_space<vmem>>
    %get3A_520 = arith.constant 64 : index
    %get3A_521 = tpu.vector_load %get3A_519[%get3A_520] {strides = array<i32>} : memref<80xi32, #tpu.memory_space<vmem>>, vector<16xi32>,
    %get3A_522 = arith.constant 1 : i32
    %get3A_523 = arith.constant 0 : i32
    %get3A_524 = tpu.memref_slice %arg8[%get3A_522, %get3A_523] : memref<4x80xi32, #tpu.memory_space<vmem>> -> memref<1x80xi32, #tpu.memory_space<vmem>>
    %get3A_525 = tpu.memref_squeeze %get3A_524 : memref<1x80xi32, #tpu.memory_space<vmem>> -> memref<80xi32, #tpu.memory_space<vmem>>
    %get3A_526 = arith.constant 64 : index
    %get3A_527 = tpu.vector_load %get3A_525[%get3A_526] {strides = array<i32>} : memref<80xi32, #tpu.memory_space<vmem>>, vector<16xi32>,
    %gather3A_528 = tpu.vector_load_idx %arg11[%get3A_521] : memref<10000xf32, #tpu.memory_space<vmem>>[vector<16xi32>], vector<16xf32>,
    tpu.vector_store_idx %arg12[%get3A_527], %gather3A_528 {add = true} : memref<10000xf32, #tpu.memory_space<vmem>>[vector<16xi32>], vector<16xf32>,
    %add3A_529 = arith.constant 9840 : i32
    %add3A_530 = arith.addi %mul3A_2, %add3A_529 : i32
    %dma_wait3A_531 = arith.constant 3 : i32
    %dma_wait3A_532 = arith.constant 3 : i32
    %dma_wait3A_533 = arith.constant 0 : i32
    %dma_wait3A_534 = tpu.memref_slice %arg7[%dma_wait3A_531, %dma_wait3A_533] : memref<4x80xi32, #tpu.memory_space<vmem>> -> memref<1x80xi32, #tpu.memory_space<vmem>>
    %dma_wait3A_535 = tpu.memref_squeeze %dma_wait3A_534 : memref<1x80xi32, #tpu.memory_space<vmem>> -> memref<80xi32, #tpu.memory_space<vmem>>
    %dma_wait3A_536 = tpu.memref_slice %arg2[%add3A_530] : memref<640000xi32, #tpu.memory_space<hbm>> -> memref<80xi32, #tpu.memory_space<hbm>>
    %dma_wait3A_537 = tpu.memref_slice %arg15[%dma_wait3A_532] : memref<4x!tpu.dma_semaphore, #tpu.memory_space<semaphore_mem>> -> memref<1x!tpu.dma_semaphore, #tpu.memory_space<semaphore_mem>>
    %dma_wait3A_538 = tpu.memref_squeeze %dma_wait3A_537 : memref<1x!tpu.dma_semaphore, #tpu.memory_space<semaphore_mem>> -> memref<!tpu.dma_semaphore, #tpu.memory_space<semaphore_mem>>
    %dma_wait3A_539 = arith.constant 0 : i32
    %dma_wait3A_540 = tpu.memref_slice %arg7[%dma_wait3A_531, %dma_wait3A_539] : memref<4x80xi32, #tpu.memory_space<vmem>> -> memref<1x80xi32, #tpu.memory_space<vmem>>
    %dma_wait3A_541 = tpu.memref_squeeze %dma_wait3A_540 : memref<1x80xi32, #tpu.memory_space<vmem>> -> memref<80xi32, #tpu.memory_space<vmem>>
    %dma_wait3A_542 = tpu.memref_slice %arg2[%add3A_530] : memref<640000xi32, #tpu.memory_space<hbm>> -> memref<80xi32, #tpu.memory_space<hbm>>
    tpu.wait_dma2 semaphore(%dma_wait3A_538 : memref<!tpu.dma_semaphore, #tpu.memory_space<semaphore_mem>>) src(%dma_wait3A_542 : memref<80xi32, #tpu.memory_space<hbm>>) dst(%dma_wait3A_541 : memref<80xi32, #tpu.memory_space<vmem>>)
    %add3A_543 = arith.constant 320000 : i32
    %add3A_544 = arith.addi %add3A_543, %mul3A_2 : i32
    %add3A_545 = arith.constant 9840 : i32
    %add3A_546 = arith.addi %add3A_544, %add3A_545 : i32
    %dma_wait3A_547 = arith.constant 3 : i32
    %dma_wait3A_548 = arith.constant 3 : i32
    %dma_wait3A_549 = arith.constant 0 : i32
    %dma_wait3A_550 = tpu.memref_slice %arg8[%dma_wait3A_547, %dma_wait3A_549] : memref<4x80xi32, #tpu.memory_space<vmem>> -> memref<1x80xi32, #tpu.memory_space<vmem>>
    %dma_wait3A_551 = tpu.memref_squeeze %dma_wait3A_550 : memref<1x80xi32, #tpu.memory_space<vmem>> -> memref<80xi32, #tpu.memory_space<vmem>>
    %dma_wait3A_552 = tpu.memref_slice %arg2[%add3A_546] : memref<640000xi32, #tpu.memory_space<hbm>> -> memref<80xi32, #tpu.memory_space<hbm>>
    %dma_wait3A_553 = tpu.memref_slice %arg15[%dma_wait3A_548] : memref<4x!tpu.dma_semaphore, #tpu.memory_space<semaphore_mem>> -> memref<1x!tpu.dma_semaphore, #tpu.memory_space<semaphore_mem>>
    %dma_wait3A_554 = tpu.memref_squeeze %dma_wait3A_553 : memref<1x!tpu.dma_semaphore, #tpu.memory_space<semaphore_mem>> -> memref<!tpu.dma_semaphore, #tpu.memory_space<semaphore_mem>>
    %dma_wait3A_555 = arith.constant 0 : i32
    %dma_wait3A_556 = tpu.memref_slice %arg8[%dma_wait3A_547, %dma_wait3A_555] : memref<4x80xi32, #tpu.memory_space<vmem>> -> memref<1x80xi32, #tpu.memory_space<vmem>>
    %dma_wait3A_557 = tpu.memref_squeeze %dma_wait3A_556 : memref<1x80xi32, #tpu.memory_space<vmem>> -> memref<80xi32, #tpu.memory_space<vmem>>
    %dma_wait3A_558 = tpu.memref_slice %arg2[%add3A_546] : memref<640000xi32, #tpu.memory_space<hbm>> -> memref<80xi32, #tpu.memory_space<hbm>>
    tpu.wait_dma2 semaphore(%dma_wait3A_554 : memref<!tpu.dma_semaphore, #tpu.memory_space<semaphore_mem>>) src(%dma_wait3A_558 : memref<80xi32, #tpu.memory_space<hbm>>) dst(%dma_wait3A_557 : memref<80xi32, #tpu.memory_space<vmem>>)
    %dma_wait3A_559 = arith.constant 1 : i32
    %dma_wait3A_560 = arith.constant 1 : i32
    %dma_wait3A_561 = arith.constant 1 : i32
    %dma_wait3A_562 = arith.constant 0 : i32
    %dma_wait3A_563 = arith.constant 0 : i32
    %dma_wait3A_564 = tpu.memref_slice %arg9[%dma_wait3A_559, %dma_wait3A_562, %dma_wait3A_563] : memref<2x80x128xf32, #tpu.memory_space<vmem>> -> memref<1x80x128xf32, #tpu.memory_space<vmem>>
    %dma_wait3A_565 = tpu.memref_squeeze %dma_wait3A_564 : memref<1x80x128xf32, #tpu.memory_space<vmem>> -> memref<80x128xf32, #tpu.memory_space<vmem>>
    %dma_wait3A_566 = arith.constant 0 : i32
    %dma_wait3A_567 = tpu.memref_slice %arg8[%dma_wait3A_560, %dma_wait3A_566] : memref<4x80xi32, #tpu.memory_space<vmem>> -> memref<1x80xi32, #tpu.memory_space<vmem>>
    %dma_wait3A_568 = tpu.memref_squeeze %dma_wait3A_567 : memref<1x80xi32, #tpu.memory_space<vmem>> -> memref<80xi32, #tpu.memory_space<vmem>>
    %dma_wait3A_569 = arith.constant 0 : i32
    %dma_wait3A_570 = arith.constant 0 : i32
    %dma_wait3A_571 = tpu.memref_slice %arg13[%dma_wait3A_569, %dma_wait3A_570] : memref<10000x128xf32, #tpu.memory_space<vmem_shared>> -> memref<10000x128xf32, #tpu.memory_space<vmem_shared>>
    %dma_wait3A_572 = tpu.memref_slice %arg16[%dma_wait3A_561] : memref<2x!tpu.dma_semaphore, #tpu.memory_space<semaphore_mem>> -> memref<1x!tpu.dma_semaphore, #tpu.memory_space<semaphore_mem>>
    %dma_wait3A_573 = tpu.memref_squeeze %dma_wait3A_572 : memref<1x!tpu.dma_semaphore, #tpu.memory_space<semaphore_mem>> -> memref<!tpu.dma_semaphore, #tpu.memory_space<semaphore_mem>>
    tpu.wait_indirect_dma semaphore(%dma_wait3A_573 : memref<!tpu.dma_semaphore, #tpu.memory_space<semaphore_mem>>) src(%dma_wait3A_565 : memref<80x128xf32, #tpu.memory_space<vmem>>) dst(%dma_wait3A_571 : memref<10000x128xf32, #tpu.memory_space<vmem_shared>>)
    %dma_start3A_574 = arith.constant 3 : i32
    %dma_start3A_575 = arith.constant 1 : i32
    %dma_start3A_576 = arith.constant 1 : i32
    %dma_start3A_577 = arith.constant 0 : i32
    %dma_start3A_578 = arith.constant 0 : i32
    %dma_start3A_579 = tpu.memref_slice %arg9[%dma_start3A_575, %dma_start3A_577, %dma_start3A_578] : memref<2x80x128xf32, #tpu.memory_space<vmem>> -> memref<1x80x128xf32, #tpu.memory_space<vmem>>
    %dma_start3A_580 = tpu.memref_squeeze %dma_start3A_579 : memref<1x80x128xf32, #tpu.memory_space<vmem>> -> memref<80x128xf32, #tpu.memory_space<vmem>>
    %dma_start3A_581 = arith.constant 0 : i32
    %dma_start3A_582 = tpu.memref_slice %arg7[%dma_start3A_574, %dma_start3A_581] : memref<4x80xi32, #tpu.memory_space<vmem>> -> memref<1x80xi32, #tpu.memory_space<vmem>>
    %dma_start3A_583 = tpu.memref_squeeze %dma_start3A_582 : memref<1x80xi32, #tpu.memory_space<vmem>> -> memref<80xi32, #tpu.memory_space<vmem>>
    %dma_start3A_584 = arith.constant 0 : i32
    %dma_start3A_585 = arith.constant 0 : i32
    %dma_start3A_586 = tpu.memref_slice %arg3[%dma_start3A_584, %dma_start3A_585] : memref<10000x128xf32, #tpu.memory_space<hbm>> -> memref<10000x128xf32, #tpu.memory_space<hbm>>
    %dma_start3A_587 = tpu.memref_slice %arg14[%dma_start3A_576] : memref<2x!tpu.dma_semaphore, #tpu.memory_space<semaphore_mem>> -> memref<1x!tpu.dma_semaphore, #tpu.memory_space<semaphore_mem>>
    %dma_start3A_588 = tpu.memref_squeeze %dma_start3A_587 : memref<1x!tpu.dma_semaphore, #tpu.memory_space<semaphore_mem>> -> memref<!tpu.dma_semaphore, #tpu.memory_space<semaphore_mem>>
    tpu.enqueue_indirect_dma source(%dma_start3A_586 : memref<10000x128xf32, #tpu.memory_space<hbm>>) target(%dma_start3A_580 : memref<80x128xf32, #tpu.memory_space<vmem>>) offsets(%dma_start3A_583 : memref<80xi32, #tpu.memory_space<vmem>>) semaphore(%dma_start3A_588 : memref<!tpu.dma_semaphore, #tpu.memory_space<semaphore_mem>>)
    %dma_wait3A_589 = arith.constant 2 : i32
    %dma_wait3A_590 = arith.constant 0 : i32
    %dma_wait3A_591 = arith.constant 0 : i32
    %dma_wait3A_592 = arith.constant 0 : i32
    %dma_wait3A_593 = arith.constant 0 : i32
    %dma_wait3A_594 = tpu.memref_slice %arg9[%dma_wait3A_590, %dma_wait3A_592, %dma_wait3A_593] : memref<2x80x128xf32, #tpu.memory_space<vmem>> -> memref<1x80x128xf32, #tpu.memory_space<vmem>>
    %dma_wait3A_595 = tpu.memref_squeeze %dma_wait3A_594 : memref<1x80x128xf32, #tpu.memory_space<vmem>> -> memref<80x128xf32, #tpu.memory_space<vmem>>
    %dma_wait3A_596 = arith.constant 0 : i32
    %dma_wait3A_597 = tpu.memref_slice %arg7[%dma_wait3A_589, %dma_wait3A_596] : memref<4x80xi32, #tpu.memory_space<vmem>> -> memref<1x80xi32, #tpu.memory_space<vmem>>
    %dma_wait3A_598 = tpu.memref_squeeze %dma_wait3A_597 : memref<1x80xi32, #tpu.memory_space<vmem>> -> memref<80xi32, #tpu.memory_space<vmem>>
    %dma_wait3A_599 = arith.constant 0 : i32
    %dma_wait3A_600 = arith.constant 0 : i32
    %dma_wait3A_601 = tpu.memref_slice %arg3[%dma_wait3A_599, %dma_wait3A_600] : memref<10000x128xf32, #tpu.memory_space<hbm>> -> memref<10000x128xf32, #tpu.memory_space<hbm>>
    %dma_wait3A_602 = tpu.memref_slice %arg14[%dma_wait3A_591] : memref<2x!tpu.dma_semaphore, #tpu.memory_space<semaphore_mem>> -> memref<1x!tpu.dma_semaphore, #tpu.memory_space<semaphore_mem>>
    %dma_wait3A_603 = tpu.memref_squeeze %dma_wait3A_602 : memref<1x!tpu.dma_semaphore, #tpu.memory_space<semaphore_mem>> -> memref<!tpu.dma_semaphore, #tpu.memory_space<semaphore_mem>>
    tpu.wait_indirect_dma semaphore(%dma_wait3A_603 : memref<!tpu.dma_semaphore, #tpu.memory_space<semaphore_mem>>) src(%dma_wait3A_601 : memref<10000x128xf32, #tpu.memory_space<hbm>>) dst(%dma_wait3A_595 : memref<80x128xf32, #tpu.memory_space<vmem>>)
    %dma_start3A_604 = arith.constant 0 : i32
    %dma_start3A_605 = arith.constant 2 : i32
    %dma_start3A_606 = arith.constant 0 : i32
    %dma_start3A_607 = arith.constant 0 : i32
    %dma_start3A_608 = arith.constant 0 : i32
    %dma_start3A_609 = tpu.memref_slice %arg9[%dma_start3A_604, %dma_start3A_607, %dma_start3A_608] : memref<2x80x128xf32, #tpu.memory_space<vmem>> -> memref<1x80x128xf32, #tpu.memory_space<vmem>>
    %dma_start3A_610 = tpu.memref_squeeze %dma_start3A_609 : memref<1x80x128xf32, #tpu.memory_space<vmem>> -> memref<80x128xf32, #tpu.memory_space<vmem>>
    %dma_start3A_611 = arith.constant 0 : i32
    %dma_start3A_612 = tpu.memref_slice %arg8[%dma_start3A_605, %dma_start3A_611] : memref<4x80xi32, #tpu.memory_space<vmem>> -> memref<1x80xi32, #tpu.memory_space<vmem>>
    %dma_start3A_613 = tpu.memref_squeeze %dma_start3A_612 : memref<1x80xi32, #tpu.memory_space<vmem>> -> memref<80xi32, #tpu.memory_space<vmem>>
    %dma_start3A_614 = arith.constant 0 : i32
    %dma_start3A_615 = arith.constant 0 : i32
    %dma_start3A_616 = tpu.memref_slice %arg13[%dma_start3A_614, %dma_start3A_615] : memref<10000x128xf32, #tpu.memory_space<vmem_shared>> -> memref<10000x128xf32, #tpu.memory_space<vmem_shared>>
    %dma_start3A_617 = tpu.memref_slice %arg16[%dma_start3A_606] : memref<2x!tpu.dma_semaphore, #tpu.memory_space<semaphore_mem>> -> memref<1x!tpu.dma_semaphore, #tpu.memory_space<semaphore_mem>>
    %dma_start3A_618 = tpu.memref_squeeze %dma_start3A_617 : memref<1x!tpu.dma_semaphore, #tpu.memory_space<semaphore_mem>> -> memref<!tpu.dma_semaphore, #tpu.memory_space<semaphore_mem>>
    tpu.enqueue_indirect_dma source(%dma_start3A_610 : memref<80x128xf32, #tpu.memory_space<vmem>>) target(%dma_start3A_616 : memref<10000x128xf32, #tpu.memory_space<vmem_shared>>) offsets(%dma_start3A_613 : memref<80xi32, #tpu.memory_space<vmem>>) semaphore(%dma_start3A_618 : memref<!tpu.dma_semaphore, #tpu.memory_space<semaphore_mem>>) {add = true}
    %get3A_619 = arith.constant 2 : i32
    %get3A_620 = arith.constant 0 : i32
    %get3A_621 = tpu.memref_slice %arg7[%get3A_619, %get3A_620] : memref<4x80xi32, #tpu.memory_space<vmem>> -> memref<1x80xi32, #tpu.memory_space<vmem>>
    %get3A_622 = tpu.memref_squeeze %get3A_621 : memref<1x80xi32, #tpu.memory_space<vmem>> -> memref<80xi32, #tpu.memory_space<vmem>>
    %get3A_623 = arith.constant 0 : index
    %get3A_624 = tpu.vector_load %get3A_622[%get3A_623] {strides = array<i32>} : memref<80xi32, #tpu.memory_space<vmem>>, vector<16xi32>,
    %get3A_625 = arith.constant 2 : i32
    %get3A_626 = arith.constant 0 : i32
    %get3A_627 = tpu.memref_slice %arg8[%get3A_625, %get3A_626] : memref<4x80xi32, #tpu.memory_space<vmem>> -> memref<1x80xi32, #tpu.memory_space<vmem>>
    %get3A_628 = tpu.memref_squeeze %get3A_627 : memref<1x80xi32, #tpu.memory_space<vmem>> -> memref<80xi32, #tpu.memory_space<vmem>>
    %get3A_629 = arith.constant 0 : index
    %get3A_630 = tpu.vector_load %get3A_628[%get3A_629] {strides = array<i32>} : memref<80xi32, #tpu.memory_space<vmem>>, vector<16xi32>,
    %gather3A_631 = tpu.vector_load_idx %arg11[%get3A_624] : memref<10000xf32, #tpu.memory_space<vmem>>[vector<16xi32>], vector<16xf32>,
    tpu.vector_store_idx %arg12[%get3A_630], %gather3A_631 {add = true} : memref<10000xf32, #tpu.memory_space<vmem>>[vector<16xi32>], vector<16xf32>,
    %get3A_632 = arith.constant 2 : i32
    %get3A_633 = arith.constant 0 : i32
    %get3A_634 = tpu.memref_slice %arg7[%get3A_632, %get3A_633] : memref<4x80xi32, #tpu.memory_space<vmem>> -> memref<1x80xi32, #tpu.memory_space<vmem>>
    %get3A_635 = tpu.memref_squeeze %get3A_634 : memref<1x80xi32, #tpu.memory_space<vmem>> -> memref<80xi32, #tpu.memory_space<vmem>>
    %get3A_636 = arith.constant 16 : index
    %get3A_637 = tpu.vector_load %get3A_635[%get3A_636] {strides = array<i32>} : memref<80xi32, #tpu.memory_space<vmem>>, vector<16xi32>,
    %get3A_638 = arith.constant 2 : i32
    %get3A_639 = arith.constant 0 : i32
    %get3A_640 = tpu.memref_slice %arg8[%get3A_638, %get3A_639] : memref<4x80xi32, #tpu.memory_space<vmem>> -> memref<1x80xi32, #tpu.memory_space<vmem>>
    %get3A_641 = tpu.memref_squeeze %get3A_640 : memref<1x80xi32, #tpu.memory_space<vmem>> -> memref<80xi32, #tpu.memory_space<vmem>>
    %get3A_642 = arith.constant 16 : index
    %get3A_643 = tpu.vector_load %get3A_641[%get3A_642] {strides = array<i32>} : memref<80xi32, #tpu.memory_space<vmem>>, vector<16xi32>,
    %gather3A_644 = tpu.vector_load_idx %arg11[%get3A_637] : memref<10000xf32, #tpu.memory_space<vmem>>[vector<16xi32>], vector<16xf32>,
    tpu.vector_store_idx %arg12[%get3A_643], %gather3A_644 {add = true} : memref<10000xf32, #tpu.memory_space<vmem>>[vector<16xi32>], vector<16xf32>,
    %get3A_645 = arith.constant 2 : i32
    %get3A_646 = arith.constant 0 : i32
    %get3A_647 = tpu.memref_slice %arg7[%get3A_645, %get3A_646] : memref<4x80xi32, #tpu.memory_space<vmem>> -> memref<1x80xi32, #tpu.memory_space<vmem>>
    %get3A_648 = tpu.memref_squeeze %get3A_647 : memref<1x80xi32, #tpu.memory_space<vmem>> -> memref<80xi32, #tpu.memory_space<vmem>>
    %get3A_649 = arith.constant 32 : index
    %get3A_650 = tpu.vector_load %get3A_648[%get3A_649] {strides = array<i32>} : memref<80xi32, #tpu.memory_space<vmem>>, vector<16xi32>,
    %get3A_651 = arith.constant 2 : i32
    %get3A_652 = arith.constant 0 : i32
    %get3A_653 = tpu.memref_slice %arg8[%get3A_651, %get3A_652] : memref<4x80xi32, #tpu.memory_space<vmem>> -> memref<1x80xi32, #tpu.memory_space<vmem>>
    %get3A_654 = tpu.memref_squeeze %get3A_653 : memref<1x80xi32, #tpu.memory_space<vmem>> -> memref<80xi32, #tpu.memory_space<vmem>>
    %get3A_655 = arith.constant 32 : index
    %get3A_656 = tpu.vector_load %get3A_654[%get3A_655] {strides = array<i32>} : memref<80xi32, #tpu.memory_space<vmem>>, vector<16xi32>,
    %gather3A_657 = tpu.vector_load_idx %arg11[%get3A_650] : memref<10000xf32, #tpu.memory_space<vmem>>[vector<16xi32>], vector<16xf32>,
    tpu.vector_store_idx %arg12[%get3A_656], %gather3A_657 {add = true} : memref<10000xf32, #tpu.memory_space<vmem>>[vector<16xi32>], vector<16xf32>,
    %get3A_658 = arith.constant 2 : i32
    %get3A_659 = arith.constant 0 : i32
    %get3A_660 = tpu.memref_slice %arg7[%get3A_658, %get3A_659] : memref<4x80xi32, #tpu.memory_space<vmem>> -> memref<1x80xi32, #tpu.memory_space<vmem>>
    %get3A_661 = tpu.memref_squeeze %get3A_660 : memref<1x80xi32, #tpu.memory_space<vmem>> -> memref<80xi32, #tpu.memory_space<vmem>>
    %get3A_662 = arith.constant 48 : index
    %get3A_663 = tpu.vector_load %get3A_661[%get3A_662] {strides = array<i32>} : memref<80xi32, #tpu.memory_space<vmem>>, vector<16xi32>,
    %get3A_664 = arith.constant 2 : i32
    %get3A_665 = arith.constant 0 : i32
    %get3A_666 = tpu.memref_slice %arg8[%get3A_664, %get3A_665] : memref<4x80xi32, #tpu.memory_space<vmem>> -> memref<1x80xi32, #tpu.memory_space<vmem>>
    %get3A_667 = tpu.memref_squeeze %get3A_666 : memref<1x80xi32, #tpu.memory_space<vmem>> -> memref<80xi32, #tpu.memory_space<vmem>>
    %get3A_668 = arith.constant 48 : index
    %get3A_669 = tpu.vector_load %get3A_667[%get3A_668] {strides = array<i32>} : memref<80xi32, #tpu.memory_space<vmem>>, vector<16xi32>,
    %gather3A_670 = tpu.vector_load_idx %arg11[%get3A_663] : memref<10000xf32, #tpu.memory_space<vmem>>[vector<16xi32>], vector<16xf32>,
    tpu.vector_store_idx %arg12[%get3A_669], %gather3A_670 {add = true} : memref<10000xf32, #tpu.memory_space<vmem>>[vector<16xi32>], vector<16xf32>,
    %get3A_671 = arith.constant 2 : i32
    %get3A_672 = arith.constant 0 : i32
    %get3A_673 = tpu.memref_slice %arg7[%get3A_671, %get3A_672] : memref<4x80xi32, #tpu.memory_space<vmem>> -> memref<1x80xi32, #tpu.memory_space<vmem>>
    %get3A_674 = tpu.memref_squeeze %get3A_673 : memref<1x80xi32, #tpu.memory_space<vmem>> -> memref<80xi32, #tpu.memory_space<vmem>>
    %get3A_675 = arith.constant 64 : index
    %get3A_676 = tpu.vector_load %get3A_674[%get3A_675] {strides = array<i32>} : memref<80xi32, #tpu.memory_space<vmem>>, vector<16xi32>,
    %get3A_677 = arith.constant 2 : i32
    %get3A_678 = arith.constant 0 : i32
    %get3A_679 = tpu.memref_slice %arg8[%get3A_677, %get3A_678] : memref<4x80xi32, #tpu.memory_space<vmem>> -> memref<1x80xi32, #tpu.memory_space<vmem>>
    %get3A_680 = tpu.memref_squeeze %get3A_679 : memref<1x80xi32, #tpu.memory_space<vmem>> -> memref<80xi32, #tpu.memory_space<vmem>>
    %get3A_681 = arith.constant 64 : index
    %get3A_682 = tpu.vector_load %get3A_680[%get3A_681] {strides = array<i32>} : memref<80xi32, #tpu.memory_space<vmem>>, vector<16xi32>,
    %gather3A_683 = tpu.vector_load_idx %arg11[%get3A_676] : memref<10000xf32, #tpu.memory_space<vmem>>[vector<16xi32>], vector<16xf32>,
    tpu.vector_store_idx %arg12[%get3A_682], %gather3A_683 {add = true} : memref<10000xf32, #tpu.memory_space<vmem>>[vector<16xi32>], vector<16xf32>,
    %add3A_684 = arith.constant 9920 : i32
    %add3A_685 = arith.addi %mul3A_2, %add3A_684 : i32
    %dma_wait3A_686 = arith.constant 0 : i32
    %dma_wait3A_687 = arith.constant 0 : i32
    %dma_wait3A_688 = arith.constant 0 : i32
    %dma_wait3A_689 = tpu.memref_slice %arg7[%dma_wait3A_686, %dma_wait3A_688] : memref<4x80xi32, #tpu.memory_space<vmem>> -> memref<1x80xi32, #tpu.memory_space<vmem>>
    %dma_wait3A_690 = tpu.memref_squeeze %dma_wait3A_689 : memref<1x80xi32, #tpu.memory_space<vmem>> -> memref<80xi32, #tpu.memory_space<vmem>>
    %dma_wait3A_691 = tpu.memref_slice %arg2[%add3A_685] : memref<640000xi32, #tpu.memory_space<hbm>> -> memref<80xi32, #tpu.memory_space<hbm>>
    %dma_wait3A_692 = tpu.memref_slice %arg15[%dma_wait3A_687] : memref<4x!tpu.dma_semaphore, #tpu.memory_space<semaphore_mem>> -> memref<1x!tpu.dma_semaphore, #tpu.memory_space<semaphore_mem>>
    %dma_wait3A_693 = tpu.memref_squeeze %dma_wait3A_692 : memref<1x!tpu.dma_semaphore, #tpu.memory_space<semaphore_mem>> -> memref<!tpu.dma_semaphore, #tpu.memory_space<semaphore_mem>>
    %dma_wait3A_694 = arith.constant 0 : i32
    %dma_wait3A_695 = tpu.memref_slice %arg7[%dma_wait3A_686, %dma_wait3A_694] : memref<4x80xi32, #tpu.memory_space<vmem>> -> memref<1x80xi32, #tpu.memory_space<vmem>>
    %dma_wait3A_696 = tpu.memref_squeeze %dma_wait3A_695 : memref<1x80xi32, #tpu.memory_space<vmem>> -> memref<80xi32, #tpu.memory_space<vmem>>
    %dma_wait3A_697 = tpu.memref_slice %arg2[%add3A_685] : memref<640000xi32, #tpu.memory_space<hbm>> -> memref<80xi32, #tpu.memory_space<hbm>>
    tpu.wait_dma2 semaphore(%dma_wait3A_693 : memref<!tpu.dma_semaphore, #tpu.memory_space<semaphore_mem>>) src(%dma_wait3A_697 : memref<80xi32, #tpu.memory_space<hbm>>) dst(%dma_wait3A_696 : memref<80xi32, #tpu.memory_space<vmem>>)
    %add3A_698 = arith.constant 320000 : i32
    %add3A_699 = arith.addi %add3A_698, %mul3A_2 : i32
    %add3A_700 = arith.constant 9920 : i32
    %add3A_701 = arith.addi %add3A_699, %add3A_700 : i32
    %dma_wait3A_702 = arith.constant 0 : i32
    %dma_wait3A_703 = arith.constant 0 : i32
    %dma_wait3A_704 = arith.constant 0 : i32
    %dma_wait3A_705 = tpu.memref_slice %arg8[%dma_wait3A_702, %dma_wait3A_704] : memref<4x80xi32, #tpu.memory_space<vmem>> -> memref<1x80xi32, #tpu.memory_space<vmem>>
    %dma_wait3A_706 = tpu.memref_squeeze %dma_wait3A_705 : memref<1x80xi32, #tpu.memory_space<vmem>> -> memref<80xi32, #tpu.memory_space<vmem>>
    %dma_wait3A_707 = tpu.memref_slice %arg2[%add3A_701] : memref<640000xi32, #tpu.memory_space<hbm>> -> memref<80xi32, #tpu.memory_space<hbm>>
    %dma_wait3A_708 = tpu.memref_slice %arg15[%dma_wait3A_703] : memref<4x!tpu.dma_semaphore, #tpu.memory_space<semaphore_mem>> -> memref<1x!tpu.dma_semaphore, #tpu.memory_space<semaphore_mem>>
    %dma_wait3A_709 = tpu.memref_squeeze %dma_wait3A_708 : memref<1x!tpu.dma_semaphore, #tpu.memory_space<semaphore_mem>> -> memref<!tpu.dma_semaphore, #tpu.memory_space<semaphore_mem>>
    %dma_wait3A_710 = arith.constant 0 : i32
    %dma_wait3A_711 = tpu.memref_slice %arg8[%dma_wait3A_702, %dma_wait3A_710] : memref<4x80xi32, #tpu.memory_space<vmem>> -> memref<1x80xi32, #tpu.memory_space<vmem>>
    %dma_wait3A_712 = tpu.memref_squeeze %dma_wait3A_711 : memref<1x80xi32, #tpu.memory_space<vmem>> -> memref<80xi32, #tpu.memory_space<vmem>>
    %dma_wait3A_713 = tpu.memref_slice %arg2[%add3A_701] : memref<640000xi32, #tpu.memory_space<hbm>> -> memref<80xi32, #tpu.memory_space<hbm>>
    tpu.wait_dma2 semaphore(%dma_wait3A_709 : memref<!tpu.dma_semaphore, #tpu.memory_space<semaphore_mem>>) src(%dma_wait3A_713 : memref<80xi32, #tpu.memory_space<hbm>>) dst(%dma_wait3A_712 : memref<80xi32, #tpu.memory_space<vmem>>)
    %dma_wait3A_714 = arith.constant 0 : i32
    %dma_wait3A_715 = arith.constant 2 : i32
    %dma_wait3A_716 = arith.constant 0 : i32
    %dma_wait3A_717 = arith.constant 0 : i32
    %dma_wait3A_718 = arith.constant 0 : i32
    %dma_wait3A_719 = tpu.memref_slice %arg9[%dma_wait3A_714, %dma_wait3A_717, %dma_wait3A_718] : memref<2x80x128xf32, #tpu.memory_space<vmem>> -> memref<1x80x128xf32, #tpu.memory_space<vmem>>
    %dma_wait3A_720 = tpu.memref_squeeze %dma_wait3A_719 : memref<1x80x128xf32, #tpu.memory_space<vmem>> -> memref<80x128xf32, #tpu.memory_space<vmem>>
    %dma_wait3A_721 = arith.constant 0 : i32
    %dma_wait3A_722 = tpu.memref_slice %arg8[%dma_wait3A_715, %dma_wait3A_721] : memref<4x80xi32, #tpu.memory_space<vmem>> -> memref<1x80xi32, #tpu.memory_space<vmem>>
    %dma_wait3A_723 = tpu.memref_squeeze %dma_wait3A_722 : memref<1x80xi32, #tpu.memory_space<vmem>> -> memref<80xi32, #tpu.memory_space<vmem>>
    %dma_wait3A_724 = arith.constant 0 : i32
    %dma_wait3A_725 = arith.constant 0 : i32
    %dma_wait3A_726 = tpu.memref_slice %arg13[%dma_wait3A_724, %dma_wait3A_725] : memref<10000x128xf32, #tpu.memory_space<vmem_shared>> -> memref<10000x128xf32, #tpu.memory_space<vmem_shared>>
    %dma_wait3A_727 = tpu.memref_slice %arg16[%dma_wait3A_716] : memref<2x!tpu.dma_semaphore, #tpu.memory_space<semaphore_mem>> -> memref<1x!tpu.dma_semaphore, #tpu.memory_space<semaphore_mem>>
    %dma_wait3A_728 = tpu.memref_squeeze %dma_wait3A_727 : memref<1x!tpu.dma_semaphore, #tpu.memory_space<semaphore_mem>> -> memref<!tpu.dma_semaphore, #tpu.memory_space<semaphore_mem>>
    tpu.wait_indirect_dma semaphore(%dma_wait3A_728 : memref<!tpu.dma_semaphore, #tpu.memory_space<semaphore_mem>>) src(%dma_wait3A_720 : memref<80x128xf32, #tpu.memory_space<vmem>>) dst(%dma_wait3A_726 : memref<10000x128xf32, #tpu.memory_space<vmem_shared>>)
    %dma_start3A_729 = arith.constant 0 : i32
    %dma_start3A_730 = arith.constant 0 : i32
    %dma_start3A_731 = arith.constant 0 : i32
    %dma_start3A_732 = arith.constant 0 : i32
    %dma_start3A_733 = arith.constant 0 : i32
    %dma_start3A_734 = tpu.memref_slice %arg9[%dma_start3A_730, %dma_start3A_732, %dma_start3A_733] : memref<2x80x128xf32, #tpu.memory_space<vmem>> -> memref<1x80x128xf32, #tpu.memory_space<vmem>>
    %dma_start3A_735 = tpu.memref_squeeze %dma_start3A_734 : memref<1x80x128xf32, #tpu.memory_space<vmem>> -> memref<80x128xf32, #tpu.memory_space<vmem>>
    %dma_start3A_736 = arith.constant 0 : i32
    %dma_start3A_737 = tpu.memref_slice %arg7[%dma_start3A_729, %dma_start3A_736] : memref<4x80xi32, #tpu.memory_space<vmem>> -> memref<1x80xi32, #tpu.memory_space<vmem>>
    %dma_start3A_738 = tpu.memref_squeeze %dma_start3A_737 : memref<1x80xi32, #tpu.memory_space<vmem>> -> memref<80xi32, #tpu.memory_space<vmem>>
    %dma_start3A_739 = arith.constant 0 : i32
    %dma_start3A_740 = arith.constant 0 : i32
    %dma_start3A_741 = tpu.memref_slice %arg3[%dma_start3A_739, %dma_start3A_740] : memref<10000x128xf32, #tpu.memory_space<hbm>> -> memref<10000x128xf32, #tpu.memory_space<hbm>>
    %dma_start3A_742 = tpu.memref_slice %arg14[%dma_start3A_731] : memref<2x!tpu.dma_semaphore, #tpu.memory_space<semaphore_mem>> -> memref<1x!tpu.dma_semaphore, #tpu.memory_space<semaphore_mem>>
    %dma_start3A_743 = tpu.memref_squeeze %dma_start3A_742 : memref<1x!tpu.dma_semaphore, #tpu.memory_space<semaphore_mem>> -> memref<!tpu.dma_semaphore, #tpu.memory_space<semaphore_mem>>
    tpu.enqueue_indirect_dma source(%dma_start3A_741 : memref<10000x128xf32, #tpu.memory_space<hbm>>) target(%dma_start3A_735 : memref<80x128xf32, #tpu.memory_space<vmem>>) offsets(%dma_start3A_738 : memref<80xi32, #tpu.memory_space<vmem>>) semaphore(%dma_start3A_743 : memref<!tpu.dma_semaphore, #tpu.memory_space<semaphore_mem>>)
    %dma_wait3A_744 = arith.constant 3 : i32
    %dma_wait3A_745 = arith.constant 1 : i32
    %dma_wait3A_746 = arith.constant 1 : i32
    %dma_wait3A_747 = arith.constant 0 : i32
    %dma_wait3A_748 = arith.constant 0 : i32
    %dma_wait3A_749 = tpu.memref_slice %arg9[%dma_wait3A_745, %dma_wait3A_747, %dma_wait3A_748] : memref<2x80x128xf32, #tpu.memory_space<vmem>> -> memref<1x80x128xf32, #tpu.memory_space<vmem>>
    %dma_wait3A_750 = tpu.memref_squeeze %dma_wait3A_749 : memref<1x80x128xf32, #tpu.memory_space<vmem>> -> memref<80x128xf32, #tpu.memory_space<vmem>>
    %dma_wait3A_751 = arith.constant 0 : i32
    %dma_wait3A_752 = tpu.memref_slice %arg7[%dma_wait3A_744, %dma_wait3A_751] : memref<4x80xi32, #tpu.memory_space<vmem>> -> memref<1x80xi32, #tpu.memory_space<vmem>>
    %dma_wait3A_753 = tpu.memref_squeeze %dma_wait3A_752 : memref<1x80xi32, #tpu.memory_space<vmem>> -> memref<80xi32, #tpu.memory_space<vmem>>
    %dma_wait3A_754 = arith.constant 0 : i32
    %dma_wait3A_755 = arith.constant 0 : i32
    %dma_wait3A_756 = tpu.memref_slice %arg3[%dma_wait3A_754, %dma_wait3A_755] : memref<10000x128xf32, #tpu.memory_space<hbm>> -> memref<10000x128xf32, #tpu.memory_space<hbm>>
    %dma_wait3A_757 = tpu.memref_slice %arg14[%dma_wait3A_746] : memref<2x!tpu.dma_semaphore, #tpu.memory_space<semaphore_mem>> -> memref<1x!tpu.dma_semaphore, #tpu.memory_space<semaphore_mem>>
    %dma_wait3A_758 = tpu.memref_squeeze %dma_wait3A_757 : memref<1x!tpu.dma_semaphore, #tpu.memory_space<semaphore_mem>> -> memref<!tpu.dma_semaphore, #tpu.memory_space<semaphore_mem>>
    tpu.wait_indirect_dma semaphore(%dma_wait3A_758 : memref<!tpu.dma_semaphore, #tpu.memory_space<semaphore_mem>>) src(%dma_wait3A_756 : memref<10000x128xf32, #tpu.memory_space<hbm>>) dst(%dma_wait3A_750 : memref<80x128xf32, #tpu.memory_space<vmem>>)
    %dma_start3A_759 = arith.constant 1 : i32
    %dma_start3A_760 = arith.constant 3 : i32
    %dma_start3A_761 = arith.constant 1 : i32
    %dma_start3A_762 = arith.constant 0 : i32
    %dma_start3A_763 = arith.constant 0 : i32
    %dma_start3A_764 = tpu.memref_slice %arg9[%dma_start3A_759, %dma_start3A_762, %dma_start3A_763] : memref<2x80x128xf32, #tpu.memory_space<vmem>> -> memref<1x80x128xf32, #tpu.memory_space<vmem>>
    %dma_start3A_765 = tpu.memref_squeeze %dma_start3A_764 : memref<1x80x128xf32, #tpu.memory_space<vmem>> -> memref<80x128xf32, #tpu.memory_space<vmem>>
    %dma_start3A_766 = arith.constant 0 : i32
    %dma_start3A_767 = tpu.memref_slice %arg8[%dma_start3A_760, %dma_start3A_766] : memref<4x80xi32, #tpu.memory_space<vmem>> -> memref<1x80xi32, #tpu.memory_space<vmem>>
    %dma_start3A_768 = tpu.memref_squeeze %dma_start3A_767 : memref<1x80xi32, #tpu.memory_space<vmem>> -> memref<80xi32, #tpu.memory_space<vmem>>
    %dma_start3A_769 = arith.constant 0 : i32
    %dma_start3A_770 = arith.constant 0 : i32
    %dma_start3A_771 = tpu.memref_slice %arg13[%dma_start3A_769, %dma_start3A_770] : memref<10000x128xf32, #tpu.memory_space<vmem_shared>> -> memref<10000x128xf32, #tpu.memory_space<vmem_shared>>
    %dma_start3A_772 = tpu.memref_slice %arg16[%dma_start3A_761] : memref<2x!tpu.dma_semaphore, #tpu.memory_space<semaphore_mem>> -> memref<1x!tpu.dma_semaphore, #tpu.memory_space<semaphore_mem>>
    %dma_start3A_773 = tpu.memref_squeeze %dma_start3A_772 : memref<1x!tpu.dma_semaphore, #tpu.memory_space<semaphore_mem>> -> memref<!tpu.dma_semaphore, #tpu.memory_space<semaphore_mem>>
    tpu.enqueue_indirect_dma source(%dma_start3A_765 : memref<80x128xf32, #tpu.memory_space<vmem>>) target(%dma_start3A_771 : memref<10000x128xf32, #tpu.memory_space<vmem_shared>>) offsets(%dma_start3A_768 : memref<80xi32, #tpu.memory_space<vmem>>) semaphore(%dma_start3A_773 : memref<!tpu.dma_semaphore, #tpu.memory_space<semaphore_mem>>) {add = true}
    %get3A_774 = arith.constant 3 : i32
    %get3A_775 = arith.constant 0 : i32
    %get3A_776 = tpu.memref_slice %arg7[%get3A_774, %get3A_775] : memref<4x80xi32, #tpu.memory_space<vmem>> -> memref<1x80xi32, #tpu.memory_space<vmem>>
    %get3A_777 = tpu.memref_squeeze %get3A_776 : memref<1x80xi32, #tpu.memory_space<vmem>> -> memref<80xi32, #tpu.memory_space<vmem>>
    %get3A_778 = arith.constant 0 : index
    %get3A_779 = tpu.vector_load %get3A_777[%get3A_778] {strides = array<i32>} : memref<80xi32, #tpu.memory_space<vmem>>, vector<16xi32>,
    %get3A_780 = arith.constant 3 : i32
    %get3A_781 = arith.constant 0 : i32
    %get3A_782 = tpu.memref_slice %arg8[%get3A_780, %get3A_781] : memref<4x80xi32, #tpu.memory_space<vmem>> -> memref<1x80xi32, #tpu.memory_space<vmem>>
    %get3A_783 = tpu.memref_squeeze %get3A_782 : memref<1x80xi32, #tpu.memory_space<vmem>> -> memref<80xi32, #tpu.memory_space<vmem>>
    %get3A_784 = arith.constant 0 : index
    %get3A_785 = tpu.vector_load %get3A_783[%get3A_784] {strides = array<i32>} : memref<80xi32, #tpu.memory_space<vmem>>, vector<16xi32>,
    %gather3A_786 = tpu.vector_load_idx %arg11[%get3A_779] : memref<10000xf32, #tpu.memory_space<vmem>>[vector<16xi32>], vector<16xf32>,
    tpu.vector_store_idx %arg12[%get3A_785], %gather3A_786 {add = true} : memref<10000xf32, #tpu.memory_space<vmem>>[vector<16xi32>], vector<16xf32>,
    %get3A_787 = arith.constant 3 : i32
    %get3A_788 = arith.constant 0 : i32
    %get3A_789 = tpu.memref_slice %arg7[%get3A_787, %get3A_788] : memref<4x80xi32, #tpu.memory_space<vmem>> -> memref<1x80xi32, #tpu.memory_space<vmem>>
    %get3A_790 = tpu.memref_squeeze %get3A_789 : memref<1x80xi32, #tpu.memory_space<vmem>> -> memref<80xi32, #tpu.memory_space<vmem>>
    %get3A_791 = arith.constant 16 : index
    %get3A_792 = tpu.vector_load %get3A_790[%get3A_791] {strides = array<i32>} : memref<80xi32, #tpu.memory_space<vmem>>, vector<16xi32>,
    %get3A_793 = arith.constant 3 : i32
    %get3A_794 = arith.constant 0 : i32
    %get3A_795 = tpu.memref_slice %arg8[%get3A_793, %get3A_794] : memref<4x80xi32, #tpu.memory_space<vmem>> -> memref<1x80xi32, #tpu.memory_space<vmem>>
    %get3A_796 = tpu.memref_squeeze %get3A_795 : memref<1x80xi32, #tpu.memory_space<vmem>> -> memref<80xi32, #tpu.memory_space<vmem>>
    %get3A_797 = arith.constant 16 : index
    %get3A_798 = tpu.vector_load %get3A_796[%get3A_797] {strides = array<i32>} : memref<80xi32, #tpu.memory_space<vmem>>, vector<16xi32>,
    %gather3A_799 = tpu.vector_load_idx %arg11[%get3A_792] : memref<10000xf32, #tpu.memory_space<vmem>>[vector<16xi32>], vector<16xf32>,
    tpu.vector_store_idx %arg12[%get3A_798], %gather3A_799 {add = true} : memref<10000xf32, #tpu.memory_space<vmem>>[vector<16xi32>], vector<16xf32>,
    %get3A_800 = arith.constant 3 : i32
    %get3A_801 = arith.constant 0 : i32
    %get3A_802 = tpu.memref_slice %arg7[%get3A_800, %get3A_801] : memref<4x80xi32, #tpu.memory_space<vmem>> -> memref<1x80xi32, #tpu.memory_space<vmem>>
    %get3A_803 = tpu.memref_squeeze %get3A_802 : memref<1x80xi32, #tpu.memory_space<vmem>> -> memref<80xi32, #tpu.memory_space<vmem>>
    %get3A_804 = arith.constant 32 : index
    %get3A_805 = tpu.vector_load %get3A_803[%get3A_804] {strides = array<i32>} : memref<80xi32, #tpu.memory_space<vmem>>, vector<16xi32>,
    %get3A_806 = arith.constant 3 : i32
    %get3A_807 = arith.constant 0 : i32
    %get3A_808 = tpu.memref_slice %arg8[%get3A_806, %get3A_807] : memref<4x80xi32, #tpu.memory_space<vmem>> -> memref<1x80xi32, #tpu.memory_space<vmem>>
    %get3A_809 = tpu.memref_squeeze %get3A_808 : memref<1x80xi32, #tpu.memory_space<vmem>> -> memref<80xi32, #tpu.memory_space<vmem>>
    %get3A_810 = arith.constant 32 : index
    %get3A_811 = tpu.vector_load %get3A_809[%get3A_810] {strides = array<i32>} : memref<80xi32, #tpu.memory_space<vmem>>, vector<16xi32>,
    %gather3A_812 = tpu.vector_load_idx %arg11[%get3A_805] : memref<10000xf32, #tpu.memory_space<vmem>>[vector<16xi32>], vector<16xf32>,
    tpu.vector_store_idx %arg12[%get3A_811], %gather3A_812 {add = true} : memref<10000xf32, #tpu.memory_space<vmem>>[vector<16xi32>], vector<16xf32>,
    %get3A_813 = arith.constant 3 : i32
    %get3A_814 = arith.constant 0 : i32
    %get3A_815 = tpu.memref_slice %arg7[%get3A_813, %get3A_814] : memref<4x80xi32, #tpu.memory_space<vmem>> -> memref<1x80xi32, #tpu.memory_space<vmem>>
    %get3A_816 = tpu.memref_squeeze %get3A_815 : memref<1x80xi32, #tpu.memory_space<vmem>> -> memref<80xi32, #tpu.memory_space<vmem>>
    %get3A_817 = arith.constant 48 : index
    %get3A_818 = tpu.vector_load %get3A_816[%get3A_817] {strides = array<i32>} : memref<80xi32, #tpu.memory_space<vmem>>, vector<16xi32>,
    %get3A_819 = arith.constant 3 : i32
    %get3A_820 = arith.constant 0 : i32
    %get3A_821 = tpu.memref_slice %arg8[%get3A_819, %get3A_820] : memref<4x80xi32, #tpu.memory_space<vmem>> -> memref<1x80xi32, #tpu.memory_space<vmem>>
    %get3A_822 = tpu.memref_squeeze %get3A_821 : memref<1x80xi32, #tpu.memory_space<vmem>> -> memref<80xi32, #tpu.memory_space<vmem>>
    %get3A_823 = arith.constant 48 : index
    %get3A_824 = tpu.vector_load %get3A_822[%get3A_823] {strides = array<i32>} : memref<80xi32, #tpu.memory_space<vmem>>, vector<16xi32>,
    %gather3A_825 = tpu.vector_load_idx %arg11[%get3A_818] : memref<10000xf32, #tpu.memory_space<vmem>>[vector<16xi32>], vector<16xf32>,
    tpu.vector_store_idx %arg12[%get3A_824], %gather3A_825 {add = true} : memref<10000xf32, #tpu.memory_space<vmem>>[vector<16xi32>], vector<16xf32>,
    %get3A_826 = arith.constant 3 : i32
    %get3A_827 = arith.constant 0 : i32
    %get3A_828 = tpu.memref_slice %arg7[%get3A_826, %get3A_827] : memref<4x80xi32, #tpu.memory_space<vmem>> -> memref<1x80xi32, #tpu.memory_space<vmem>>
    %get3A_829 = tpu.memref_squeeze %get3A_828 : memref<1x80xi32, #tpu.memory_space<vmem>> -> memref<80xi32, #tpu.memory_space<vmem>>
    %get3A_830 = arith.constant 64 : index
    %get3A_831 = tpu.vector_load %get3A_829[%get3A_830] {strides = array<i32>} : memref<80xi32, #tpu.memory_space<vmem>>, vector<16xi32>,
    %get3A_832 = arith.constant 3 : i32
    %get3A_833 = arith.constant 0 : i32
    %get3A_834 = tpu.memref_slice %arg8[%get3A_832, %get3A_833] : memref<4x80xi32, #tpu.memory_space<vmem>> -> memref<1x80xi32, #tpu.memory_space<vmem>>
    %get3A_835 = tpu.memref_squeeze %get3A_834 : memref<1x80xi32, #tpu.memory_space<vmem>> -> memref<80xi32, #tpu.memory_space<vmem>>
    %get3A_836 = arith.constant 64 : index
    %get3A_837 = tpu.vector_load %get3A_835[%get3A_836] {strides = array<i32>} : memref<80xi32, #tpu.memory_space<vmem>>, vector<16xi32>,
    %gather3A_838 = tpu.vector_load_idx %arg11[%get3A_831] : memref<10000xf32, #tpu.memory_space<vmem>>[vector<16xi32>], vector<16xf32>,
    tpu.vector_store_idx %arg12[%get3A_837], %gather3A_838 {add = true} : memref<10000xf32, #tpu.memory_space<vmem>>[vector<16xi32>], vector<16xf32>,
    %dma_wait3A_839 = arith.constant 1 : i32
    %dma_wait3A_840 = arith.constant 3 : i32
    %dma_wait3A_841 = arith.constant 1 : i32
    %dma_wait3A_842 = arith.constant 0 : i32
    %dma_wait3A_843 = arith.constant 0 : i32
    %dma_wait3A_844 = tpu.memref_slice %arg9[%dma_wait3A_839, %dma_wait3A_842, %dma_wait3A_843] : memref<2x80x128xf32, #tpu.memory_space<vmem>> -> memref<1x80x128xf32, #tpu.memory_space<vmem>>
    %dma_wait3A_845 = tpu.memref_squeeze %dma_wait3A_844 : memref<1x80x128xf32, #tpu.memory_space<vmem>> -> memref<80x128xf32, #tpu.memory_space<vmem>>
    %dma_wait3A_846 = arith.constant 0 : i32
    %dma_wait3A_847 = tpu.memref_slice %arg8[%dma_wait3A_840, %dma_wait3A_846] : memref<4x80xi32, #tpu.memory_space<vmem>> -> memref<1x80xi32, #tpu.memory_space<vmem>>
    %dma_wait3A_848 = tpu.memref_squeeze %dma_wait3A_847 : memref<1x80xi32, #tpu.memory_space<vmem>> -> memref<80xi32, #tpu.memory_space<vmem>>
    %dma_wait3A_849 = arith.constant 0 : i32
    %dma_wait3A_850 = arith.constant 0 : i32
    %dma_wait3A_851 = tpu.memref_slice %arg13[%dma_wait3A_849, %dma_wait3A_850] : memref<10000x128xf32, #tpu.memory_space<vmem_shared>> -> memref<10000x128xf32, #tpu.memory_space<vmem_shared>>
    %dma_wait3A_852 = tpu.memref_slice %arg16[%dma_wait3A_841] : memref<2x!tpu.dma_semaphore, #tpu.memory_space<semaphore_mem>> -> memref<1x!tpu.dma_semaphore, #tpu.memory_space<semaphore_mem>>
    %dma_wait3A_853 = tpu.memref_squeeze %dma_wait3A_852 : memref<1x!tpu.dma_semaphore, #tpu.memory_space<semaphore_mem>> -> memref<!tpu.dma_semaphore, #tpu.memory_space<semaphore_mem>>
    tpu.wait_indirect_dma semaphore(%dma_wait3A_853 : memref<!tpu.dma_semaphore, #tpu.memory_space<semaphore_mem>>) src(%dma_wait3A_845 : memref<80x128xf32, #tpu.memory_space<vmem>>) dst(%dma_wait3A_851 : memref<10000x128xf32, #tpu.memory_space<vmem_shared>>)
    %dma_wait3A_854 = arith.constant 0 : i32
    %dma_wait3A_855 = arith.constant 0 : i32
    %dma_wait3A_856 = arith.constant 0 : i32
    %dma_wait3A_857 = arith.constant 0 : i32
    %dma_wait3A_858 = arith.constant 0 : i32
    %dma_wait3A_859 = tpu.memref_slice %arg9[%dma_wait3A_855, %dma_wait3A_857, %dma_wait3A_858] : memref<2x80x128xf32, #tpu.memory_space<vmem>> -> memref<1x80x128xf32, #tpu.memory_space<vmem>>
    %dma_wait3A_860 = tpu.memref_squeeze %dma_wait3A_859 : memref<1x80x128xf32, #tpu.memory_space<vmem>> -> memref<80x128xf32, #tpu.memory_space<vmem>>
    %dma_wait3A_861 = arith.constant 0 : i32
    %dma_wait3A_862 = tpu.memref_slice %arg7[%dma_wait3A_854, %dma_wait3A_861] : memref<4x80xi32, #tpu.memory_space<vmem>> -> memref<1x80xi32, #tpu.memory_space<vmem>>
    %dma_wait3A_863 = tpu.memref_squeeze %dma_wait3A_862 : memref<1x80xi32, #tpu.memory_space<vmem>> -> memref<80xi32, #tpu.memory_space<vmem>>
    %dma_wait3A_864 = arith.constant 0 : i32
    %dma_wait3A_865 = arith.constant 0 : i32
    %dma_wait3A_866 = tpu.memref_slice %arg3[%dma_wait3A_864, %dma_wait3A_865] : memref<10000x128xf32, #tpu.memory_space<hbm>> -> memref<10000x128xf32, #tpu.memory_space<hbm>>
    %dma_wait3A_867 = tpu.memref_slice %arg14[%dma_wait3A_856] : memref<2x!tpu.dma_semaphore, #tpu.memory_space<semaphore_mem>> -> memref<1x!tpu.dma_semaphore, #tpu.memory_space<semaphore_mem>>
    %dma_wait3A_868 = tpu.memref_squeeze %dma_wait3A_867 : memref<1x!tpu.dma_semaphore, #tpu.memory_space<semaphore_mem>> -> memref<!tpu.dma_semaphore, #tpu.memory_space<semaphore_mem>>
    tpu.wait_indirect_dma semaphore(%dma_wait3A_868 : memref<!tpu.dma_semaphore, #tpu.memory_space<semaphore_mem>>) src(%dma_wait3A_866 : memref<10000x128xf32, #tpu.memory_space<hbm>>) dst(%dma_wait3A_860 : memref<80x128xf32, #tpu.memory_space<vmem>>)
    %dma_start3A_869 = arith.constant 0 : i32
    %dma_start3A_870 = arith.constant 0 : i32
    %dma_start3A_871 = arith.constant 0 : i32
    %dma_start3A_872 = arith.constant 0 : i32
    %dma_start3A_873 = arith.constant 0 : i32
    %dma_start3A_874 = tpu.memref_slice %arg9[%dma_start3A_869, %dma_start3A_872, %dma_start3A_873] : memref<2x80x128xf32, #tpu.memory_space<vmem>> -> memref<1x80x128xf32, #tpu.memory_space<vmem>>
    %dma_start3A_875 = tpu.memref_squeeze %dma_start3A_874 : memref<1x80x128xf32, #tpu.memory_space<vmem>> -> memref<80x128xf32, #tpu.memory_space<vmem>>
    %dma_start3A_876 = arith.constant 0 : i32
    %dma_start3A_877 = tpu.memref_slice %arg8[%dma_start3A_870, %dma_start3A_876] : memref<4x80xi32, #tpu.memory_space<vmem>> -> memref<1x80xi32, #tpu.memory_space<vmem>>
    %dma_start3A_878 = tpu.memref_squeeze %dma_start3A_877 : memref<1x80xi32, #tpu.memory_space<vmem>> -> memref<80xi32, #tpu.memory_space<vmem>>
    %dma_start3A_879 = arith.constant 0 : i32
    %dma_start3A_880 = arith.constant 0 : i32
    %dma_start3A_881 = tpu.memref_slice %arg13[%dma_start3A_879, %dma_start3A_880] : memref<10000x128xf32, #tpu.memory_space<vmem_shared>> -> memref<10000x128xf32, #tpu.memory_space<vmem_shared>>
    %dma_start3A_882 = tpu.memref_slice %arg16[%dma_start3A_871] : memref<2x!tpu.dma_semaphore, #tpu.memory_space<semaphore_mem>> -> memref<1x!tpu.dma_semaphore, #tpu.memory_space<semaphore_mem>>
    %dma_start3A_883 = tpu.memref_squeeze %dma_start3A_882 : memref<1x!tpu.dma_semaphore, #tpu.memory_space<semaphore_mem>> -> memref<!tpu.dma_semaphore, #tpu.memory_space<semaphore_mem>>
    tpu.enqueue_indirect_dma source(%dma_start3A_875 : memref<80x128xf32, #tpu.memory_space<vmem>>) target(%dma_start3A_881 : memref<10000x128xf32, #tpu.memory_space<vmem_shared>>) offsets(%dma_start3A_878 : memref<80xi32, #tpu.memory_space<vmem>>) semaphore(%dma_start3A_883 : memref<!tpu.dma_semaphore, #tpu.memory_space<semaphore_mem>>) {add = true}
    %get3A_884 = arith.constant 0 : i32
    %get3A_885 = arith.constant 0 : i32
    %get3A_886 = tpu.memref_slice %arg7[%get3A_884, %get3A_885] : memref<4x80xi32, #tpu.memory_space<vmem>> -> memref<1x80xi32, #tpu.memory_space<vmem>>
    %get3A_887 = tpu.memref_squeeze %get3A_886 : memref<1x80xi32, #tpu.memory_space<vmem>> -> memref<80xi32, #tpu.memory_space<vmem>>
    %get3A_888 = arith.constant 0 : index
    %get3A_889 = tpu.vector_load %get3A_887[%get3A_888] {strides = array<i32>} : memref<80xi32, #tpu.memory_space<vmem>>, vector<16xi32>,
    %get3A_890 = arith.constant 0 : i32
    %get3A_891 = arith.constant 0 : i32
    %get3A_892 = tpu.memref_slice %arg8[%get3A_890, %get3A_891] : memref<4x80xi32, #tpu.memory_space<vmem>> -> memref<1x80xi32, #tpu.memory_space<vmem>>
    %get3A_893 = tpu.memref_squeeze %get3A_892 : memref<1x80xi32, #tpu.memory_space<vmem>> -> memref<80xi32, #tpu.memory_space<vmem>>
    %get3A_894 = arith.constant 0 : index
    %get3A_895 = tpu.vector_load %get3A_893[%get3A_894] {strides = array<i32>} : memref<80xi32, #tpu.memory_space<vmem>>, vector<16xi32>,
    %gather3A_896 = tpu.vector_load_idx %arg11[%get3A_889] : memref<10000xf32, #tpu.memory_space<vmem>>[vector<16xi32>], vector<16xf32>,
    tpu.vector_store_idx %arg12[%get3A_895], %gather3A_896 {add = true} : memref<10000xf32, #tpu.memory_space<vmem>>[vector<16xi32>], vector<16xf32>,
    %get3A_897 = arith.constant 0 : i32
    %get3A_898 = arith.constant 0 : i32
    %get3A_899 = tpu.memref_slice %arg7[%get3A_897, %get3A_898] : memref<4x80xi32, #tpu.memory_space<vmem>> -> memref<1x80xi32, #tpu.memory_space<vmem>>
    %get3A_900 = tpu.memref_squeeze %get3A_899 : memref<1x80xi32, #tpu.memory_space<vmem>> -> memref<80xi32, #tpu.memory_space<vmem>>
    %get3A_901 = arith.constant 16 : index
    %get3A_902 = tpu.vector_load %get3A_900[%get3A_901] {strides = array<i32>} : memref<80xi32, #tpu.memory_space<vmem>>, vector<16xi32>,
    %get3A_903 = arith.constant 0 : i32
    %get3A_904 = arith.constant 0 : i32
    %get3A_905 = tpu.memref_slice %arg8[%get3A_903, %get3A_904] : memref<4x80xi32, #tpu.memory_space<vmem>> -> memref<1x80xi32, #tpu.memory_space<vmem>>
    %get3A_906 = tpu.memref_squeeze %get3A_905 : memref<1x80xi32, #tpu.memory_space<vmem>> -> memref<80xi32, #tpu.memory_space<vmem>>
    %get3A_907 = arith.constant 16 : index
    %get3A_908 = tpu.vector_load %get3A_906[%get3A_907] {strides = array<i32>} : memref<80xi32, #tpu.memory_space<vmem>>, vector<16xi32>,
    %gather3A_909 = tpu.vector_load_idx %arg11[%get3A_902] : memref<10000xf32, #tpu.memory_space<vmem>>[vector<16xi32>], vector<16xf32>,
    tpu.vector_store_idx %arg12[%get3A_908], %gather3A_909 {add = true} : memref<10000xf32, #tpu.memory_space<vmem>>[vector<16xi32>], vector<16xf32>,
    %get3A_910 = arith.constant 0 : i32
    %get3A_911 = arith.constant 0 : i32
    %get3A_912 = tpu.memref_slice %arg7[%get3A_910, %get3A_911] : memref<4x80xi32, #tpu.memory_space<vmem>> -> memref<1x80xi32, #tpu.memory_space<vmem>>
    %get3A_913 = tpu.memref_squeeze %get3A_912 : memref<1x80xi32, #tpu.memory_space<vmem>> -> memref<80xi32, #tpu.memory_space<vmem>>
    %get3A_914 = arith.constant 32 : index
    %get3A_915 = tpu.vector_load %get3A_913[%get3A_914] {strides = array<i32>} : memref<80xi32, #tpu.memory_space<vmem>>, vector<16xi32>,
    %get3A_916 = arith.constant 0 : i32
    %get3A_917 = arith.constant 0 : i32
    %get3A_918 = tpu.memref_slice %arg8[%get3A_916, %get3A_917] : memref<4x80xi32, #tpu.memory_space<vmem>> -> memref<1x80xi32, #tpu.memory_space<vmem>>
    %get3A_919 = tpu.memref_squeeze %get3A_918 : memref<1x80xi32, #tpu.memory_space<vmem>> -> memref<80xi32, #tpu.memory_space<vmem>>
    %get3A_920 = arith.constant 32 : index
    %get3A_921 = tpu.vector_load %get3A_919[%get3A_920] {strides = array<i32>} : memref<80xi32, #tpu.memory_space<vmem>>, vector<16xi32>,
    %gather3A_922 = tpu.vector_load_idx %arg11[%get3A_915] : memref<10000xf32, #tpu.memory_space<vmem>>[vector<16xi32>], vector<16xf32>,
    tpu.vector_store_idx %arg12[%get3A_921], %gather3A_922 {add = true} : memref<10000xf32, #tpu.memory_space<vmem>>[vector<16xi32>], vector<16xf32>,
    %get3A_923 = arith.constant 0 : i32
    %get3A_924 = arith.constant 0 : i32
    %get3A_925 = tpu.memref_slice %arg7[%get3A_923, %get3A_924] : memref<4x80xi32, #tpu.memory_space<vmem>> -> memref<1x80xi32, #tpu.memory_space<vmem>>
    %get3A_926 = tpu.memref_squeeze %get3A_925 : memref<1x80xi32, #tpu.memory_space<vmem>> -> memref<80xi32, #tpu.memory_space<vmem>>
    %get3A_927 = arith.constant 48 : index
    %get3A_928 = tpu.vector_load %get3A_926[%get3A_927] {strides = array<i32>} : memref<80xi32, #tpu.memory_space<vmem>>, vector<16xi32>,
    %get3A_929 = arith.constant 0 : i32
    %get3A_930 = arith.constant 0 : i32
    %get3A_931 = tpu.memref_slice %arg8[%get3A_929, %get3A_930] : memref<4x80xi32, #tpu.memory_space<vmem>> -> memref<1x80xi32, #tpu.memory_space<vmem>>
    %get3A_932 = tpu.memref_squeeze %get3A_931 : memref<1x80xi32, #tpu.memory_space<vmem>> -> memref<80xi32, #tpu.memory_space<vmem>>
    %get3A_933 = arith.constant 48 : index
    %get3A_934 = tpu.vector_load %get3A_932[%get3A_933] {strides = array<i32>} : memref<80xi32, #tpu.memory_space<vmem>>, vector<16xi32>,
    %gather3A_935 = tpu.vector_load_idx %arg11[%get3A_928] : memref<10000xf32, #tpu.memory_space<vmem>>[vector<16xi32>], vector<16xf32>,
    tpu.vector_store_idx %arg12[%get3A_934], %gather3A_935 {add = true} : memref<10000xf32, #tpu.memory_space<vmem>>[vector<16xi32>], vector<16xf32>,
    %get3A_936 = arith.constant 0 : i32
    %get3A_937 = arith.constant 0 : i32
    %get3A_938 = tpu.memref_slice %arg7[%get3A_936, %get3A_937] : memref<4x80xi32, #tpu.memory_space<vmem>> -> memref<1x80xi32, #tpu.memory_space<vmem>>
    %get3A_939 = tpu.memref_squeeze %get3A_938 : memref<1x80xi32, #tpu.memory_space<vmem>> -> memref<80xi32, #tpu.memory_space<vmem>>
    %get3A_940 = arith.constant 64 : index
    %get3A_941 = tpu.vector_load %get3A_939[%get3A_940] {strides = array<i32>} : memref<80xi32, #tpu.memory_space<vmem>>, vector<16xi32>,
    %get3A_942 = arith.constant 0 : i32
    %get3A_943 = arith.constant 0 : i32
    %get3A_944 = tpu.memref_slice %arg8[%get3A_942, %get3A_943] : memref<4x80xi32, #tpu.memory_space<vmem>> -> memref<1x80xi32, #tpu.memory_space<vmem>>
    %get3A_945 = tpu.memref_squeeze %get3A_944 : memref<1x80xi32, #tpu.memory_space<vmem>> -> memref<80xi32, #tpu.memory_space<vmem>>
    %get3A_946 = arith.constant 64 : index
    %get3A_947 = tpu.vector_load %get3A_945[%get3A_946] {strides = array<i32>} : memref<80xi32, #tpu.memory_space<vmem>>, vector<16xi32>,
    %gather3A_948 = tpu.vector_load_idx %arg11[%get3A_941] : memref<10000xf32, #tpu.memory_space<vmem>>[vector<16xi32>], vector<16xf32>,
    tpu.vector_store_idx %arg12[%get3A_947], %gather3A_948 {add = true} : memref<10000xf32, #tpu.memory_space<vmem>>[vector<16xi32>], vector<16xf32>,
    %dma_wait3A_949 = arith.constant 0 : i32
    %dma_wait3A_950 = arith.constant 0 : i32
    %dma_wait3A_951 = arith.constant 0 : i32
    %dma_wait3A_952 = arith.constant 0 : i32
    %dma_wait3A_953 = arith.constant 0 : i32
    %dma_wait3A_954 = tpu.memref_slice %arg9[%dma_wait3A_949, %dma_wait3A_952, %dma_wait3A_953] : memref<2x80x128xf32, #tpu.memory_space<vmem>> -> memref<1x80x128xf32, #tpu.memory_space<vmem>>
    %dma_wait3A_955 = tpu.memref_squeeze %dma_wait3A_954 : memref<1x80x128xf32, #tpu.memory_space<vmem>> -> memref<80x128xf32, #tpu.memory_space<vmem>>
    %dma_wait3A_956 = arith.constant 0 : i32
    %dma_wait3A_957 = tpu.memref_slice %arg8[%dma_wait3A_950, %dma_wait3A_956] : memref<4x80xi32, #tpu.memory_space<vmem>> -> memref<1x80xi32, #tpu.memory_space<vmem>>
    %dma_wait3A_958 = tpu.memref_squeeze %dma_wait3A_957 : memref<1x80xi32, #tpu.memory_space<vmem>> -> memref<80xi32, #tpu.memory_space<vmem>>
    %dma_wait3A_959 = arith.constant 0 : i32
    %dma_wait3A_960 = arith.constant 0 : i32
    %dma_wait3A_961 = tpu.memref_slice %arg13[%dma_wait3A_959, %dma_wait3A_960] : memref<10000x128xf32, #tpu.memory_space<vmem_shared>> -> memref<10000x128xf32, #tpu.memory_space<vmem_shared>>
    %dma_wait3A_962 = tpu.memref_slice %arg16[%dma_wait3A_951] : memref<2x!tpu.dma_semaphore, #tpu.memory_space<semaphore_mem>> -> memref<1x!tpu.dma_semaphore, #tpu.memory_space<semaphore_mem>>
    %dma_wait3A_963 = tpu.memref_squeeze %dma_wait3A_962 : memref<1x!tpu.dma_semaphore, #tpu.memory_space<semaphore_mem>> -> memref<!tpu.dma_semaphore, #tpu.memory_space<semaphore_mem>>
    tpu.wait_indirect_dma semaphore(%dma_wait3A_963 : memref<!tpu.dma_semaphore, #tpu.memory_space<semaphore_mem>>) src(%dma_wait3A_955 : memref<80x128xf32, #tpu.memory_space<vmem>>) dst(%dma_wait3A_961 : memref<10000x128xf32, #tpu.memory_space<vmem_shared>>)
    %mul3A_964 = arith.constant 10240 : i32
    %mul3A_965 = arith.muli %add3A, %mul3A_964 : i32
    "tpu.region"() ({
      %run_scoped3A = tpu.sem_alloc : memref<!tpu.dma_semaphore, #tpu.memory_space<semaphore_mem>>
      %dma_start3A_971 = tpu.memref_slice %arg6[%mul3A_965] : memref<327680xf32, #tpu.memory_space<hbm>> -> memref<10000xf32, #tpu.memory_space<hbm>>
      %dma_start3A_972 = tpu.memref_slice %arg6[%mul3A_965] : memref<327680xf32, #tpu.memory_space<hbm>> -> memref<10000xf32, #tpu.memory_space<hbm>>
      tpu.enqueue_dma source(%arg12 : memref<10000xf32, #tpu.memory_space<vmem>>) target(%dma_start3A_972 : memref<10000xf32, #tpu.memory_space<hbm>>) target_semaphore(%run_scoped3A : memref<!tpu.dma_semaphore, #tpu.memory_space<semaphore_mem>>)
      %dma_wait3A_973 = tpu.memref_slice %arg6[%mul3A_965] : memref<327680xf32, #tpu.memory_space<hbm>> -> memref<10000xf32, #tpu.memory_space<hbm>>
      %dma_wait3A_974 = tpu.memref_slice %arg6[%mul3A_965] : memref<327680xf32, #tpu.memory_space<hbm>> -> memref<10000xf32, #tpu.memory_space<hbm>>
      tpu.wait_dma2 semaphore(%run_scoped3A : memref<!tpu.dma_semaphore, #tpu.memory_space<semaphore_mem>>) src(%arg12 : memref<10000xf32, #tpu.memory_space<vmem>>) dst(%dma_wait3A_974 : memref<10000xf32, #tpu.memory_space<hbm>>)
      tpu.yield
    }) : () -> ()
    %barrier3A_966 = arith.constant 0 : index
    tpu.barrier barrier_id(%barrier3A_966)
    %mul3A_967 = arith.constant 625 : i32
    %mul3A_968 = arith.muli %arg1, %mul3A_967 : i32
    %mul3A_969 = arith.constant 625 : i32
    %mul3A_970 = arith.muli %arg1, %mul3A_969 : i32
    "tpu.region"() ({
      %run_scoped3A = tpu.sem_alloc : memref<!tpu.dma_semaphore, #tpu.memory_space<semaphore_mem>>
      %dma_start3A_971 = arith.constant 0 : i32
      %dma_start3A_972 = tpu.memref_slice %arg5[%arg0, %mul3A_970, %dma_start3A_971] : memref<2x10000x128xf32, #tpu.memory_space<hbm>> -> memref<1x625x128xf32, #tpu.memory_space<hbm>>
      %dma_start3A_973 = tpu.memref_squeeze %dma_start3A_972 : memref<1x625x128xf32, #tpu.memory_space<hbm>> -> memref<625x128xf32, #tpu.memory_space<hbm>>
      %dma_start3A_974 = arith.constant 0 : i32
      %dma_start3A_975 = tpu.memref_slice %arg13[%mul3A_968, %dma_start3A_974] : memref<10000x128xf32, #tpu.memory_space<vmem_shared>> -> memref<625x128xf32, #tpu.memory_space<vmem_shared>>
      tpu.enqueue_dma source(%dma_start3A_975 : memref<625x128xf32, #tpu.memory_space<vmem_shared>>) target(%dma_start3A_973 : memref<625x128xf32, #tpu.memory_space<hbm>>) target_semaphore(%run_scoped3A : memref<!tpu.dma_semaphore, #tpu.memory_space<semaphore_mem>>)
      %dma_wait3A_976 = arith.constant 0 : i32
      %dma_wait3A_977 = tpu.memref_slice %arg5[%arg0, %mul3A_970, %dma_wait3A_976] : memref<2x10000x128xf32, #tpu.memory_space<hbm>> -> memref<1x625x128xf32, #tpu.memory_space<hbm>>
      %dma_wait3A_978 = tpu.memref_squeeze %dma_wait3A_977 : memref<1x625x128xf32, #tpu.memory_space<hbm>> -> memref<625x128xf32, #tpu.memory_space<hbm>>
      %dma_wait3A_979 = arith.constant 0 : i32
      %dma_wait3A_980 = tpu.memref_slice %arg13[%mul3A_968, %dma_wait3A_979] : memref<10000x128xf32, #tpu.memory_space<vmem_shared>> -> memref<625x128xf32, #tpu.memory_space<vmem_shared>>
      tpu.wait_dma2 semaphore(%run_scoped3A : memref<!tpu.dma_semaphore, #tpu.memory_space<semaphore_mem>>) src(%dma_wait3A_980 : memref<625x128xf32, #tpu.memory_space<vmem_shared>>) dst(%dma_wait3A_978 : memref<625x128xf32, #tpu.memory_space<hbm>>)
      tpu.yield
    }) : () -> ()
    return
  }
}

module attributes {stable_mosaic.version = 14 : i64} {
  func.func @_prep_body(%arg0: memref<10000x128xf32, #tpu.memory_space<vmem>>, %arg1: memref<1x128xf32, #tpu.memory_space<vmem>>, %arg2: memref<128x128xf32, #tpu.memory_space<vmem>>, %arg3: memref<1x128xf32, #tpu.memory_space<vmem>>, %arg4: memref<2x320000xi32, #tpu.memory_space<vmem>>, %arg5: memref<10000x128xf32, #tpu.memory_space<vmem>>, %arg6: memref<10000xf32, #tpu.memory_space<vmem>>, %arg7: memref<640000xi32, #tpu.memory_space<vmem>>) attributes {dimension_semantics = [], scalar_prefetch = 0 : i64, scratch_operands = 0 : i64, tpu.core_type = #tpu.core_type<tc>} {
    %get3A = arith.constant 0 : index
    %get3A_0 = arith.constant 0 : index
    %get3A_1 = vector.load %arg0[%get3A, %get3A_0] : memref<10000x128xf32, #tpu.memory_space<vmem>>, vector<10000x128xf32>
    %get3A_2 = arith.constant 0 : index
    %get3A_3 = arith.constant 0 : index
    %get3A_4 = vector.load %arg1[%get3A_2, %get3A_3] : memref<1x128xf32, #tpu.memory_space<vmem>>, vector<1x128xf32>
    %mul3A = vector.broadcast %get3A_4 : vector<1x128xf32> to vector<10000x128xf32>
    %mul3A_5 = arith.mulf %get3A_1, %mul3A : vector<10000x128xf32>
    %get3A_6 = arith.constant 0 : index
    %get3A_7 = arith.constant 0 : index
    %get3A_8 = vector.load %arg2[%get3A_6, %get3A_7] : memref<128x128xf32, #tpu.memory_space<vmem>>, vector<128x128xf32>
    %dot_general3A = arith.constant dense<0.000000e+00> : vector<10000x128xf32>
    %dot_general3A_9 = tpu.matmul %mul3A_5, %get3A_8, %dot_general3A {dimension_numbers = #tpu.dot_dimension_numbers<[1], [0], [0], [1], [0, 0, 1, 1], [], []>, transpose_lhs_hint = false} : vector<10000x128xf32>, vector<128x128xf32>, vector<10000x128xf32> -> vector<10000x128xf32>
    %get3A_10 = arith.constant 0 : index
    %get3A_11 = arith.constant 0 : index
    %get3A_12 = vector.load %arg3[%get3A_10, %get3A_11] : memref<1x128xf32, #tpu.memory_space<vmem>>, vector<1x128xf32>
    %mul3A_13 = vector.broadcast %get3A_12 : vector<1x128xf32> to vector<10000x128xf32>
    %mul3A_14 = arith.mulf %dot_general3A_9, %mul3A_13 : vector<10000x128xf32>
    %reduce_sum3A = arith.constant dense<0.000000e+00> : vector<10000xf32>
    %reduce_sum3A_15 = vector.multi_reduction <add>, %mul3A_14, %reduce_sum3A [1] : vector<10000x128xf32> to vector<10000xf32>
    %broadcast_in_dim3A = vector.shape_cast %reduce_sum3A_15 : vector<10000xf32> to vector<10000x1xf32>
    %gt3A = arith.constant 0.000000e+00 : f32
    %gt3A_16 = vector.broadcast %gt3A : f32 to vector<10000x1xf32>
    %gt3A_17 = arith.cmpf ogt, %broadcast_in_dim3A, %gt3A_16 : vector<10000x1xf32>
    %mul3A_18 = arith.constant 0.00999999977 : f32
    %mul3A_19 = vector.broadcast %mul3A_18 : f32 to vector<10000x1xf32>
    %mul3A_20 = arith.mulf %mul3A_19, %broadcast_in_dim3A : vector<10000x1xf32>
    %select_n3A = arith.select %gt3A_17, %broadcast_in_dim3A, %mul3A_20 : vector<10000x1xi1>, vector<10000x1xf32>
    %exp3A = math.exp %select_n3A : vector<10000x1xf32>
    %mul3A_21 = vector.broadcast %exp3A : vector<10000x1xf32> to vector<10000x128xf32>
    %mul3A_22 = arith.mulf %dot_general3A_9, %mul3A_21 : vector<10000x128xf32>
    %swap3A = arith.constant 0 : index
    %swap3A_23 = arith.constant 0 : index
    %swap3A_24 = vector.load %arg5[%swap3A, %swap3A_23] : memref<10000x128xf32, #tpu.memory_space<vmem>>, vector<10000x128xf32>
    tpu.vector_store %arg5[%swap3A, %swap3A_23], %mul3A_22 {strides = array<i32>} : memref<10000x128xf32, #tpu.memory_space<vmem>>, vector<10000x128xf32>,
    %squeeze3A = vector.shape_cast %exp3A : vector<10000x1xf32> to vector<10000xf32>
    %swap3A_25 = arith.constant 0 : index
    %swap3A_26 = vector.load %arg6[%swap3A_25] : memref<10000xf32, #tpu.memory_space<vmem>>, vector<10000xf32>
    tpu.vector_store %arg6[%swap3A_25], %squeeze3A {strides = array<i32>} : memref<10000xf32, #tpu.memory_space<vmem>>, vector<10000xf32>,
    %get3A_27 = arith.constant 0 : index
    %get3A_28 = arith.constant 0 : index
    %get3A_29 = vector.load %arg4[%get3A_27, %get3A_28] : memref<2x320000xi32, #tpu.memory_space<vmem>>, vector<1x320000xi32>
    %get3A_30 = vector.shape_cast %get3A_29 : vector<1x320000xi32> to vector<320000xi32>
    %swap3A_31 = arith.constant 0 : index
    %swap3A_32 = vector.load %arg7[%swap3A_31] : memref<640000xi32, #tpu.memory_space<vmem>>, vector<320000xi32>
    tpu.vector_store %arg7[%swap3A_31], %get3A_30 {strides = array<i32>} : memref<640000xi32, #tpu.memory_space<vmem>>, vector<320000xi32>,
    %get3A_33 = arith.constant 1 : index
    %get3A_34 = arith.constant 0 : index
    %get3A_35 = vector.load %arg4[%get3A_33, %get3A_34] : memref<2x320000xi32, #tpu.memory_space<vmem>>, vector<1x320000xi32>
    %get3A_36 = vector.shape_cast %get3A_35 : vector<1x320000xi32> to vector<320000xi32>
    %swap3A_37 = arith.constant 320000 : index
    %swap3A_38 = vector.load %arg7[%swap3A_37] : memref<640000xi32, #tpu.memory_space<vmem>>, vector<320000xi32>
    tpu.vector_store %arg7[%swap3A_37], %get3A_36 {strides = array<i32>} : memref<640000xi32, #tpu.memory_space<vmem>>, vector<320000xi32>,
    return
  }
}

module attributes {stable_mosaic.version = 14 : i64} {
  func.func @_final_body(%arg0: memref<2x10000x128xf32, #tpu.memory_space<vmem>>, %arg1: memref<327680xf32, #tpu.memory_space<vmem>>, %arg2: memref<10000x128xf32, #tpu.memory_space<vmem>>) attributes {dimension_semantics = [], scalar_prefetch = 0 : i64, scratch_operands = 0 : i64, tpu.core_type = #tpu.core_type<tc>} {
    %get3A = arith.constant 0 : index
    %get3A_0 = arith.constant 0 : index
    %get3A_1 = arith.constant 0 : index
    %get3A_2 = vector.load %arg0[%get3A, %get3A_0, %get3A_1] : memref<2x10000x128xf32, #tpu.memory_space<vmem>>, vector<1x10000x128xf32>
    %get3A_3 = vector.shape_cast %get3A_2 : vector<1x10000x128xf32> to vector<10000x128xf32>
    %get3A_4 = arith.constant 1 : index
    %get3A_5 = arith.constant 0 : index
    %get3A_6 = arith.constant 0 : index
    %get3A_7 = vector.load %arg0[%get3A_4, %get3A_5, %get3A_6] : memref<2x10000x128xf32, #tpu.memory_space<vmem>>, vector<1x10000x128xf32>
    %get3A_8 = vector.shape_cast %get3A_7 : vector<1x10000x128xf32> to vector<10000x128xf32>
    %add3A = arith.addf %get3A_3, %get3A_8 : vector<10000x128xf32>
    %broadcast_in_dim3A = arith.constant 0.000000e+00 : f32
    %broadcast_in_dim3A_9 = vector.broadcast %broadcast_in_dim3A : f32 to vector<10000xf32>
    %get3A_10 = arith.constant 0 : index
    %get3A_11 = vector.load %arg1[%get3A_10] : memref<327680xf32, #tpu.memory_space<vmem>>, vector<10000xf32>
    %add3A_12 = arith.addf %broadcast_in_dim3A_9, %get3A_11 : vector<10000xf32>
    %get3A_13 = arith.constant 10240 : index
    %get3A_14 = vector.load %arg1[%get3A_13] : memref<327680xf32, #tpu.memory_space<vmem>>, vector<10000xf32>
    %add3A_15 = arith.addf %add3A_12, %get3A_14 : vector<10000xf32>
    %get3A_16 = arith.constant 20480 : index
    %get3A_17 = vector.load %arg1[%get3A_16] : memref<327680xf32, #tpu.memory_space<vmem>>, vector<10000xf32>
    %add3A_18 = arith.addf %add3A_15, %get3A_17 : vector<10000xf32>
    %get3A_19 = arith.constant 30720 : index
    %get3A_20 = vector.load %arg1[%get3A_19] : memref<327680xf32, #tpu.memory_space<vmem>>, vector<10000xf32>
    %add3A_21 = arith.addf %add3A_18, %get3A_20 : vector<10000xf32>
    %get3A_22 = arith.constant 40960 : index
    %get3A_23 = vector.load %arg1[%get3A_22] : memref<327680xf32, #tpu.memory_space<vmem>>, vector<10000xf32>
    %add3A_24 = arith.addf %add3A_21, %get3A_23 : vector<10000xf32>
    %get3A_25 = arith.constant 51200 : index
    %get3A_26 = vector.load %arg1[%get3A_25] : memref<327680xf32, #tpu.memory_space<vmem>>, vector<10000xf32>
    %add3A_27 = arith.addf %add3A_24, %get3A_26 : vector<10000xf32>
    %get3A_28 = arith.constant 61440 : index
    %get3A_29 = vector.load %arg1[%get3A_28] : memref<327680xf32, #tpu.memory_space<vmem>>, vector<10000xf32>
    %add3A_30 = arith.addf %add3A_27, %get3A_29 : vector<10000xf32>
    %get3A_31 = arith.constant 71680 : index
    %get3A_32 = vector.load %arg1[%get3A_31] : memref<327680xf32, #tpu.memory_space<vmem>>, vector<10000xf32>
    %add3A_33 = arith.addf %add3A_30, %get3A_32 : vector<10000xf32>
    %get3A_34 = arith.constant 81920 : index
    %get3A_35 = vector.load %arg1[%get3A_34] : memref<327680xf32, #tpu.memory_space<vmem>>, vector<10000xf32>
    %add3A_36 = arith.addf %add3A_33, %get3A_35 : vector<10000xf32>
    %get3A_37 = arith.constant 92160 : index
    %get3A_38 = vector.load %arg1[%get3A_37] : memref<327680xf32, #tpu.memory_space<vmem>>, vector<10000xf32>
    %add3A_39 = arith.addf %add3A_36, %get3A_38 : vector<10000xf32>
    %get3A_40 = arith.constant 102400 : index
    %get3A_41 = vector.load %arg1[%get3A_40] : memref<327680xf32, #tpu.memory_space<vmem>>, vector<10000xf32>
    %add3A_42 = arith.addf %add3A_39, %get3A_41 : vector<10000xf32>
    %get3A_43 = arith.constant 112640 : index
    %get3A_44 = vector.load %arg1[%get3A_43] : memref<327680xf32, #tpu.memory_space<vmem>>, vector<10000xf32>
    %add3A_45 = arith.addf %add3A_42, %get3A_44 : vector<10000xf32>
    %get3A_46 = arith.constant 122880 : index
    %get3A_47 = vector.load %arg1[%get3A_46] : memref<327680xf32, #tpu.memory_space<vmem>>, vector<10000xf32>
    %add3A_48 = arith.addf %add3A_45, %get3A_47 : vector<10000xf32>
    %get3A_49 = arith.constant 133120 : index
    %get3A_50 = vector.load %arg1[%get3A_49] : memref<327680xf32, #tpu.memory_space<vmem>>, vector<10000xf32>
    %add3A_51 = arith.addf %add3A_48, %get3A_50 : vector<10000xf32>
    %get3A_52 = arith.constant 143360 : index
    %get3A_53 = vector.load %arg1[%get3A_52] : memref<327680xf32, #tpu.memory_space<vmem>>, vector<10000xf32>
    %add3A_54 = arith.addf %add3A_51, %get3A_53 : vector<10000xf32>
    %get3A_55 = arith.constant 153600 : index
    %get3A_56 = vector.load %arg1[%get3A_55] : memref<327680xf32, #tpu.memory_space<vmem>>, vector<10000xf32>
    %add3A_57 = arith.addf %add3A_54, %get3A_56 : vector<10000xf32>
    %get3A_58 = arith.constant 163840 : index
    %get3A_59 = vector.load %arg1[%get3A_58] : memref<327680xf32, #tpu.memory_space<vmem>>, vector<10000xf32>
    %add3A_60 = arith.addf %add3A_57, %get3A_59 : vector<10000xf32>
    %get3A_61 = arith.constant 174080 : index
    %get3A_62 = vector.load %arg1[%get3A_61] : memref<327680xf32, #tpu.memory_space<vmem>>, vector<10000xf32>
    %add3A_63 = arith.addf %add3A_60, %get3A_62 : vector<10000xf32>
    %get3A_64 = arith.constant 184320 : index
    %get3A_65 = vector.load %arg1[%get3A_64] : memref<327680xf32, #tpu.memory_space<vmem>>, vector<10000xf32>
    %add3A_66 = arith.addf %add3A_63, %get3A_65 : vector<10000xf32>
    %get3A_67 = arith.constant 194560 : index
    %get3A_68 = vector.load %arg1[%get3A_67] : memref<327680xf32, #tpu.memory_space<vmem>>, vector<10000xf32>
    %add3A_69 = arith.addf %add3A_66, %get3A_68 : vector<10000xf32>
    %get3A_70 = arith.constant 204800 : index
    %get3A_71 = vector.load %arg1[%get3A_70] : memref<327680xf32, #tpu.memory_space<vmem>>, vector<10000xf32>
    %add3A_72 = arith.addf %add3A_69, %get3A_71 : vector<10000xf32>
    %get3A_73 = arith.constant 215040 : index
    %get3A_74 = vector.load %arg1[%get3A_73] : memref<327680xf32, #tpu.memory_space<vmem>>, vector<10000xf32>
    %add3A_75 = arith.addf %add3A_72, %get3A_74 : vector<10000xf32>
    %get3A_76 = arith.constant 225280 : index
    %get3A_77 = vector.load %arg1[%get3A_76] : memref<327680xf32, #tpu.memory_space<vmem>>, vector<10000xf32>
    %add3A_78 = arith.addf %add3A_75, %get3A_77 : vector<10000xf32>
    %get3A_79 = arith.constant 235520 : index
    %get3A_80 = vector.load %arg1[%get3A_79] : memref<327680xf32, #tpu.memory_space<vmem>>, vector<10000xf32>
    %add3A_81 = arith.addf %add3A_78, %get3A_80 : vector<10000xf32>
    %get3A_82 = arith.constant 245760 : index
    %get3A_83 = vector.load %arg1[%get3A_82] : memref<327680xf32, #tpu.memory_space<vmem>>, vector<10000xf32>
    %add3A_84 = arith.addf %add3A_81, %get3A_83 : vector<10000xf32>
    %get3A_85 = arith.constant 256000 : index
    %get3A_86 = vector.load %arg1[%get3A_85] : memref<327680xf32, #tpu.memory_space<vmem>>, vector<10000xf32>
    %add3A_87 = arith.addf %add3A_84, %get3A_86 : vector<10000xf32>
    %get3A_88 = arith.constant 266240 : index
    %get3A_89 = vector.load %arg1[%get3A_88] : memref<327680xf32, #tpu.memory_space<vmem>>, vector<10000xf32>
    %add3A_90 = arith.addf %add3A_87, %get3A_89 : vector<10000xf32>
    %get3A_91 = arith.constant 276480 : index
    %get3A_92 = vector.load %arg1[%get3A_91] : memref<327680xf32, #tpu.memory_space<vmem>>, vector<10000xf32>
    %add3A_93 = arith.addf %add3A_90, %get3A_92 : vector<10000xf32>
    %get3A_94 = arith.constant 286720 : index
    %get3A_95 = vector.load %arg1[%get3A_94] : memref<327680xf32, #tpu.memory_space<vmem>>, vector<10000xf32>
    %add3A_96 = arith.addf %add3A_93, %get3A_95 : vector<10000xf32>
    %get3A_97 = arith.constant 296960 : index
    %get3A_98 = vector.load %arg1[%get3A_97] : memref<327680xf32, #tpu.memory_space<vmem>>, vector<10000xf32>
    %add3A_99 = arith.addf %add3A_96, %get3A_98 : vector<10000xf32>
    %get3A_100 = arith.constant 307200 : index
    %get3A_101 = vector.load %arg1[%get3A_100] : memref<327680xf32, #tpu.memory_space<vmem>>, vector<10000xf32>
    %add3A_102 = arith.addf %add3A_99, %get3A_101 : vector<10000xf32>
    %get3A_103 = arith.constant 317440 : index
    %get3A_104 = vector.load %arg1[%get3A_103] : memref<327680xf32, #tpu.memory_space<vmem>>, vector<10000xf32>
    %add3A_105 = arith.addf %add3A_102, %get3A_104 : vector<10000xf32>
    %broadcast_in_dim3A_106 = vector.shape_cast %add3A_105 : vector<10000xf32> to vector<10000x1xf32>
    %gt3A = arith.constant 0.000000e+00 : f32
    %gt3A_107 = vector.broadcast %gt3A : f32 to vector<10000x1xf32>
    %gt3A_108 = arith.cmpf ogt, %broadcast_in_dim3A_106, %gt3A_107 : vector<10000x1xf32>
    %div3A = vector.broadcast %broadcast_in_dim3A_106 : vector<10000x1xf32> to vector<10000x128xf32>
    %div3A_109 = arith.divf %add3A, %div3A : vector<10000x128xf32>
    %jit3A = arith.constant 0.000000e+00 : f32
    %broadcast_in_dim3A_110 = vector.shape_cast %gt3A_108 : vector<10000x1xi1> to vector<10000x1xi1>
    %broadcast_in_dim3A_111 = vector.broadcast %broadcast_in_dim3A_110 : vector<10000x1xi1> to vector<10000x128xi1>
    %broadcast_in_dim3A_112 = vector.broadcast %jit3A : f32 to vector<10000x128xf32>
    %select_n3A = arith.select %broadcast_in_dim3A_111, %div3A_109, %broadcast_in_dim3A_112 : vector<10000x128xi1>, vector<10000x128xf32>
    %max3A = arith.constant 0.000000e+00 : f32
    %max3A_113 = vector.broadcast %max3A : f32 to vector<10000x128xf32>
    %max3A_114 = arith.maximumf %select_n3A, %max3A_113 : vector<10000x128xf32>
    %swap3A = arith.constant 0 : index
    %swap3A_115 = arith.constant 0 : index
    %swap3A_116 = vector.load %arg2[%swap3A, %swap3A_115] : memref<10000x128xf32, #tpu.memory_space<vmem>>, vector<10000x128xf32>
    tpu.vector_store %arg2[%swap3A, %swap3A_115], %max3A_114 {strides = array<i32>} : memref<10000x128xf32, #tpu.memory_space<vmem>>, vector<10000x128xf32>,
    return
  }
}

</mosaic_0001>

<sc_bundles>
// kernel: kernel.5.cloned.1.call-start
scs
__scs_entry_jumppad:
0x0: {  	(pc) =	sbr.rel $0x88, $3  }
0x1: {  	(tag) =	ssettag $0x0;
	lr =	simm.s32 $0x1  }
0x2: {  	[smem:$0x3F9C] =	sst lr;
	_ =	strace $0xD0000000  }
0x3: {  	_ = 	snop  }
0x4: {  	_ = 	snop  }
0x5: {  	_ = 	snop  }
0x6: {  	_ = 	snop  }
0x7: {  	_ = 	snop  }
__scs_overlays_trampoline_lowered:
0x8: {  	[smem:$0x3FAB] =	sst s0  }
0x9: {  	[smem:$0x3FAC] =	sst s1  }
0xa: {  	[smem:$0x3FAD] =	sst s2  }
0xb: {  	[smem:$0x3FAE] =	sst s3  }
0xc: {  	[smem:$0x3FAF] =	sst s4  }
0xd: {  	[smem:$0x3FB0] =	sst s5  }
0xe: {  	[smem:$0x3FB1] =	sst s6  }
0xf: {  	[smem:$0x3FB2] =	sst s7  }
0x10: {  	[smem:$0x3FB3] =	sst s8  }
0x11: {  	[smem:$0x3FB4] =	sst s9;
	s0 =	simm.s32 @!p0 $0x0  }
0x12: {  	s1 =	sld [smem:$0x3F9A];
	s0 =	simm.s32 @p0 $0x1  }
0x13: {  	[smem:$0x3FB5] =	sst s0;
	s0 =	simm.s32 @!p1 $0x0  }
0x14: {  	s2 =	sld [smem:$0x3F99];
	s0 =	simm.s32 @p1 $0x1  }
0x15: {  	[smem:$0x3FB6] =	sst s0;
	s0 =	simm.s32 @!p2 $0x0  }
0x16: {  	s3 =	sld [smem:$0x3FDB];
	s0 =	simm.s32 @p2 $0x1  }
0x17: {  	s4 =	simm.s32 $0x1BF5;
	[smem:$0x3FB8] =	sst s0  }
0x18: {  	s0 =	sld [smem:$0x3F9B];
	_ =	swait.ge [sflag:s4], $0x0  }
0x19: {  	s7 =	sld [smem:$0x3F9C]  }
0x1a: {  	s8 =	sadd.s32 $0xFFFFE003, lr  }
0x1b: {  	s9 =	sadd.s32 $0xFFFFFEF7, lr;
	s5 =	simm.s32 $0xFFFFFFFF;
	p2 =	slt.u32 s8, $0xFFFFF086  }
0x1c: {  	p1 =	slt.u32 s9, $0xF7A;
	s5 =	simm.s32 @!p2 $0x0  }
0x1d: {  	s5 =	simm.s32 @p1 $0x1;
	p0 =	seq.s32 s7, s2  }
0x1e: {  	s7 =	smul.u32 @!p0 $0xF7A, s2;
	p2 =	seq.s32 @!p0 s5, $0x0  }
0x1f: {  	s9 =	smul.u32 $0xF7A, s1;
	s8 =	simm.s32 @!p0 $0x1BF5;
	p2 =	por !p2, p0  }
0x20: {  	[sflag:s8] =	ssyncset.s32 @!p0 $0xFFFFF086;
	s6 =	sadd.s32 @!p0 s3, s7;
	s7 =	simm.s32 @!p0 $0x108  }
0x21: {  	s3 =	sadd.s32 s3, s9;
	s6 =	sadd.s32 @!p0 $0x88, s6;
	s7 =	simm.s32 @p2 $0x1082  }
0x22: {  	[simem:s7], [sflag:s8] =	dma.local @!p0 [hbm:s6], $0xF7A  }
0x23: {  	s9 =	sor.u32 $0xD0000000, s2;
	s6 =	simm.s32 $0x108;
	_ =	swait.ge @!p0 [sflag:s8], $0x0  }
0x24: {  	s3 =	sadd.s32 $0x88, s3;
	s6 =	simm.s32 @!p1 $0x1082;
	[sflag:s4] =	ssyncset.s32 $0xFFFFF086  }
0x25: {  	[simem:s6], [sflag:s4] =	dma.local [hbm:s3], $0xF7A  }
0x26: {  	[smem:$0x3F9C] =	sst s1;
	(tag) =	ssettag s2;
	_ =	strace s9  }
0x27: {  	s1 =	sld [smem:$0x3FAC]  }
0x28: {  	s2 =	sld [smem:$0x3FAD]  }
0x29: {  	s4 =	sld [smem:$0x3FAF]  }
0x2a: {  	p0 =	seq.s32 s5, $0x0;
	s5 =	sld [smem:$0x3FB0]  }
0x2b: {  	s6 =	sld [smem:$0x3FB1]  }
0x2c: {  	s7 =	sld [smem:$0x3FB2]  }
0x2d: {  	s3 =	simm.s32 $0x108;
	s8 =	sld [smem:$0x3FB3]  }
0x2e: {  	s3 =	simm.s32 @!p0 $0x1082;
	s9 =	sld [smem:$0x3FB4]  }
0x2f: {  	lr =	sadd.s32 s0, s3;
	s0 =	sld [smem:$0x3FAB]  }
0x30: {  	s3 =	sld [smem:$0x3FAE]  }
0x31: {  	[smem:$0x3FB7] =	sst s10  }
0x32: {  	s10 =	sld [smem:$0x3FB5];
	_ =	sdelay $0x3  }
0x33: {  	p0 =	seq.s32 s10, $0x1;
	s10 =	sld [smem:$0x3FB7];
	_ =	sdelay $0x3  }
0x34: {  	[smem:$0x3FB7] =	sst s10  }
0x35: {  	s10 =	sld [smem:$0x3FB6];
	_ =	sdelay $0x3  }
0x36: {  	p1 =	seq.s32 s10, $0x1;
	s10 =	sld [smem:$0x3FB7];
	_ =	sdelay $0x3  }
0x37: {  	[smem:$0x3FB7] =	sst s10  }
0x38: {  	s10 =	sld [smem:$0x3FB8]  }
0x39: {  	_ = 	snop;
	(pc) =	sbr.ind lr, $3  }
0x3a: {  	_ = 	snop  }
0x3b: {  	_ = 	snop  }
0x3c: {  	p2 =	seq.s32 s10, $0x1;
	s10 =	sld [smem:$0x3FB7]  }
0x3d: {  	_ =	shalt  }
0x3e: {  	_ =	shalt  }
0x3f: {  	_ =	shalt  }
0x40: {  	_ =	shalt  }
0x41: {  	_ =	shalt  }
0x42: {  	_ =	shalt  }
0x43: {  	_ =	shalt  }
0x44: {  	_ =	shalt  }
0x45: {  	_ =	shalt  }
0x46: {  	_ =	shalt  }
0x47: {  	_ =	shalt  }
0x48: {  	_ =	shalt  }
0x49: {  	_ =	shalt  }
0x4a: {  	_ =	shalt  }
0x4b: {  	_ =	shalt  }
0x4c: {  	_ =	shalt  }
0x4d: {  	_ =	shalt  }
0x4e: {  	_ =	shalt  }
0x4f: {  	_ =	shalt  }
0x50: {  	_ =	shalt  }
0x51: {  	_ =	shalt  }
0x52: {  	_ =	shalt  }
0x53: {  	_ =	shalt  }
0x54: {  	_ =	shalt  }
0x55: {  	_ =	shalt  }
0x56: {  	_ =	shalt  }
0x57: {  	_ =	shalt  }
0x58: {  	_ =	shalt  }
0x59: {  	_ =	shalt  }
0x5a: {  	_ =	shalt  }
0x5b: {  	_ =	shalt  }
0x5c: {  	_ =	shalt  }
0x5d: {  	_ =	shalt  }
0x5e: {  	_ =	shalt  }
0x5f: {  	_ =	shalt  }
0x60: {  	_ =	shalt  }
0x61: {  	_ =	shalt  }
0x62: {  	_ =	shalt  }
0x63: {  	_ =	shalt  }
0x64: {  	_ =	shalt  }
0x65: {  	_ =	shalt  }
0x66: {  	_ =	shalt  }
0x67: {  	_ =	shalt  }
0x68: {  	_ =	shalt  }
0x69: {  	_ =	shalt  }
0x6a: {  	_ =	shalt  }
0x6b: {  	_ =	shalt  }
0x6c: {  	_ =	shalt  }
0x6d: {  	_ =	shalt  }
0x6e: {  	_ =	shalt  }
0x6f: {  	_ =	shalt  }
0x70: {  	_ =	shalt  }
0x71: {  	_ =	shalt  }
0x72: {  	_ =	shalt  }
0x73: {  	_ =	shalt  }
0x74: {  	_ =	shalt  }
0x75: {  	_ =	shalt  }
0x76: {  	_ =	shalt  }
0x77: {  	_ =	shalt  }
0x78: {  	_ =	shalt  }
0x79: {  	_ =	shalt  }
0x7a: {  	_ =	shalt  }
0x7b: {  	_ =	shalt  }
0x7c: {  	_ =	shalt  }
0x7d: {  	_ =	shalt  }
0x7e: {  	_ =	shalt  }
0x7f: {  	_ =	shalt  }
0x80: {  	_ =	shalt  }
0x81: {  	_ =	shalt  }
0x82: {  	_ =	shalt  }
0x83: {  	_ =	shalt  }
0x84: {  	_ =	shalt  }
0x85: {  	_ =	shalt  }
0x86: {  	_ =	shalt  }
0x87: {  	_ =	shalt  }
.Lfunc_end0:
.L_simem_size_0:
called_computation_lowered:
.L_overlay_start_0:
0x88: {  	s2 =	sld [smem:$0x3FD9]  }
0x89: {  	s3 =	sld [smem:$0x3FFE];
	_ =	sdelay $0x1  }
0x8a: {  	s1 =	srdreg.scid  }
0x8b: {  	s0 =	sand.u32 $0x1, s1  }
0x8c: {  	s17 =	sshll.u32 s0, $0xA;
	s2 =	sadd.s32 s3, s2  }
0x8d: {  	s2 =	sadd.s32 s2, s17  }
0x8e: {  	[smem:$0x3FC3] =	sst s2  }
0x8f: {  	_ = 	snop  }
0x90: {  	s2 =	sld [smem:$0x3FD0];
	(tm) =	ssettm $0x1  }
0x91: {  	s18 =	sld [smem:$0x3FFB];
	_ =	sdelay $0x3  }
0x92: {  	_ =	strace s18  }
0x93: {  	s3 =	sld [smem:$0x3FFC];
	_ =	sdelay $0x3  }
0x94: {  	_ =	strace s3  }
0x95: {  	s3 =	sld [smem:$0x3FFD];
	_ =	sdelay $0x3  }
0x96: {  	_ =	strace s3  }
0x97: {  	_ =	strace $0x8FFFFFFF  }
0x98: {  	s19 =	sld [smem:$0x3FDB];
	_ =	sdelay $0x1  }
0x99: {  	s4 =	simm.s32 $_scs_section_size  }
0x9a: {  	s5 =	simm.s32 $_size__tile_overlayer_lowered;
	s6 =	simm.s32 $_tile_overlayer_lowered  }
0x9b: {  	s22 =	simm.s32 $0x1BFF;
	s21 =	sshll.u32 s6, $0x1;
	s3 =	sadd.s32 s4, s19  }
0x9c: {  	s7 =	simm.s32 $0x0;
	s20 =	sshll.u32 s5, $0x1;
	s5 =	sadd.s32 s21, s3  }
0x9d: {  	[timem:s7], [sflag:s22] =	dma.local [hbm:s5], s20  }
0x9e: {  	_ =	swait.ge [sflag:s22], s20  }
0x9f: {  	s4 =	ssub.s32 $0x0, s20;
	[sflag:s22] =	ssyncset.done $0x0  }
0xa0: {  	[sflag:s22] =	ssyncadd.s32 s4;
	_ =	sdelay $0x1  }
0xa1: {  	s23 =	simm.s32 $0x1B8B  }
0xa2: {  	_ =	swait.ge [sflag:s23], $0x1  }
0xa3: {  	[sflag:s23] =	ssyncset.done $0x0  }
0xa4: {  	s25 =	simm.s32 $0x1B8E;
	s24 =	sld [smem:$0x3FFE];
	[sflag:s23] =	ssyncadd.s32 $0xFFFFFFFF  }
0xa5: {  	s26 =	simm.s32 $execute0_lowered;
	[smem:$0x3FD2] =	sst s25  }
0xa6: {  	s5 =	sshll.u32 s26, $0x1;
	_ =	strace $0x80000046;
	[dreg:$0x1] =	wrdreg $0xFFFFFFFF  }
0xa7: {  	s28 =	simm.s32 $_size_execute0_lowered;
	s3 =	sadd.s32 s3, s5;
	[dreg:$0x0] =	wrdreg $0x0  }
0xa8: {  	s5 =	sshll.u32 s28, $0x1;
	[dreg:$0x2] =	wrdreg s3  }
0xa9: {  	[dreg:$0x3] =	wrdreg s5  }
0xaa: {  	[dreg:$0x4] =	wrdreg $0xC0  }
0xab: {  	_ =	task [dreg:s7], $0x5FFFF  }
0xac: {  	[dreg:$0x1] =	wrdreg $0xFFFFFFFF  }
0xad: {  	[dreg:$0x0] =	wrdreg $0x60  }
0xae: {  	[dreg:$0x2] =	wrdreg s24  }
0xaf: {  	[dreg:$0x3] =	wrdreg s2  }
0xb0: {  	[dreg:$0x4] =	wrdreg $0xAD200  }
0xb1: {  	[dreg:$0x5] =	wrdreg $0x9  }
0xb2: {  	_ =	task.clear_ibuf [dreg:s7], $0x6FFFF;
	_ =	strace $0x90000046  }
0xb3: {  	s29 =	simm.s32 $0x9;
	_ =	strace $0x80000048  }
0xb4: {  	_ =	swait.ge [sflag:s29], $0x1  }
0xb5: {  	[sflag:s29] =	ssyncadd.s32 $0xFFFFFFFF  }
0xb6: {  	_ =	strace $0x90000048  }
0xb7: {  	_ =	sfence  }
0xb8: {  	s30 =	sld [smem:$0x0];
	_ =	sdelay $0x2  }
0xb9: {  	s31 =	sshll.u32 s1, $0xD;
	s1 =	sshrl.u32 s1, $0x2  }
0xba: {  	s3 =	sand.u32 $0x4000, s31;
	s1 =	sadd.s32 s1, s30  }
0xbb: {  	s0 =	sor.u32 s3, s0;
	s1 =	sshll.u32 s1, $0x11  }
0xbc: {  	s0 =	sor.u32 s1, s0  }
0xbd: {  	s0 =	sadd.s32 $0x8F2B, s0  }
0xbe: {  	[sflag:s0] =	ssyncadd.remote.s32 $0x1  }
0xbf: {  	_ =	sfence.sel $0xFFFF  }
0xc0: {  	[dreg:$0x0] =	wrdreg $0xFFFFFFFF;
	(pc) =	sbr.abs _section_cstart, $3  }
0xc1: {  	[dreg:$0x1] =	wrdreg $0xFFFFFFFF  }
0xc2: {  	_ =	task.clear_ibuf [dreg:s7], $0x2FFFF;
	_ =	strace $0x9FFFFFFF  }
0xc3: {  	(tm) =	ssettm $0x7FFFFFFF  }
tec
execute0_lowered:
.L_overlay_start_1:
0x0: {  	(tag) =	ssettag $0x1  }
0x1: {  	s0 =	rddreg [dreg:$0x0]  }
0x2: {  	s1 =	rddreg [dreg:$0x1]  }
0x3: {  	s2 =	rddreg [dreg:$0x2];
	s3 =	srdreg.scid;
	s4 =	simm.s32 $0x0  }
0x4: {  	s12 =	stileid.u32;
	s3 =	sand.u32 $0x1, s3;
	[smem:$0x7FF] =	sst s4  }
0x5: {  	s5 =	sshll.u32 s12, $0x1;
	s10 =	sadd.s32 $0x15600, s0;
	s18 =	smul.u32 $0x4E20, s12  }
0x6: {  	s6 =	smul.u32 $0x138800, s3;
	s7 =	sor.u32 s3, s5;
	s26 =	ssub.s32 $0x2, s3  }
0x7: {  	_ =	strace $0x80000047;
	s9 =	smul.u32 $0x2710, s7;
	s11 =	sshrl.u32 s26, $0x1  }
0x8: {  	s5 =	sadd.s32 $0x1C00, s0;
	s3 =	smul.u32 $0x2710, s3;
	s13 =	ssub.s32 s26, s11  }
0x9: {  	[dreg:$0xb] =	wrdreg s10;
	s9 =	sshrl.u32 s9, $0x3;
	s25 =	smax.u32 s13, $0x1  }
0xa: {  	s3 =	sadd.s32 s3, s18;
	s9 =	sadd.s32 s5, s9;
	[dreg:$0x18] =	wrdreg s25  }
0xb: {  	s25 =	sadd.s32 $0x140, s3;
	[dreg:$0xc] =	wrdreg s9  }
0xc: {  	s14 =	sadd.s32 $0x9C40, s9;
	[dreg:$0x1c] =	wrdreg s25  }
0xd: {  	s8 =	smul.u32 $0x13880, s12;
	s15 =	sadd.s32 $0xA, s9;
	[dreg:$0xd] =	wrdreg s14  }
0xe: {  	s23 =	smul.u32 $0x4E200, s12;
	s16 =	sadd.s32 $0x9C4A, s9;
	[dreg:$0xe] =	wrdreg s15  }
0xf: {  	s7 =	smul.u32 $0x500, s7;
	s17 =	sadd.s32 $0x14, s9;
	[dreg:$0xf] =	wrdreg s16  }
0x10: {  	s6 =	sadd.s32 s8, s6;
	s19 =	sadd.s32 $0x9C54, s9;
	[dreg:$0x10] =	wrdreg s17  }
0x11: {  	s6 =	sshrl.u32 s6, $0x3;
	s20 =	sadd.s32 $0x1E, s9;
	[dreg:$0x11] =	wrdreg s19  }
0x12: {  	s24 =	sadd.s32 $0x230, s3;
	s21 =	sadd.s32 $0x9C5E, s9;
	[dreg:$0x12] =	wrdreg s20  }
0x13: {  	s6 =	sadd.s32 s6, s0;
	s22 =	sadd.s32 $0x4D8, s9;
	[dreg:$0x13] =	wrdreg s21  }
0x14: {  	s0 =	sadd.s32 s7, s0;
	s7 =	sadd.s32 $0xA118, s9;
	[dreg:$0x14] =	wrdreg s22  }
0x15: {  	s10 =	sadd.s32 $0x4E3E0, s3;
	s0 =	sadd.s32 $0x63E00, s0;
	[dreg:$0x15] =	wrdreg s7  }
0x16: {  	s12 =	sshrl.u32 s10, $0x3;
	s6 =	sadd.s32 $0x15C00, s6;
	[dreg:$0x16] =	wrdreg s0  }
0x17: {  	s13 =	sadd.s32 s12, s5;
	[dreg:$0x17] =	wrdreg s6;
	s6 =	sadd.s32 s8, s2  }
0x18: {  	s0 =	sshrl.u32 s23, $0x2;
	s8 =	sshrl.u32 s24, $0x3;
	s7 =	sadd.s32 $0x4E430, s3  }
0x19: {  	[dreg:$0x7] =	wrdreg s13;
	s26 =	sadd.s32 s8, s5;
	s8 =	sshrl.u32 s7, $0x3  }
0x1a: {  	s20 =	sadd.s32 s0, s2;
	[dreg:$0x4] =	wrdreg s26;
	s0 =	sadd.s32 s8, s5  }
0x1b: {  	s17 =	sadd.s32 $0x4E340, s3;
	s21 =	sadd.s32 $0xC80, s20;
	[dreg:$0x5] =	wrdreg s0  }
0x1c: {  	s19 =	sshrl.u32 s17, $0x3;
	s23 =	sadd.s32 $0x1900, s20;
	[dreg:$0x19] =	wrdreg s21  }
0x1d: {  	s22 =	sadd.s32 s19, s5;
	[dreg:$0x1a] =	wrdreg s23  }
0x1e: {  	s9 =	sadd.s32 $0x1E0, s3;
	s24 =	sadd.s32 $0x2580, s20;
	[dreg:$0xa] =	wrdreg s22  }
0x1f: {  	s14 =	sadd.s32 $0x190, s3;
	s26 =	sshrl.u32 s6, $0x3;
	[dreg:$0x1b] =	wrdreg s24  }
0x20: {  	s16 =	sadd.s32 $0x4E390, s3;
	s3 =	sadd.s32 $0x3200, s20;
	[dreg:$0x1d] =	wrdreg s26  }
0x21: {  	s28 =	simm.s32 $0xA0;
	s6 =	sadd.s32 $0x3E80, s20;
	[dreg:$0x1e] =	wrdreg s3  }
0x22: {  	s29 =	simm.s32 $0x1E0;
	s7 =	sadd.s32 $0x4B00, s20;
	[dreg:$0x1f] =	wrdreg s6  }
0x23: {  	s8 =	sshrl.u32 s9, $0x3;
	s9 =	sadd.s32 $0x6400, s20;
	[smem:$0x7EB] =	sst s7  }
0x24: {  	s30 =	simm.s32 $0x5280;
	s10 =	sadd.s32 $0x7080, s20;
	[smem:$0x7ED] =	sst s9  }
0x25: {  	s31 =	simm.s32 $0x280;
	s12 =	sadd.s32 $0x8980, s20;
	[smem:$0x7EE] =	sst s10  }
0x26: {  	s15 =	sshrl.u32 s14, $0x3;
	s13 =	sadd.s32 $0x9600, s20;
	[smem:$0x7F0] =	sst s12  }
0x27: {  	s14 =	sadd.s32 $0xA280, s20;
	s17 =	sadd.s32 $0xC800, s20;
	[smem:$0x7F1] =	sst s13  }
0x28: {  	s19 =	sadd.s32 $0xE100, s20;
	s25 =	sadd.s32 $0x11F80, s20;
	[smem:$0x7F2] =	sst s14  }
0x29: {  	s11 =	sadd.s32 s8, s5;
	s0 =	sadd.s32 s15, s5;
	[smem:$0x7F5] =	sst s17  }
0x2a: {  	s8 =	sshrl.u32 s16, $0x3;
	s15 =	sadd.s32 $0xAF00, s20;
	[smem:$0x7F7] =	sst s19  }
0x2b: {  	s16 =	sadd.s32 $0xBB80, s20;
	s21 =	sadd.s32 $0xED80, s20;
	[smem:$0x7FC] =	sst s25  }
0x2c: {  	s22 =	sadd.s32 $0xFA00, s20;
	s23 =	sadd.s32 $0x10680, s20;
	[dreg:$0x6] =	wrdreg s11  }
0x2d: {  	s24 =	sadd.s32 $0x11300, s20;
	s26 =	sadd.s32 $0x12C00, s20;
	[dreg:$0x8] =	wrdreg s0  }
0x2e: {  	s25 =	simm.s32 $0x50;
	s3 =	simm.s32 $0x2A80;
	[smem:$0x7F3] =	sst s15  }
0x2f: {  	s6 =	simm.s32 $0xF0;
	s9 =	simm.s32 $0x7;
	[smem:$0x7F4] =	sst s16  }
0x30: {  	s10 =	simm.s32 $0x8;
	s12 =	simm.s32 $0x8610;
	[smem:$0x7F8] =	sst s21  }
0x31: {  	s13 =	simm.s32 $0x5;
	s14 =	simm.s32 $0x2;
	[smem:$0x7F9] =	sst s22  }
0x32: {  	s17 =	simm.s32 $0x0;
	s18 =	sadd.s32 s8, s5;
	[smem:$0x7FA] =	sst s23  }
0x33: {  	s8 =	sadd.s32 $0x5780, s20;
	s11 =	sadd.s32 $0x7D00, s20;
	[smem:$0x7FB] =	sst s24  }
0x34: {  	[smem:$0x7FD] =	sst s26;
	s22 =	simm.s32 $0x5F00;
	s23 =	simm.s32 $0x140  }
0x35: {  	s26 =	simm.s32 $0x190;
	s24 =	simm.s32 $0x3;
	[dreg:$0x9] =	wrdreg s18  }
0x36: {  	s0 =	simm.s32 $0x4;
	s15 =	simm.s32 $0x6;
	[smem:$0x7EC] =	sst s8  }
0x37: {  	s16 =	simm.s32 $0x9;
	[smem:$0x7EF] =	sst s11;
	s18 =	sadd.s32 $0xD480, s20  }
0x38: {  	v0 =	vimm.f32 $0.0e+00;
	s8 =	simm.s32 $0x230;
	s11 =	simm.s32 $0x1;
	[smem:$0x7F6] =	sst s18  }
.LBB2_1:
0x39: {  	s18 =	sand.u32 $0x3E00, s4  }
0x3a: {  	s19 =	sand.u32 $0x70, s4;
	s21 =	sshrl.u32 s18, $0x2  }
0x3b: {  	s18 =	simm.s32 $0x40;
	s21 =	sor.u32 s19, s21;
	s19 =	simm.s32 $0x0  }
.LBB2_2:
0x3c: {  	p0 =	sne.s32 s18, $0x31C0  }
0x3d: {  	[tilespmem:s21+$0x5280] =	vst v0;
	s19 =	sadd.s32 $0x10, s19;
	s21 =	smov.u32 s18;
	s18 =	sadd.s32 $0x40, s18  }
.Ltmp0:
0x3e: {  	(pc) =	sbr.rel @p0 .LBB2_2-.Ltmp0, $4  }
0x3f: {  	_ = 	snop  }
0x40: {  	s21 =	sand.u32 $0x3E00, s21  }
0x41: {  	s7 =	sand.u32 $0x70, s19;
	s21 =	sshrl.u32 s21, $0x2  }
0x42: {  	s21 =	sor.u32 s7, s21  }
0x43: {  	[tilespmem:s21+$0x5280] =	vst v0;
	s7 =	simm.s32 $0x0;
	s18 =	rddreg [dreg:$0xb]  }
0x44: {  	[tilespmem:s22], [sflag:$0x8] =	stream.linear.gather [hbm4b:s18+s7], $0x2710, $0x38;
	[tilespmem:$0x1E5A0] =	vst v63  }
0x45: {  	s19 =	rddreg [dreg:$0xc]  }
0x46: {  	[tilespmem:s7], [sflag:$0x3] =	stream.linear.gather [hbm4b:s19+s7], $0x50, $0x38;
	[tilespmem:$0x1E5A0] =	vst v63  }
0x47: {  	s21 =	rddreg [dreg:$0xd]  }
0x48: {  	[tilespmem:s23], [sflag:$0x3] =	stream.linear.gather [hbm4b:s21+s7], $0x50, $0x38;
	[tilespmem:$0x1E5A0] =	vst v63  }
0x49: {  	s19 =	rddreg [dreg:$0xe]  }
0x4a: {  	[tilespmem:s25], [sflag:$0x4] =	stream.linear.gather [hbm4b:s19+s7], $0x50, $0x38;
	[tilespmem:$0x1E5A0] =	vst v63  }
0x4b: {  	s21 =	rddreg [dreg:$0xf]  }
0x4c: {  	[tilespmem:s26], [sflag:$0x4] =	stream.linear.gather [hbm4b:s21+s7], $0x50, $0x38;
	[tilespmem:$0x1E5A0] =	vst v63  }
0x4d: {  	s19 =	rddreg [dreg:$0x10]  }
0x4e: {  	[tilespmem:s28], [sflag:$0x5] =	stream.linear.gather [hbm4b:s19+s7], $0x50, $0x38;
	[tilespmem:$0x1E5A0] =	vst v63  }
0x4f: {  	s21 =	rddreg [dreg:$0x11]  }
0x50: {  	[tilespmem:s29], [sflag:$0x5] =	stream.linear.gather [hbm4b:s21+s7], $0x50, $0x38;
	[tilespmem:$0x1E5A0] =	vst v63  }
0x51: {  	s18 =	rddreg [dreg:$0x19]  }
0x52: {  	[spmem:s20] =	stream.linear.scatter [tilespmem:s30], [sflag:$0x7], $0xC80, $0x38;
	[tilespmem:$0x1E5A0] =	vst v63  }
0x53: {  	s19 =	rddreg [dreg:$0x1a]  }
0x54: {  	[spmem:s18] =	stream.linear.scatter [tilespmem:s30], [sflag:$0x7], $0xC80, $0x38;
	[tilespmem:$0x1E5A0] =	vst v63  }
0x55: {  	s21 =	rddreg [dreg:$0x1b]  }
0x56: {  	[spmem:s19] =	stream.linear.scatter [tilespmem:s30], [sflag:$0x7], $0xC80, $0x38;
	[tilespmem:$0x1E5A0] =	vst v63  }
0x57: {  	s18 =	rddreg [dreg:$0x1e]  }
0x58: {  	[spmem:s21] =	stream.linear.scatter [tilespmem:s30], [sflag:$0x7], $0xC80, $0x38;
	[tilespmem:$0x1E5A0] =	vst v63  }
0x59: {  	s19 =	rddreg [dreg:$0x1f]  }
0x5a: {  	[spmem:s18] =	stream.linear.scatter [tilespmem:s30], [sflag:$0x7], $0xC80, $0x38;
	[tilespmem:$0x1E5A0] =	vst v63  }
0x5b: {  	s21 =	sld [smem:$0x7EB]  }
0x5c: {  	[spmem:s19] =	stream.linear.scatter [tilespmem:s30], [sflag:$0x7], $0xC80, $0x38;
	[tilespmem:$0x1E5A0] =	vst v63  }
0x5d: {  	s18 =	sld [smem:$0x7EC]  }
0x5e: {  	[spmem:s21] =	stream.linear.scatter [tilespmem:s30], [sflag:$0x7], $0xC80, $0x38;
	[tilespmem:$0x1E5A0] =	vst v63  }
0x5f: {  	s19 =	sld [smem:$0x7ED]  }
0x60: {  	[spmem:s18] =	stream.linear.scatter [tilespmem:s30], [sflag:$0x7], $0xC80, $0x38;
	[tilespmem:$0x1E5A0] =	vst v63  }
0x61: {  	s21 =	sld [smem:$0x7EE]  }
0x62: {  	[spmem:s19] =	stream.linear.scatter [tilespmem:s30], [sflag:$0x7], $0xC80, $0x38;
	[tilespmem:$0x1E5A0] =	vst v63  }
0x63: {  	s18 =	sld [smem:$0x7EF]  }
0x64: {  	[spmem:s21] =	stream.linear.scatter [tilespmem:s30], [sflag:$0x7], $0xC80, $0x38;
	[tilespmem:$0x1E5A0] =	vst v63  }
0x65: {  	s19 =	sld [smem:$0x7F0]  }
0x66: {  	[spmem:s18] =	stream.linear.scatter [tilespmem:s30], [sflag:$0x7], $0xC80, $0x38;
	[tilespmem:$0x1E5A0] =	vst v63  }
0x67: {  	s21 =	sld [smem:$0x7F1]  }
0x68: {  	[spmem:s19] =	stream.linear.scatter [tilespmem:s30], [sflag:$0x7], $0xC80, $0x38;
	[tilespmem:$0x1E5A0] =	vst v63  }
0x69: {  	s18 =	sld [smem:$0x7F2]  }
0x6a: {  	[spmem:s21] =	stream.linear.scatter [tilespmem:s30], [sflag:$0x7], $0xC80, $0x38;
	[tilespmem:$0x1E5A0] =	vst v63  }
0x6b: {  	s19 =	sld [smem:$0x7F3]  }
0x6c: {  	[spmem:s18] =	stream.linear.scatter [tilespmem:s30], [sflag:$0x7], $0xC80, $0x38;
	[tilespmem:$0x1E5A0] =	vst v63  }
0x6d: {  	s21 =	sld [smem:$0x7F4]  }
0x6e: {  	[spmem:s19] =	stream.linear.scatter [tilespmem:s30], [sflag:$0x7], $0xC80, $0x38;
	[tilespmem:$0x1E5A0] =	vst v63  }
0x6f: {  	s18 =	sld [smem:$0x7F5]  }
0x70: {  	[spmem:s21] =	stream.linear.scatter [tilespmem:s30], [sflag:$0x7], $0xC80, $0x38;
	[tilespmem:$0x1E5A0] =	vst v63  }
0x71: {  	s19 =	sld [smem:$0x7F6]  }
0x72: {  	[spmem:s18] =	stream.linear.scatter [tilespmem:s30], [sflag:$0x7], $0xC80, $0x38;
	[tilespmem:$0x1E5A0] =	vst v63  }
0x73: {  	s21 =	sld [smem:$0x7F7]  }
0x74: {  	[spmem:s19] =	stream.linear.scatter [tilespmem:s30], [sflag:$0x7], $0xC80, $0x38;
	[tilespmem:$0x1E5A0] =	vst v63  }
0x75: {  	s18 =	sld [smem:$0x7F8]  }
0x76: {  	[spmem:s21] =	stream.linear.scatter [tilespmem:s30], [sflag:$0x7], $0xC80, $0x38;
	[tilespmem:$0x1E5A0] =	vst v63  }
0x77: {  	s19 =	sld [smem:$0x7F9]  }
0x78: {  	[spmem:s18] =	stream.linear.scatter [tilespmem:s30], [sflag:$0x7], $0xC80, $0x38;
	[tilespmem:$0x1E5A0] =	vst v63  }
0x79: {  	s21 =	sld [smem:$0x7FA]  }
0x7a: {  	[spmem:s19] =	stream.linear.scatter [tilespmem:s30], [sflag:$0x7], $0xC80, $0x38;
	[tilespmem:$0x1E5A0] =	vst v63  }
0x7b: {  	s18 =	sld [smem:$0x7FB]  }
0x7c: {  	[spmem:s21] =	stream.linear.scatter [tilespmem:s30], [sflag:$0x7], $0xC80, $0x38;
	[tilespmem:$0x1E5A0] =	vst v63  }
0x7d: {  	s19 =	sld [smem:$0x7FC]  }
0x7e: {  	[spmem:s18] =	stream.linear.scatter [tilespmem:s30], [sflag:$0x7], $0xC80, $0x38;
	[tilespmem:$0x1E5A0] =	vst v63  }
0x7f: {  	s21 =	sld [smem:$0x7FD]  }
0x80: {  	[spmem:s19] =	stream.linear.scatter [tilespmem:s30], [sflag:$0x7], $0xC80, $0x38;
	[tilespmem:$0x1E5A0] =	vst v63  }
0x81: {  	s18 =	simm.s32 $0x40;
	s19 =	simm.s32 $0x0  }
0x82: {  	[spmem:s21] =	stream.linear.scatter [tilespmem:s30], [sflag:$0x7], $0xC80, $0x38;
	[tilespmem:$0x1E5A0] =	vst v63  }
.LBB2_4:
0x83: {  	p0 =	sne.s32 s18, $0x9C00;
	[tilespmem:s19+$0x8610] =	vst v0;
	s7 =	smov.u32 s18;
	s18 =	sadd.s32 $0x40, s18  }
.Ltmp1:
0x84: {  	(pc) =	sbr.rel @p0 .LBB2_4-.Ltmp1, $2  }
0x85: {  	_ =	sdelay $0x2  }
0x86: {  	s19 =	sshra.s32 s7, $0x2  }
0x87: {  	[tilespmem:s19+$0x8610] =	vst v0  }
0x88: {  	_ =	swait.ge [sflag:s24], $0x50  }
0x89: {  	[sflag:s24] =	ssyncset.done $0x0  }
0x8a: {  	[sflag:s24] =	ssyncadd.s32 $0xFFFFFFB0  }
0x8b: {  	_ =	swait.ge [sflag:s24], $0x50  }
0x8c: {  	[sflag:s24] =	ssyncset.done $0x0  }
0x8d: {  	s18 =	simm.s32 $0x0;
	[sflag:s24] =	ssyncadd.s32 $0xFFFFFFB0  }
0x8e: {  	[tilespmem:s31], [sflag:$0x1] =	stream.indirect.gather [hbm4b:s1+s25], $0x80, s18, s25, $0xb8;
	[tilespmem:$0x1E5A0] =	vst v63  }
0x8f: {  	_ =	swait.ge [sflag:s0], $0x50  }
0x90: {  	[sflag:s0] =	ssyncset.done $0x0  }
0x91: {  	[sflag:s0] =	ssyncadd.s32 $0xFFFFFFB0  }
0x92: {  	_ =	swait.ge [sflag:s0], $0x50  }
0x93: {  	[sflag:s0] =	ssyncset.done $0x0  }
0x94: {  	[sflag:s0] =	ssyncadd.s32 $0xFFFFFFB0  }
0x95: {  	[tilespmem:s3], [sflag:$0x2] =	stream.indirect.gather [hbm4b:s1+s25], $0x80, s25, s25, $0xb8;
	[tilespmem:$0x1E5A0] =	vst v63  }
0x96: {  	s7 =	rddreg [dreg:$0x12]  }
0x97: {  	[tilespmem:s6], [sflag:$0x6] =	stream.linear.gather [hbm4b:s7+s18], $0x50, $0x38;
	[tilespmem:$0x1E5A0] =	vst v63  }
0x98: {  	s21 =	rddreg [dreg:$0x13]  }
0x99: {  	[tilespmem:s8], [sflag:$0x6] =	stream.linear.gather [hbm4b:s21+s18], $0x50, $0x38;
	[tilespmem:$0x1E5A0] =	vst v63  }
0x9a: {  	_ =	swait.ge [sflag:s9], $0xC80  }
0x9b: {  	[sflag:s9] =	ssyncset.done $0x0  }
0x9c: {  	[sflag:s9] =	ssyncadd.s32 $0xFFFFF380  }
0x9d: {  	_ =	swait.ge [sflag:s9], $0xC80  }
0x9e: {  	[sflag:s9] =	ssyncset.done $0x0  }
0x9f: {  	[sflag:s9] =	ssyncadd.s32 $0xFFFFF380  }
0xa0: {  	_ =	swait.ge [sflag:s9], $0xC80  }
0xa1: {  	[sflag:s9] =	ssyncset.done $0x0  }
0xa2: {  	[sflag:s9] =	ssyncadd.s32 $0xFFFFF380  }
0xa3: {  	_ =	swait.ge [sflag:s9], $0xC80  }
0xa4: {  	[sflag:s9] =	ssyncset.done $0x0  }
0xa5: {  	[sflag:s9] =	ssyncadd.s32 $0xFFFFF380  }
0xa6: {  	_ =	swait.ge [sflag:s9], $0xC80  }
0xa7: {  	[sflag:s9] =	ssyncset.done $0x0  }
0xa8: {  	[sflag:s9] =	ssyncadd.s32 $0xFFFFF380  }
0xa9: {  	_ =	swait.ge [sflag:s9], $0xC80  }
0xaa: {  	[sflag:s9] =	ssyncset.done $0x0  }
0xab: {  	[sflag:s9] =	ssyncadd.s32 $0xFFFFF380  }
0xac: {  	_ =	swait.ge [sflag:s9], $0xC80  }
0xad: {  	[sflag:s9] =	ssyncset.done $0x0  }
0xae: {  	[sflag:s9] =	ssyncadd.s32 $0xFFFFF380  }
0xaf: {  	_ =	swait.ge [sflag:s9], $0xC80  }
0xb0: {  	[sflag:s9] =	ssyncset.done $0x0  }
0xb1: {  	[sflag:s9] =	ssyncadd.s32 $0xFFFFF380  }
0xb2: {  	_ =	swait.ge [sflag:s9], $0xC80  }
0xb3: {  	[sflag:s9] =	ssyncset.done $0x0  }
0xb4: {  	[sflag:s9] =	ssyncadd.s32 $0xFFFFF380  }
0xb5: {  	_ =	swait.ge [sflag:s9], $0xC80  }
0xb6: {  	[sflag:s9] =	ssyncset.done $0x0  }
0xb7: {  	[sflag:s9] =	ssyncadd.s32 $0xFFFFF380  }
0xb8: {  	_ =	swait.ge [sflag:s9], $0xC80  }
0xb9: {  	[sflag:s9] =	ssyncset.done $0x0  }
0xba: {  	[sflag:s9] =	ssyncadd.s32 $0xFFFFF380  }
0xbb: {  	_ =	swait.ge [sflag:s9], $0xC80  }
0xbc: {  	[sflag:s9] =	ssyncset.done $0x0  }
0xbd: {  	[sflag:s9] =	ssyncadd.s32 $0xFFFFF380  }
0xbe: {  	_ =	swait.ge [sflag:s9], $0xC80  }
0xbf: {  	[sflag:s9] =	ssyncset.done $0x0  }
0xc0: {  	[sflag:s9] =	ssyncadd.s32 $0xFFFFF380  }
0xc1: {  	_ =	swait.ge [sflag:s9], $0xC80  }
0xc2: {  	[sflag:s9] =	ssyncset.done $0x0  }
0xc3: {  	[sflag:s9] =	ssyncadd.s32 $0xFFFFF380  }
0xc4: {  	_ =	swait.ge [sflag:s9], $0xC80  }
0xc5: {  	[sflag:s9] =	ssyncset.done $0x0  }
0xc6: {  	[sflag:s9] =	ssyncadd.s32 $0xFFFFF380  }
0xc7: {  	_ =	swait.ge [sflag:s9], $0xC80  }
0xc8: {  	[sflag:s9] =	ssyncset.done $0x0  }
0xc9: {  	[sflag:s9] =	ssyncadd.s32 $0xFFFFF380  }
0xca: {  	_ =	swait.ge [sflag:s9], $0xC80  }
0xcb: {  	[sflag:s9] =	ssyncset.done $0x0  }
0xcc: {  	[sflag:s9] =	ssyncadd.s32 $0xFFFFF380  }
0xcd: {  	_ =	swait.ge [sflag:s9], $0xC80  }
0xce: {  	[sflag:s9] =	ssyncset.done $0x0  }
0xcf: {  	[sflag:s9] =	ssyncadd.s32 $0xFFFFF380  }
0xd0: {  	_ =	swait.ge [sflag:s9], $0xC80  }
0xd1: {  	[sflag:s9] =	ssyncset.done $0x0  }
0xd2: {  	[sflag:s9] =	ssyncadd.s32 $0xFFFFF380  }
0xd3: {  	_ =	swait.ge [sflag:s9], $0xC80  }
0xd4: {  	[sflag:s9] =	ssyncset.done $0x0  }
0xd5: {  	[sflag:s9] =	ssyncadd.s32 $0xFFFFF380  }
0xd6: {  	_ =	swait.ge [sflag:s9], $0xC80  }
0xd7: {  	[sflag:s9] =	ssyncset.done $0x0  }
0xd8: {  	[sflag:s9] =	ssyncadd.s32 $0xFFFFF380  }
0xd9: {  	_ =	swait.ge [sflag:s9], $0xC80  }
0xda: {  	[sflag:s9] =	ssyncset.done $0x0  }
0xdb: {  	[sflag:s9] =	ssyncadd.s32 $0xFFFFF380  }
0xdc: {  	_ =	swait.ge [sflag:s9], $0xC80  }
0xdd: {  	[sflag:s9] =	ssyncset.done $0x0  }
0xde: {  	[sflag:s9] =	ssyncadd.s32 $0xFFFFF380  }
0xdf: {  	_ =	swait.ge [sflag:s9], $0xC80  }
0xe0: {  	[sflag:s9] =	ssyncset.done $0x0  }
0xe1: {  	[sflag:s9] =	ssyncadd.s32 $0xFFFFF380  }
0xe2: {  	_ =	swait.ge [sflag:s9], $0xC80  }
0xe3: {  	[sflag:s9] =	ssyncset.done $0x0  }
0xe4: {  	[sflag:s9] =	ssyncadd.s32 $0xFFFFF380  }
0xe5: {  	_ =	swait.ge [sflag:s10], $0x2710  }
0xe6: {  	[sflag:s10] =	ssyncset.done $0x0  }
0xe7: {  	[sflag:s10] =	ssyncadd.s32 $0xFFFFD8F0  }
0xe8: {  	[bflag:$0x0] =	sbarrier.arrive $0xFFFF  }
0xe9: {  	_ =	swait.ge [sflag:s11], $0x2800  }
0xea: {  	[sflag:s11] =	ssyncset.done $0x0  }
0xeb: {  	[sflag:s11] =	ssyncadd.s32 $0xFFFFD800  }
0xec: {  	[spmem:s2] =	stream.indirect.scatter.add.f32 [tilespmem:s31], [sflag:$0x7], $0x80, s23, s25, $0xb8;
	[tilespmem:$0x1E5A0] =	vst v63  }
0xed: {  	v1 =	vld [tilespmem:$0x0];
	_ =	sdelay $0x4  }
0xee: {  	v2 =	vld [tilespmem:$0x140];
	_ =	sdelay $0x2  }
0xef: {  	v1 =	vld.idx.msk [tilespmem:v1+s22+$0x0], $0xffff;
	_ =	sdelay $0x4  }
0xf0: {  	[tilespmem:v2+s12+$0x0] =	vst.idx.add.f32.msk $0xffff, v1  }
0xf1: {  	v1 =	vld [tilespmem:$0x10];
	_ =	sdelay $0x4  }
0xf2: {  	v2 =	vld [tilespmem:$0x150];
	_ =	sdelay $0x2  }
0xf3: {  	v1 =	vld.idx.msk [tilespmem:v1+s22+$0x0], $0xffff;
	_ =	sdelay $0x4  }
0xf4: {  	[tilespmem:v2+s12+$0x0] =	vst.idx.add.f32.msk $0xffff, v1  }
0xf5: {  	v1 =	vld [tilespmem:$0x20];
	_ =	sdelay $0x4  }
0xf6: {  	v2 =	vld [tilespmem:$0x160];
	_ =	sdelay $0x2  }
0xf7: {  	v1 =	vld.idx.msk [tilespmem:v1+s22+$0x0], $0xffff;
	_ =	sdelay $0x4  }
0xf8: {  	[tilespmem:v2+s12+$0x0] =	vst.idx.add.f32.msk $0xffff, v1  }
0xf9: {  	v1 =	vld [tilespmem:$0x30];
	_ =	sdelay $0x4  }
0xfa: {  	v2 =	vld [tilespmem:$0x170];
	_ =	sdelay $0x2  }
0xfb: {  	v1 =	vld.idx.msk [tilespmem:v1+s22+$0x0], $0xffff;
	_ =	sdelay $0x4  }
0xfc: {  	[tilespmem:v2+s12+$0x0] =	vst.idx.add.f32.msk $0xffff, v1  }
0xfd: {  	v1 =	vld [tilespmem:$0x40];
	_ =	sdelay $0x4  }
0xfe: {  	v2 =	vld [tilespmem:$0x180];
	_ =	sdelay $0x2  }
0xff: {  	v1 =	vld.idx.msk [tilespmem:v1+s22+$0x0], $0xffff;
	_ =	sdelay $0x4  }
0x100: {  	s19 =	rddreg [dreg:$0x1c];
	[tilespmem:v2+s12+$0x0] =	vst.idx.add.f32.msk $0xffff, v1  }
.LBB2_6:
0x101: {  	_ =	swait.ge [sflag:s13], $0x50  }
0x102: {  	[sflag:s13] =	ssyncset.done $0x0  }
0x103: {  	[sflag:s13] =	ssyncadd.s32 $0xFFFFFFB0  }
0x104: {  	_ =	swait.ge [sflag:s13], $0x50  }
0x105: {  	[sflag:s13] =	ssyncset.done $0x0  }
0x106: {  	[sflag:s13] =	ssyncadd.s32 $0xFFFFFFB0  }
0x107: {  	_ =	swait.ge [sflag:s9], $0x2800  }
0x108: {  	[sflag:s9] =	ssyncset.done $0x0  }
0x109: {  	s7 =	sshrl.u32 s19, $0x3;
	[sflag:s9] =	ssyncadd.s32 $0xFFFFD800  }
0x10a: {  	[tilespmem:s31], [sflag:$0x1] =	stream.indirect.gather [hbm4b:s1+s25], $0x80, s28, s25, $0xb8;
	[tilespmem:$0x1E5A0] =	vst v63  }
0x10b: {  	s7 =	sadd.s32 s5, s7;
	s21 =	rddreg [dreg:$0xa]  }
0x10c: {  	[tilespmem:s4], [sflag:$0x3] =	stream.linear.gather [hbm4b:s7+s4], $0x50, $0x38;
	[tilespmem:$0x1E5A0] =	vst v63  }
0x10d: {  	s21 =	sadd.s32 s18, s21  }
0x10e: {  	[tilespmem:s23], [sflag:$0x3] =	stream.linear.gather [hbm4b:s21+s4], $0x50, $0x38;
	[tilespmem:$0x1E5A0] =	vst v63  }
0x10f: {  	_ =	swait.ge [sflag:s14], $0x2800  }
0x110: {  	[sflag:s14] =	ssyncset.done $0x0  }
0x111: {  	[sflag:s14] =	ssyncadd.s32 $0xFFFFD800  }
0x112: {  	[spmem:s2] =	stream.indirect.scatter.add.f32 [tilespmem:s3], [sflag:$0x8], $0x80, s26, s25, $0xb8;
	[tilespmem:$0x1E5A0] =	vst v63  }
0x113: {  	v1 =	vld [tilespmem:$0x50];
	_ =	sdelay $0x4  }
0x114: {  	v2 =	vld [tilespmem:$0x190];
	_ =	sdelay $0x2  }
0x115: {  	v1 =	vld.idx.msk [tilespmem:v1+s22+$0x0], $0xffff;
	_ =	sdelay $0x4  }
0x116: {  	[tilespmem:v2+s12+$0x0] =	vst.idx.add.f32.msk $0xffff, v1  }
0x117: {  	v1 =	vld [tilespmem:$0x60];
	_ =	sdelay $0x4  }
0x118: {  	v2 =	vld [tilespmem:$0x1A0];
	_ =	sdelay $0x2  }
0x119: {  	v1 =	vld.idx.msk [tilespmem:v1+s22+$0x0], $0xffff;
	_ =	sdelay $0x4  }
0x11a: {  	[tilespmem:v2+s12+$0x0] =	vst.idx.add.f32.msk $0xffff, v1  }
0x11b: {  	v1 =	vld [tilespmem:$0x70];
	_ =	sdelay $0x4  }
0x11c: {  	v2 =	vld [tilespmem:$0x1B0];
	_ =	sdelay $0x2  }
0x11d: {  	v1 =	vld.idx.msk [tilespmem:v1+s22+$0x0], $0xffff;
	_ =	sdelay $0x4  }
0x11e: {  	[tilespmem:v2+s12+$0x0] =	vst.idx.add.f32.msk $0xffff, v1  }
0x11f: {  	v1 =	vld [tilespmem:$0x80];
	_ =	sdelay $0x4  }
0x120: {  	v2 =	vld [tilespmem:$0x1C0];
	_ =	sdelay $0x2  }
0x121: {  	v1 =	vld.idx.msk [tilespmem:v1+s22+$0x0], $0xffff;
	_ =	sdelay $0x4  }
0x122: {  	[tilespmem:v2+s12+$0x0] =	vst.idx.add.f32.msk $0xffff, v1  }
0x123: {  	v1 =	vld [tilespmem:$0x90];
	_ =	sdelay $0x4  }
0x124: {  	v2 =	vld [tilespmem:$0x1D0];
	_ =	sdelay $0x2  }
0x125: {  	v1 =	vld.idx.msk [tilespmem:v1+s22+$0x0], $0xffff;
	_ =	sdelay $0x4  }
0x126: {  	[tilespmem:v2+s12+$0x0] =	vst.idx.add.f32.msk $0xffff, v1  }
0x127: {  	_ =	swait.ge [sflag:s15], $0x50  }
0x128: {  	[sflag:s15] =	ssyncset.done $0x0  }
0x129: {  	[sflag:s15] =	ssyncadd.s32 $0xFFFFFFB0  }
0x12a: {  	_ =	swait.ge [sflag:s15], $0x50  }
0x12b: {  	[sflag:s15] =	ssyncset.done $0x0  }
0x12c: {  	[sflag:s15] =	ssyncadd.s32 $0xFFFFFFB0  }
0x12d: {  	_ =	swait.ge [sflag:s10], $0x2800  }
0x12e: {  	[sflag:s10] =	ssyncset.done $0x0  }
0x12f: {  	s7 =	rddreg [dreg:$0x8];
	[sflag:s10] =	ssyncadd.s32 $0xFFFFD800  }
0x130: {  	[tilespmem:s3], [sflag:$0x2] =	stream.indirect.gather [hbm4b:s1+s25], $0x80, s6, s25, $0xb8;
	[tilespmem:$0x1E5A0] =	vst v63  }
0x131: {  	s21 =	rddreg [dreg:$0x9];
	s7 =	sadd.s32 s18, s7  }
0x132: {  	[tilespmem:s25], [sflag:$0x4] =	stream.linear.gather [hbm4b:s7+s4], $0x50, $0x38;
	[tilespmem:$0x1E5A0] =	vst v63  }
0x133: {  	s21 =	sadd.s32 s18, s21  }
0x134: {  	[tilespmem:s26], [sflag:$0x4] =	stream.linear.gather [hbm4b:s21+s4], $0x50, $0x38;
	[tilespmem:$0x1E5A0] =	vst v63  }
0x135: {  	_ =	swait.ge [sflag:s11], $0x2800  }
0x136: {  	[sflag:s11] =	ssyncset.done $0x0  }
0x137: {  	[sflag:s11] =	ssyncadd.s32 $0xFFFFD800  }
0x138: {  	[spmem:s2] =	stream.indirect.scatter.add.f32 [tilespmem:s31], [sflag:$0x7], $0x80, s29, s25, $0xb8;
	[tilespmem:$0x1E5A0] =	vst v63  }
0x139: {  	v1 =	vld [tilespmem:$0xA0];
	_ =	sdelay $0x4  }
0x13a: {  	v2 =	vld [tilespmem:$0x1E0];
	_ =	sdelay $0x2  }
0x13b: {  	v1 =	vld.idx.msk [tilespmem:v1+s22+$0x0], $0xffff;
	_ =	sdelay $0x4  }
0x13c: {  	[tilespmem:v2+s12+$0x0] =	vst.idx.add.f32.msk $0xffff, v1  }
0x13d: {  	v1 =	vld [tilespmem:$0xB0];
	_ =	sdelay $0x4  }
0x13e: {  	v2 =	vld [tilespmem:$0x1F0];
	_ =	sdelay $0x2  }
0x13f: {  	v1 =	vld.idx.msk [tilespmem:v1+s22+$0x0], $0xffff;
	_ =	sdelay $0x4  }
0x140: {  	[tilespmem:v2+s12+$0x0] =	vst.idx.add.f32.msk $0xffff, v1  }
0x141: {  	v1 =	vld [tilespmem:$0xC0];
	_ =	sdelay $0x4  }
0x142: {  	v2 =	vld [tilespmem:$0x200];
	_ =	sdelay $0x2  }
0x143: {  	v1 =	vld.idx.msk [tilespmem:v1+s22+$0x0], $0xffff;
	_ =	sdelay $0x4  }
0x144: {  	[tilespmem:v2+s12+$0x0] =	vst.idx.add.f32.msk $0xffff, v1  }
0x145: {  	v1 =	vld [tilespmem:$0xD0];
	_ =	sdelay $0x4  }
0x146: {  	v2 =	vld [tilespmem:$0x210];
	_ =	sdelay $0x2  }
0x147: {  	v1 =	vld.idx.msk [tilespmem:v1+s22+$0x0], $0xffff;
	_ =	sdelay $0x4  }
0x148: {  	[tilespmem:v2+s12+$0x0] =	vst.idx.add.f32.msk $0xffff, v1  }
0x149: {  	v1 =	vld [tilespmem:$0xE0];
	_ =	sdelay $0x4  }
0x14a: {  	v2 =	vld [tilespmem:$0x220];
	_ =	sdelay $0x2  }
0x14b: {  	v1 =	vld.idx.msk [tilespmem:v1+s22+$0x0], $0xffff;
	_ =	sdelay $0x4  }
0x14c: {  	[tilespmem:v2+s12+$0x0] =	vst.idx.add.f32.msk $0xffff, v1  }
0x14d: {  	_ =	swait.ge [sflag:s24], $0x50  }
0x14e: {  	[sflag:s24] =	ssyncset.done $0x0  }
0x14f: {  	[sflag:s24] =	ssyncadd.s32 $0xFFFFFFB0  }
0x150: {  	_ =	swait.ge [sflag:s24], $0x50  }
0x151: {  	[sflag:s24] =	ssyncset.done $0x0  }
0x152: {  	[sflag:s24] =	ssyncadd.s32 $0xFFFFFFB0  }
0x153: {  	_ =	swait.ge [sflag:s9], $0x2800  }
0x154: {  	[sflag:s9] =	ssyncset.done $0x0  }
0x155: {  	s7 =	rddreg [dreg:$0x6];
	[sflag:s9] =	ssyncadd.s32 $0xFFFFD800  }
0x156: {  	[tilespmem:s31], [sflag:$0x1] =	stream.indirect.gather [hbm4b:s1+s25], $0x80, s4, s25, $0xb8;
	[tilespmem:$0x1E5A0] =	vst v63  }
0x157: {  	s21 =	rddreg [dreg:$0x7];
	s7 =	sadd.s32 s18, s7  }
0x158: {  	[tilespmem:s28], [sflag:$0x5] =	stream.linear.gather [hbm4b:s7+s4], $0x50, $0x38;
	[tilespmem:$0x1E5A0] =	vst v63  }
0x159: {  	s21 =	sadd.s32 s18, s21  }
0x15a: {  	[tilespmem:s29], [sflag:$0x5] =	stream.linear.gather [hbm4b:s21+s4], $0x50, $0x38;
	[tilespmem:$0x1E5A0] =	vst v63  }
0x15b: {  	_ =	swait.ge [sflag:s14], $0x2800  }
0x15c: {  	[sflag:s14] =	ssyncset.done $0x0  }
0x15d: {  	[sflag:s14] =	ssyncadd.s32 $0xFFFFD800  }
0x15e: {  	[spmem:s2] =	stream.indirect.scatter.add.f32 [tilespmem:s3], [sflag:$0x8], $0x80, s8, s25, $0xb8;
	[tilespmem:$0x1E5A0] =	vst v63  }
0x15f: {  	v1 =	vld [tilespmem:$0xF0];
	_ =	sdelay $0x4  }
0x160: {  	v2 =	vld [tilespmem:$0x230];
	_ =	sdelay $0x2  }
0x161: {  	v1 =	vld.idx.msk [tilespmem:v1+s22+$0x0], $0xffff;
	_ =	sdelay $0x4  }
0x162: {  	[tilespmem:v2+s12+$0x0] =	vst.idx.add.f32.msk $0xffff, v1  }
0x163: {  	v1 =	vld [tilespmem:$0x100];
	_ =	sdelay $0x4  }
0x164: {  	v2 =	vld [tilespmem:$0x240];
	_ =	sdelay $0x2  }
0x165: {  	v1 =	vld.idx.msk [tilespmem:v1+s22+$0x0], $0xffff;
	_ =	sdelay $0x4  }
0x166: {  	[tilespmem:v2+s12+$0x0] =	vst.idx.add.f32.msk $0xffff, v1  }
0x167: {  	v1 =	vld [tilespmem:$0x110];
	_ =	sdelay $0x4  }
0x168: {  	v2 =	vld [tilespmem:$0x250];
	_ =	sdelay $0x2  }
0x169: {  	v1 =	vld.idx.msk [tilespmem:v1+s22+$0x0], $0xffff;
	_ =	sdelay $0x4  }
0x16a: {  	[tilespmem:v2+s12+$0x0] =	vst.idx.add.f32.msk $0xffff, v1  }
0x16b: {  	v1 =	vld [tilespmem:$0x120];
	_ =	sdelay $0x4  }
0x16c: {  	v2 =	vld [tilespmem:$0x260];
	_ =	sdelay $0x2  }
0x16d: {  	v1 =	vld.idx.msk [tilespmem:v1+s22+$0x0], $0xffff;
	_ =	sdelay $0x4  }
0x16e: {  	[tilespmem:v2+s12+$0x0] =	vst.idx.add.f32.msk $0xffff, v1  }
0x16f: {  	v1 =	vld [tilespmem:$0x130];
	_ =	sdelay $0x4  }
0x170: {  	v2 =	vld [tilespmem:$0x270];
	_ =	sdelay $0x2  }
0x171: {  	v1 =	vld.idx.msk [tilespmem:v1+s22+$0x0], $0xffff;
	_ =	sdelay $0x4  }
0x172: {  	[tilespmem:v2+s12+$0x0] =	vst.idx.add.f32.msk $0xffff, v1  }
0x173: {  	_ =	swait.ge [sflag:s0], $0x50  }
0x174: {  	[sflag:s0] =	ssyncset.done $0x0  }
0x175: {  	[sflag:s0] =	ssyncadd.s32 $0xFFFFFFB0  }
0x176: {  	_ =	swait.ge [sflag:s0], $0x50  }
0x177: {  	[sflag:s0] =	ssyncset.done $0x0  }
0x178: {  	[sflag:s0] =	ssyncadd.s32 $0xFFFFFFB0  }
0x179: {  	_ =	swait.ge [sflag:s10], $0x2800  }
0x17a: {  	[sflag:s10] =	ssyncset.done $0x0  }
0x17b: {  	s7 =	rddreg [dreg:$0x4];
	[sflag:s10] =	ssyncadd.s32 $0xFFFFD800  }
0x17c: {  	[tilespmem:s3], [sflag:$0x2] =	stream.indirect.gather [hbm4b:s1+s25], $0x80, s25, s25, $0xb8;
	[tilespmem:$0x1E5A0] =	vst v63  }
0x17d: {  	s21 =	rddreg [dreg:$0x5];
	s7 =	sadd.s32 s18, s7  }
0x17e: {  	[tilespmem:s6], [sflag:$0x6] =	stream.linear.gather [hbm4b:s7+s4], $0x50, $0x38;
	[tilespmem:$0x1E5A0] =	vst v63  }
0x17f: {  	s21 =	sadd.s32 s18, s21  }
0x180: {  	[tilespmem:s8], [sflag:$0x6] =	stream.linear.gather [hbm4b:s21+s4], $0x50, $0x38;
	[tilespmem:$0x1E5A0] =	vst v63  }
0x181: {  	_ =	swait.ge [sflag:s11], $0x2800  }
0x182: {  	[sflag:s11] =	ssyncset.done $0x0  }
0x183: {  	[sflag:s11] =	ssyncadd.s32 $0xFFFFD800  }
0x184: {  	[spmem:s2] =	stream.indirect.scatter.add.f32 [tilespmem:s31], [sflag:$0x7], $0x80, s23, s25, $0xb8;
	[tilespmem:$0x1E5A0] =	vst v63  }
0x185: {  	v1 =	vld [tilespmem:$0x0];
	_ =	sdelay $0x4  }
0x186: {  	v2 =	vld [tilespmem:$0x140];
	_ =	sdelay $0x2  }
0x187: {  	v1 =	vld.idx.msk [tilespmem:v1+s22+$0x0], $0xffff;
	_ =	sdelay $0x4  }
0x188: {  	[tilespmem:v2+s12+$0x0] =	vst.idx.add.f32.msk $0xffff, v1  }
0x189: {  	v1 =	vld [tilespmem:$0x10];
	_ =	sdelay $0x4  }
0x18a: {  	v2 =	vld [tilespmem:$0x150];
	_ =	sdelay $0x2  }
0x18b: {  	v1 =	vld.idx.msk [tilespmem:v1+s22+$0x0], $0xffff;
	_ =	sdelay $0x4  }
0x18c: {  	[tilespmem:v2+s12+$0x0] =	vst.idx.add.f32.msk $0xffff, v1  }
0x18d: {  	v1 =	vld [tilespmem:$0x20];
	_ =	sdelay $0x4  }
0x18e: {  	v2 =	vld [tilespmem:$0x160];
	_ =	sdelay $0x2  }
0x18f: {  	v1 =	vld.idx.msk [tilespmem:v1+s22+$0x0], $0xffff;
	_ =	sdelay $0x4  }
0x190: {  	[tilespmem:v2+s12+$0x0] =	vst.idx.add.f32.msk $0xffff, v1  }
0x191: {  	v1 =	vld [tilespmem:$0x30];
	_ =	sdelay $0x4  }
0x192: {  	v2 =	vld [tilespmem:$0x170];
	_ =	sdelay $0x2  }
0x193: {  	v1 =	vld.idx.msk [tilespmem:v1+s22+$0x0], $0xffff;
	_ =	sdelay $0x4  }
0x194: {  	[tilespmem:v2+s12+$0x0] =	vst.idx.add.f32.msk $0xffff, v1  }
0x195: {  	v1 =	vld [tilespmem:$0x40];
	_ =	sdelay $0x4  }
0x196: {  	v2 =	vld [tilespmem:$0x180];
	_ =	sdelay $0x2  }
0x197: {  	p0 =	sne.s32 s18, $0x488;
	v1 =	vld.idx.msk [tilespmem:v1+s22+$0x0], $0xffff  }
.Ltmp2:
0x198: {  	_ = 	snop;
	(pc) =	sbr.rel @p0 .LBB2_6-.Ltmp2, $2  }
0x199: {  	_ =	sdelay $0x2  }
0x19a: {  	s19 =	sadd.s32 $0x140, s19;
	s18 =	sadd.s32 $0x28, s18;
	[tilespmem:v2+s12+$0x0] =	vst.idx.add.f32.msk $0xffff, v1  }
0x19b: {  	_ =	swait.ge [sflag:s13], $0x50  }
0x19c: {  	[sflag:s13] =	ssyncset.done $0x0  }
0x19d: {  	[sflag:s13] =	ssyncadd.s32 $0xFFFFFFB0  }
0x19e: {  	_ =	swait.ge [sflag:s13], $0x50  }
0x19f: {  	[sflag:s13] =	ssyncset.done $0x0  }
0x1a0: {  	[sflag:s13] =	ssyncadd.s32 $0xFFFFFFB0  }
0x1a1: {  	_ =	swait.ge [sflag:s9], $0x2800  }
0x1a2: {  	[sflag:s9] =	ssyncset.done $0x0  }
0x1a3: {  	[sflag:s9] =	ssyncadd.s32 $0xFFFFD800  }
0x1a4: {  	[tilespmem:s31], [sflag:$0x1] =	stream.indirect.gather [hbm4b:s1+s25], $0x80, s28, s25, $0xb8;
	[tilespmem:$0x1E5A0] =	vst v63  }
0x1a5: {  	s7 =	rddreg [dreg:$0x14]  }
0x1a6: {  	[tilespmem:s4], [sflag:$0x3] =	stream.linear.gather [hbm4b:s7+s4], $0x50, $0x38;
	[tilespmem:$0x1E5A0] =	vst v63  }
0x1a7: {  	s21 =	rddreg [dreg:$0x15]  }
0x1a8: {  	[tilespmem:s23], [sflag:$0x3] =	stream.linear.gather [hbm4b:s21+s4], $0x50, $0x38;
	[tilespmem:$0x1E5A0] =	vst v63  }
0x1a9: {  	_ =	swait.ge [sflag:s14], $0x2800  }
0x1aa: {  	[sflag:s14] =	ssyncset.done $0x0  }
0x1ab: {  	[sflag:s14] =	ssyncadd.s32 $0xFFFFD800  }
0x1ac: {  	[spmem:s2] =	stream.indirect.scatter.add.f32 [tilespmem:s3], [sflag:$0x8], $0x80, s26, s25, $0xb8;
	[tilespmem:$0x1E5A0] =	vst v63  }
0x1ad: {  	v1 =	vld [tilespmem:$0x50];
	_ =	sdelay $0x4  }
0x1ae: {  	v2 =	vld [tilespmem:$0x190];
	_ =	sdelay $0x2  }
0x1af: {  	v1 =	vld.idx.msk [tilespmem:v1+s22+$0x0], $0xffff;
	_ =	sdelay $0x4  }
0x1b0: {  	[tilespmem:v2+s12+$0x0] =	vst.idx.add.f32.msk $0xffff, v1  }
0x1b1: {  	v1 =	vld [tilespmem:$0x60];
	_ =	sdelay $0x4  }
0x1b2: {  	v2 =	vld [tilespmem:$0x1A0];
	_ =	sdelay $0x2  }
0x1b3: {  	v1 =	vld.idx.msk [tilespmem:v1+s22+$0x0], $0xffff;
	_ =	sdelay $0x4  }
0x1b4: {  	[tilespmem:v2+s12+$0x0] =	vst.idx.add.f32.msk $0xffff, v1  }
0x1b5: {  	v1 =	vld [tilespmem:$0x70];
	_ =	sdelay $0x4  }
0x1b6: {  	v2 =	vld [tilespmem:$0x1B0];
	_ =	sdelay $0x2  }
0x1b7: {  	v1 =	vld.idx.msk [tilespmem:v1+s22+$0x0], $0xffff;
	_ =	sdelay $0x4  }
0x1b8: {  	[tilespmem:v2+s12+$0x0] =	vst.idx.add.f32.msk $0xffff, v1  }
0x1b9: {  	v1 =	vld [tilespmem:$0x80];
	_ =	sdelay $0x4  }
0x1ba: {  	v2 =	vld [tilespmem:$0x1C0];
	_ =	sdelay $0x2  }
0x1bb: {  	v1 =	vld.idx.msk [tilespmem:v1+s22+$0x0], $0xffff;
	_ =	sdelay $0x4  }
0x1bc: {  	[tilespmem:v2+s12+$0x0] =	vst.idx.add.f32.msk $0xffff, v1  }
0x1bd: {  	v1 =	vld [tilespmem:$0x90];
	_ =	sdelay $0x4  }
0x1be: {  	v2 =	vld [tilespmem:$0x1D0];
	_ =	sdelay $0x2  }
0x1bf: {  	v1 =	vld.idx.msk [tilespmem:v1+s22+$0x0], $0xffff;
	_ =	sdelay $0x4  }
0x1c0: {  	[tilespmem:v2+s12+$0x0] =	vst.idx.add.f32.msk $0xffff, v1  }
0x1c1: {  	_ =	swait.ge [sflag:s15], $0x50  }
0x1c2: {  	[sflag:s15] =	ssyncset.done $0x0  }
0x1c3: {  	[sflag:s15] =	ssyncadd.s32 $0xFFFFFFB0  }
0x1c4: {  	_ =	swait.ge [sflag:s15], $0x50  }
0x1c5: {  	[sflag:s15] =	ssyncset.done $0x0  }
0x1c6: {  	[sflag:s15] =	ssyncadd.s32 $0xFFFFFFB0  }
0x1c7: {  	_ =	swait.ge [sflag:s10], $0x2800  }
0x1c8: {  	[sflag:s10] =	ssyncset.done $0x0  }
0x1c9: {  	[sflag:s10] =	ssyncadd.s32 $0xFFFFD800  }
0x1ca: {  	[tilespmem:s3], [sflag:$0x2] =	stream.indirect.gather [hbm4b:s1+s25], $0x80, s6, s25, $0xb8;
	[tilespmem:$0x1E5A0] =	vst v63  }
0x1cb: {  	_ =	swait.ge [sflag:s11], $0x2800  }
0x1cc: {  	[sflag:s11] =	ssyncset.done $0x0  }
0x1cd: {  	[sflag:s11] =	ssyncadd.s32 $0xFFFFD800  }
0x1ce: {  	[spmem:s2] =	stream.indirect.scatter.add.f32 [tilespmem:s31], [sflag:$0x7], $0x80, s29, s25, $0xb8;
	[tilespmem:$0x1E5A0] =	vst v63  }
0x1cf: {  	v1 =	vld [tilespmem:$0xA0];
	_ =	sdelay $0x4  }
0x1d0: {  	v2 =	vld [tilespmem:$0x1E0];
	_ =	sdelay $0x2  }
0x1d1: {  	v1 =	vld.idx.msk [tilespmem:v1+s22+$0x0], $0xffff;
	_ =	sdelay $0x4  }
0x1d2: {  	[tilespmem:v2+s12+$0x0] =	vst.idx.add.f32.msk $0xffff, v1  }
0x1d3: {  	v1 =	vld [tilespmem:$0xB0];
	_ =	sdelay $0x4  }
0x1d4: {  	v2 =	vld [tilespmem:$0x1F0];
	_ =	sdelay $0x2  }
0x1d5: {  	v1 =	vld.idx.msk [tilespmem:v1+s22+$0x0], $0xffff;
	_ =	sdelay $0x4  }
0x1d6: {  	[tilespmem:v2+s12+$0x0] =	vst.idx.add.f32.msk $0xffff, v1  }
0x1d7: {  	v1 =	vld [tilespmem:$0xC0];
	_ =	sdelay $0x4  }
0x1d8: {  	v2 =	vld [tilespmem:$0x200];
	_ =	sdelay $0x2  }
0x1d9: {  	v1 =	vld.idx.msk [tilespmem:v1+s22+$0x0], $0xffff;
	_ =	sdelay $0x4  }
0x1da: {  	[tilespmem:v2+s12+$0x0] =	vst.idx.add.f32.msk $0xffff, v1  }
0x1db: {  	v1 =	vld [tilespmem:$0xD0];
	_ =	sdelay $0x4  }
0x1dc: {  	v2 =	vld [tilespmem:$0x210];
	_ =	sdelay $0x2  }
0x1dd: {  	v1 =	vld.idx.msk [tilespmem:v1+s22+$0x0], $0xffff;
	_ =	sdelay $0x4  }
0x1de: {  	[tilespmem:v2+s12+$0x0] =	vst.idx.add.f32.msk $0xffff, v1  }
0x1df: {  	v1 =	vld [tilespmem:$0xE0];
	_ =	sdelay $0x4  }
0x1e0: {  	v2 =	vld [tilespmem:$0x220];
	_ =	sdelay $0x2  }
0x1e1: {  	v1 =	vld.idx.msk [tilespmem:v1+s22+$0x0], $0xffff;
	_ =	sdelay $0x4  }
0x1e2: {  	[tilespmem:v2+s12+$0x0] =	vst.idx.add.f32.msk $0xffff, v1  }
0x1e3: {  	_ =	swait.ge [sflag:s24], $0x50  }
0x1e4: {  	[sflag:s24] =	ssyncset.done $0x0  }
0x1e5: {  	[sflag:s24] =	ssyncadd.s32 $0xFFFFFFB0  }
0x1e6: {  	_ =	swait.ge [sflag:s24], $0x50  }
0x1e7: {  	[sflag:s24] =	ssyncset.done $0x0  }
0x1e8: {  	[sflag:s24] =	ssyncadd.s32 $0xFFFFFFB0  }
0x1e9: {  	_ =	swait.ge [sflag:s9], $0x2800  }
0x1ea: {  	[sflag:s9] =	ssyncset.done $0x0  }
0x1eb: {  	[sflag:s9] =	ssyncadd.s32 $0xFFFFD800  }
0x1ec: {  	[tilespmem:s31], [sflag:$0x1] =	stream.indirect.gather [hbm4b:s1+s25], $0x80, s4, s25, $0xb8;
	[tilespmem:$0x1E5A0] =	vst v63  }
0x1ed: {  	_ =	swait.ge [sflag:s14], $0x2800  }
0x1ee: {  	[sflag:s14] =	ssyncset.done $0x0  }
0x1ef: {  	[sflag:s14] =	ssyncadd.s32 $0xFFFFD800  }
0x1f0: {  	[spmem:s2] =	stream.indirect.scatter.add.f32 [tilespmem:s3], [sflag:$0x8], $0x80, s8, s25, $0xb8;
	[tilespmem:$0x1E5A0] =	vst v63  }
0x1f1: {  	v1 =	vld [tilespmem:$0xF0];
	_ =	sdelay $0x4  }
0x1f2: {  	v2 =	vld [tilespmem:$0x230];
	_ =	sdelay $0x2  }
0x1f3: {  	v1 =	vld.idx.msk [tilespmem:v1+s22+$0x0], $0xffff;
	_ =	sdelay $0x4  }
0x1f4: {  	[tilespmem:v2+s12+$0x0] =	vst.idx.add.f32.msk $0xffff, v1  }
0x1f5: {  	v1 =	vld [tilespmem:$0x100];
	_ =	sdelay $0x4  }
0x1f6: {  	v2 =	vld [tilespmem:$0x240];
	_ =	sdelay $0x2  }
0x1f7: {  	v1 =	vld.idx.msk [tilespmem:v1+s22+$0x0], $0xffff;
	_ =	sdelay $0x4  }
0x1f8: {  	[tilespmem:v2+s12+$0x0] =	vst.idx.add.f32.msk $0xffff, v1  }
0x1f9: {  	v1 =	vld [tilespmem:$0x110];
	_ =	sdelay $0x4  }
0x1fa: {  	v2 =	vld [tilespmem:$0x250];
	_ =	sdelay $0x2  }
0x1fb: {  	v1 =	vld.idx.msk [tilespmem:v1+s22+$0x0], $0xffff;
	_ =	sdelay $0x4  }
0x1fc: {  	[tilespmem:v2+s12+$0x0] =	vst.idx.add.f32.msk $0xffff, v1  }
0x1fd: {  	v1 =	vld [tilespmem:$0x120];
	_ =	sdelay $0x4  }
0x1fe: {  	v2 =	vld [tilespmem:$0x260];
	_ =	sdelay $0x2  }
0x1ff: {  	v1 =	vld.idx.msk [tilespmem:v1+s22+$0x0], $0xffff;
	_ =	sdelay $0x4  }
0x200: {  	[tilespmem:v2+s12+$0x0] =	vst.idx.add.f32.msk $0xffff, v1  }
0x201: {  	v1 =	vld [tilespmem:$0x130];
	_ =	sdelay $0x4  }
0x202: {  	v2 =	vld [tilespmem:$0x270];
	_ =	sdelay $0x2  }
0x203: {  	v1 =	vld.idx.msk [tilespmem:v1+s22+$0x0], $0xffff;
	_ =	sdelay $0x4  }
0x204: {  	[tilespmem:v2+s12+$0x0] =	vst.idx.add.f32.msk $0xffff, v1  }
0x205: {  	_ =	swait.ge [sflag:s10], $0x2800  }
0x206: {  	[sflag:s10] =	ssyncset.done $0x0  }
0x207: {  	[sflag:s10] =	ssyncadd.s32 $0xFFFFD800  }
0x208: {  	_ =	swait.ge [sflag:s11], $0x2800  }
0x209: {  	[sflag:s11] =	ssyncset.done $0x0  }
0x20a: {  	[sflag:s11] =	ssyncadd.s32 $0xFFFFD800  }
0x20b: {  	[spmem:s2] =	stream.indirect.scatter.add.f32 [tilespmem:s31], [sflag:$0x7], $0x80, s23, s25, $0xb8;
	[tilespmem:$0x1E5A0] =	vst v63  }
0x20c: {  	v1 =	vld [tilespmem:$0x0];
	_ =	sdelay $0x4  }
0x20d: {  	v2 =	vld [tilespmem:$0x140];
	_ =	sdelay $0x2  }
0x20e: {  	v1 =	vld.idx.msk [tilespmem:v1+s22+$0x0], $0xffff;
	_ =	sdelay $0x4  }
0x20f: {  	[tilespmem:v2+s12+$0x0] =	vst.idx.add.f32.msk $0xffff, v1  }
0x210: {  	v1 =	vld [tilespmem:$0x10];
	_ =	sdelay $0x4  }
0x211: {  	v2 =	vld [tilespmem:$0x150];
	_ =	sdelay $0x2  }
0x212: {  	v1 =	vld.idx.msk [tilespmem:v1+s22+$0x0], $0xffff;
	_ =	sdelay $0x4  }
0x213: {  	[tilespmem:v2+s12+$0x0] =	vst.idx.add.f32.msk $0xffff, v1  }
0x214: {  	v1 =	vld [tilespmem:$0x20];
	_ =	sdelay $0x4  }
0x215: {  	v2 =	vld [tilespmem:$0x160];
	_ =	sdelay $0x2  }
0x216: {  	v1 =	vld.idx.msk [tilespmem:v1+s22+$0x0], $0xffff;
	_ =	sdelay $0x4  }
0x217: {  	[tilespmem:v2+s12+$0x0] =	vst.idx.add.f32.msk $0xffff, v1  }
0x218: {  	v1 =	vld [tilespmem:$0x30];
	_ =	sdelay $0x4  }
0x219: {  	v2 =	vld [tilespmem:$0x170];
	_ =	sdelay $0x2  }
0x21a: {  	v1 =	vld.idx.msk [tilespmem:v1+s22+$0x0], $0xffff;
	_ =	sdelay $0x4  }
0x21b: {  	[tilespmem:v2+s12+$0x0] =	vst.idx.add.f32.msk $0xffff, v1  }
0x21c: {  	v1 =	vld [tilespmem:$0x40];
	_ =	sdelay $0x4  }
0x21d: {  	v2 =	vld [tilespmem:$0x180];
	_ =	sdelay $0x2  }
0x21e: {  	v1 =	vld.idx.msk [tilespmem:v1+s22+$0x0], $0xffff;
	_ =	sdelay $0x4  }
0x21f: {  	[tilespmem:v2+s12+$0x0] =	vst.idx.add.f32.msk $0xffff, v1  }
0x220: {  	_ =	swait.ge [sflag:s9], $0x2800  }
0x221: {  	[sflag:s9] =	ssyncset.done $0x0  }
0x222: {  	s18 =	rddreg [dreg:$0x16];
	[sflag:s9] =	ssyncadd.s32 $0xFFFFD800  }
0x223: {  	[hbm4b:s18+s4] =	stream.linear.scatter [tilespmem:s12], [sflag:$0x9], $0x2710, $0x38;
	[tilespmem:$0x1E5A0] =	vst v63  }
0x224: {  	_ =	swait.ge [sflag:s16], $0x2710  }
0x225: {  	[sflag:s16] =	ssyncset.done $0x0  }
0x226: {  	[sflag:s16] =	ssyncadd.s32 $0xFFFFD8F0  }
0x227: {  	s19 =	stileid.u32;
	[bflag:$0x0] =	sbarrier.arrive $0xFFFF  }
0x228: {  	s7 =	sshll.u32 s19, $0x6;
	s18 =	rddreg [dreg:$0x17]  }
0x229: {  	s7 =	sor.u32 $0x1C09, s7;
	s19 =	rddreg [dreg:$0x1d]  }
0x22a: {  	[hbm:s18], [sflag:s7] =	dma.local [spmem:s19], $0x2710  }
0x22b: {  	_ =	swait.ge [sflag:s16], $0x2710  }
0x22c: {  	s17 =	sadd.s32 $0x1, s17;
	s21 =	rddreg [dreg:$0x18]  }
0x22d: {  	p0 =	sne.s32 s17, s21  }
.Ltmp3:
0x22e: {  	_ = 	snop;
	(pc) =	sbr.rel @p0 .LBB2_1-.Ltmp3, $3  }
0x22f: {  	_ =	sdelay $0x1  }
0x230: {  	[sflag:s16] =	ssyncset.done $0x0  }
0x231: {  	[sflag:s16] =	ssyncadd.s32 $0xFFFFD8F0  }
0x232: {  	_ =	sfence.sel $0x180000  }
0x233: {  	[bflag:$0x0] =	sbarrier.arrive $0xFFFF  }
0x234: {  	_ =	strace $0x90000047  }
0x235: {  	s0 =	stileid.u32;
	[bflag:$0x2] =	sbarrier.arrive $0xFFFF  }
0x236: {  	p0 =	sne.s32 s0, $0x0;
	s0 =	rddreg [dreg:$0x3]  }
0x237: {  	s0 =	sadd.s32 @!p0 $0x100000, s0  }
0x238: {  	[sflag:s0] =	ssyncadd.tile.s32 @!p0 $0x1;
	_ =	shalt  }
.Lfunc_end2:
_tile_overlayer_lowered:
.L_overlay_start_2:
0x239: {  	(tag) =	ssettag $0x2  }
0x23a: {  	s0 =	rddreg [dreg:$0x0];
	s2 =	stileid.u32  }
0x23b: {  	s1 =	rddreg [dreg:$0x1];
	p0 =	sne.s32 s2, $0x0  }
0x23c: {  	s3 =	rddreg [dreg:$0x2];
	[bflag:$0x3] =	sbarrier.arrive $0xFFFF;
	s2 =	simm.s32 @!p0 $0x1C09  }
0x23d: {  	[timem:s3], [sflag:s2] =	dma.local @!p0 [hbm:s0], s1  }
0x23e: {  	s0 =	simm.s32 @!p0 $0x9  }
0x23f: {  	_ =	swait.ge @!p0 [sflag:s0], s1  }
0x240: {  	s1 =	ssub.s32 @!p0 $0x0, s1;
	[sflag:s0] =	ssyncset.done @!p0 $0x0  }
0x241: {  	[sflag:s0] =	ssyncadd.s32 @!p0 s1  }
0x242: {  	[bflag:$0x3] =	sbarrier.arrive $0xFFFF  }
0x243: {  	_ =	shalt  }

</sc_bundles>
